<compile_context>
chip_gen: v7x
topology: tpu7x:2x2x1
jax: 0.10.2.dev20260603
libtpu: 0.0.44.dev20260713+nightly
codegen_flags: <defaults>
</compile_context>

<pallas_src>
import functools

import jax
import jax.numpy as jnp
from jax import lax
from jax.experimental import pallas as pl
from jax.experimental.pallas import tpu as pltpu
from jax.experimental.pallas import tpu_sc as plsc

_N = 10000
_E = 320000
_H = 128

_NCORE = 2
_NSUB = 16
_NTILE = _NCORE * _NSUB
_K = 80
_EPW = _E // _NTILE
_NCHUNK = _EPW // _K
_ROWS_PER_SUB = 632
_NPAD = _ROWS_PER_SUB * _NSUB
_CPAD = 640 * _NSUB

_mesh = plsc.VectorSubcoreMesh(core_axis_name="c", subcore_axis_name="s")


def _sc_agg_body(with_cnt, *refs):
    if with_cnt:
        (h_hbm, pk_hbm, zrow_hbm, zcnt_hbm,
         agg_out, cnt_out, pk_v, sb0, db0, sb1, db1, r0, r1, ones_v,
         agg_sh, cnt_sh, s0, s1) = refs
    else:
        (h_hbm, pk_hbm, zrow_hbm,
         agg_out, pk_v, sb0, db0, sb1, db1, r0, r1,
         agg_sh, s0, s1) = refs
    c = lax.axis_index("c")
    s = lax.axis_index("s")
    wid = c * _NSUB + s

    pltpu.sync_copy(zrow_hbm, agg_sh.at[pl.ds(s * _ROWS_PER_SUB, _ROWS_PER_SUB)])
    if with_cnt:
        pltpu.sync_copy(zcnt_hbm, cnt_sh.at[pl.ds(s * 640, 640)])
        for j in range(_K // 16):
            ones_v[pl.ds(j * 16, 16)] = jnp.full((16,), 1.0, jnp.float32)

    pltpu.sync_copy(pk_hbm.at[wid], pk_v)
    plsc.subcore_barrier()

    def unpack(ch, sb, db):
        for j in range(_K // 16):
            w = pk_v[ch, pl.ds(j * 16, 16)]
            sb[pl.ds(j * 16, 16)] = w & 0xFFFF
            db[pl.ds(j * 16, 16)] = w >> 16

    def scat(b, db):
        pltpu.sync_copy(b, agg_sh.at[db], add=True)
        if with_cnt:
            pltpu.sync_copy(ones_v, cnt_sh.at[db], add=True)

    unpack(0, sb0, db0)
    pltpu.async_copy(h_hbm.at[sb0], r0, s0)

    def pair(p, carry):
        unpack(2 * p + 1, sb1, db1)
        pltpu.async_copy(h_hbm.at[sb1], r1, s1)
        pltpu.make_async_copy(h_hbm.at[sb0], r0, s0).wait()
        scat(r0, db0)
        unpack(2 * p + 2, sb0, db0)
        pltpu.async_copy(h_hbm.at[sb0], r0, s0)
        pltpu.make_async_copy(h_hbm.at[sb1], r1, s1).wait()
        scat(r1, db1)
        return carry

    lax.fori_loop(0, (_NCHUNK - 1) // 2, pair, 0)
    pltpu.make_async_copy(h_hbm.at[sb0], r0, s0).wait()
    scat(r0, db0)
    plsc.subcore_barrier()

    rs = pl.ds(s * _ROWS_PER_SUB, _ROWS_PER_SUB)
    pltpu.sync_copy(agg_sh.at[rs], agg_out.at[c, rs])
    if with_cnt:
        cs = pl.ds(s * 640, 640)
        pltpu.sync_copy(cnt_sh.at[cs], cnt_out.at[c, cs])


def _row_bufs():
    return [pltpu.VMEM((_K, _H), jnp.float32),
            pltpu.VMEM((_K, _H), jnp.float32)]


_sc_agg_cnt = functools.partial(
    pl.kernel,
    out_type=(
        jax.ShapeDtypeStruct((_NCORE, _NPAD, _H), jnp.float32),
        jax.ShapeDtypeStruct((_NCORE, _CPAD), jnp.float32),
    ),
    mesh=_mesh,
    scratch_types=[
        pltpu.VMEM((_NCHUNK, _K), jnp.int32),
        pltpu.VMEM((_K,), jnp.int32),
        pltpu.VMEM((_K,), jnp.int32),
        pltpu.VMEM((_K,), jnp.int32),
        pltpu.VMEM((_K,), jnp.int32),
        *_row_bufs(),
        pltpu.VMEM((_K,), jnp.float32),
        pltpu.VMEM_SHARED((_NPAD, _H), jnp.float32),
        pltpu.VMEM_SHARED((_CPAD,), jnp.float32),
        pltpu.SemaphoreType.DMA,
        pltpu.SemaphoreType.DMA,
    ],
)(functools.partial(_sc_agg_body, True))

_sc_agg = functools.partial(
    pl.kernel,
    out_type=jax.ShapeDtypeStruct((_NCORE, _NPAD, _H), jnp.float32),
    mesh=_mesh,
    scratch_types=[
        pltpu.VMEM((_NCHUNK, _K), jnp.int32),
        pltpu.VMEM((_K,), jnp.int32),
        pltpu.VMEM((_K,), jnp.int32),
        pltpu.VMEM((_K,), jnp.int32),
        pltpu.VMEM((_K,), jnp.int32),
        *_row_bufs(),
        pltpu.VMEM_SHARED((_NPAD, _H), jnp.float32),
        pltpu.SemaphoreType.DMA,
        pltpu.SemaphoreType.DMA,
    ],
)(functools.partial(_sc_agg_body, False))


_BN = 1000


def _tc_layer_body(p0, p1, c0, c1, h, wl, bl, wr, out):
    cnt = c0[...] + c1[...]
    inv = 1.0 / jnp.maximum(cnt, 1.0)
    mean = (p0[0] + p1[0]) * inv
    acc = jnp.dot(mean, wl[...], preferred_element_type=jnp.float32)
    acc += jnp.dot(h[...], wr[...], preferred_element_type=jnp.float32)
    out[...] = jnp.maximum(acc + bl[...], 0.0)


_p0spec = pl.BlockSpec((1, _BN, _H), lambda i: (0, i, 0))
_p1spec = pl.BlockSpec((1, _BN, _H), lambda i: (1, i, 0))


def _tc_layer(agg, c0, c1, h, wl, bl, wr):
    nb = _N // _BN
    big = pl.BlockSpec((_BN, _H), lambda i: (i, 0))
    col = pl.BlockSpec((_BN, 1), lambda i: (i, 0))
    wspec = pl.BlockSpec((_H, _H), lambda i: (0, 0))
    bspec = pl.BlockSpec((1, _H), lambda i: (0, 0))
    return pl.pallas_call(
        _tc_layer_body,
        grid=(nb,),
        in_specs=[_p0spec, _p1spec, col, col, big, wspec, bspec, wspec],
        out_specs=big,
        out_shape=jax.ShapeDtypeStruct((_N, _H), jnp.float32),
    )(agg, agg, c0, c1, h, wl, bl, wr)


def _tc_layer3_head_body(p0, p1, c0, c1, h, wl, bl, wr, w1, b1, w2, b2, out):
    cnt = c0[...] + c1[...]
    inv = 1.0 / jnp.maximum(cnt, 1.0)
    mean = (p0[0] + p1[0]) * inv
    acc = jnp.dot(mean, wl[...], preferred_element_type=jnp.float32)
    acc += jnp.dot(h[...], wr[...], preferred_element_type=jnp.float32)
    h3 = jnp.maximum(acc + bl[...], 0.0)
    t = jnp.maximum(
        jnp.dot(h3, w1[...], preferred_element_type=jnp.float32) + b1[...], 0.0)
    out[...] = jnp.dot(t, w2[...], preferred_element_type=jnp.float32) + b2[...]


def _tc_layer3_head(agg, c0, c1, h, wl, bl, wr, w1, b1, w2, b2):
    nb = _N // _BN
    big = pl.BlockSpec((_BN, _H), lambda i: (i, 0))
    col = pl.BlockSpec((_BN, 1), lambda i: (i, 0))
    full = lambda a: pl.BlockSpec(a.shape, lambda i: tuple(0 for _ in a.shape))
    return pl.pallas_call(
        _tc_layer3_head_body,
        grid=(nb,),
        in_specs=[_p0spec, _p1spec, col, col, big, full(wl), full(bl), full(wr),
                  full(w1), full(b1), full(w2), full(b2)],
        out_specs=pl.BlockSpec((_BN, 2), lambda i: (i, 0)),
        out_shape=jax.ShapeDtypeStruct((_N, 2), jnp.float32),
    )(agg, agg, c0, c1, h, wl, bl, wr, w1, b1, w2, b2)


def kernel(x, edge_index, Wl0, bl0, Wr0, Wl1, bl1, Wr1, Wl2, bl2, Wr2,
           W1, b1, W2, b2):
    pk = (edge_index[1] << 16) | edge_index[0]
    pk = pk.reshape(_NTILE, _NCHUNK, _K)
    zrow = jnp.zeros((_ROWS_PER_SUB, _H), jnp.float32)
    zcnt = jnp.zeros((640,), jnp.float32)
    bl0r, bl1r, bl2r = (b.reshape(1, -1) for b in (bl0, bl1, bl2))
    b1r = b1.reshape(1, -1)
    b2r = b2.reshape(1, -1)

    agg, cnt = _sc_agg_cnt(x, pk, zrow, zcnt)
    c0 = cnt[0, :_N].reshape(_N, 1)
    c1 = cnt[1, :_N].reshape(_N, 1)
    h1 = _tc_layer(agg, c0, c1, x, Wl0, bl0r, Wr0)
    agg = _sc_agg(h1, pk, zrow)
    h2 = _tc_layer(agg, c0, c1, h1, Wl1, bl1r, Wr1)
    agg = _sc_agg(h2, pk, zrow)
    return _tc_layer3_head(agg, c0, c1, h2, Wl2, bl2r, Wr2,
                           W1, b1r, W2, b2r)

# --- scband reference (transcript-rebuilt; emitter-appended) ---
"""Pipeline reference for scband-gnntthreat-model-43980465111512 (READ-ONLY COPY).

The authoritative reference and input builder live on the scoring server;
editing this copy changes nothing except your own understanding.
"""

import jax, jax.numpy as jnp
import numpy as np

N = 10000
E = 320000
D_IN = 128
H = 128
OUT = 2

def setup_inputs(seed: int = 0):
    key = jax.random.key(seed)
    ks = jax.random.split(key, 16)
    inp = {}
    inp["x"] = jax.random.normal(ks[0], (N, D_IN), dtype=jnp.float32)
    inp["edge_index"] = jax.random.randint(ks[1], (2, E), 0, N, dtype=jnp.int32)
    dims = [(D_IN, H), (H, H), (H, H)]
    for i, (din, dout) in enumerate(dims):
        inp["Wl%d" % i] = jax.random.normal(ks[2 + 3 * i], (din, dout), dtype=jnp.float32) * 0.05
        inp["bl%d" % i] = jnp.zeros((dout,), dtype=jnp.float32)
        inp["Wr%d" % i] = jax.random.normal(ks[3 + 3 * i], (din, dout), dtype=jnp.float32) * 0.05
    inp["W1"] = jax.random.normal(ks[12], (H, H // 2), dtype=jnp.float32) * 0.05
    inp["b1"] = jnp.zeros((H // 2,), dtype=jnp.float32)
    inp["W2"] = jax.random.normal(ks[13], (H // 2, OUT), dtype=jnp.float32) * 0.05
    inp["b2"] = jnp.zeros((OUT,), dtype=jnp.float32)
    return inp

def _sage_conv(h, src, dst, Wl, bl, Wr):
    # PyG SAGEConv(aggr='mean'): out = lin_l(mean_{j in N(i)} x_j) + lin_r(x_i)
    msg = jnp.take(h, src, axis=0)
    agg = jax.ops.segment_sum(msg, dst, num_segments=N)
    cnt = jax.ops.segment_sum(jnp.ones((src.shape[0],), dtype=h.dtype), dst, num_segments=N)
    mean = agg / jnp.clip(cnt, 1.0)[:, None]
    return mean @ Wl + bl + h @ Wr

def reference(x, edge_index, Wl0, bl0, Wr0, Wl1, bl1, Wr1, Wl2, bl2, Wr2, W1, b1, W2, b2):
    src = edge_index[0]
    dst = edge_index[1]
    h = x
    for (Wl, bl, Wr) in ((Wl0, bl0, Wr0), (Wl1, bl1, Wr1), (Wl2, bl2, Wr2)):
        h = jax.nn.relu(_sage_conv(h, src, dst, Wl, bl, Wr))
        # dropout is identity in eval mode
    h = jax.nn.relu(h @ W1 + b1)
    return h @ W2 + b2

if __name__ == "__main__":
    import jax
    _d = setup_inputs()
    print(jax.jit(kernel)(*tuple(_d.values())))

</pallas_src>

<mosaic_0001>
#map = affine_map<(d0, d1) -> (0, 0)>
#map1 = affine_map<(d0, d1) -> (0, 0, 0)>
#map2 = affine_map<(d0, d1) -> (0)>
module attributes {stable_mosaic.version = 14 : i64} {
  func.func @_sc_agg_body(%arg0: i32, %arg1: i32, %arg2: memref<10000x128xf32, #tpu.memory_space<hbm>>, %arg3: memref<32x125x80xi32, #tpu.memory_space<hbm>>, %arg4: memref<632x128xf32, #tpu.memory_space<hbm>>, %arg5: memref<640xf32, #tpu.memory_space<hbm>>, %arg6: memref<2x10112x128xf32, #tpu.memory_space<hbm>>, %arg7: memref<2x10240xf32, #tpu.memory_space<hbm>>, %arg8: memref<125x80xi32, #tpu.memory_space<vmem>>, %arg9: memref<80xi32, #tpu.memory_space<vmem>>, %arg10: memref<80xi32, #tpu.memory_space<vmem>>, %arg11: memref<80xi32, #tpu.memory_space<vmem>>, %arg12: memref<80xi32, #tpu.memory_space<vmem>>, %arg13: memref<80x128xf32, #tpu.memory_space<vmem>>, %arg14: memref<80x128xf32, #tpu.memory_space<vmem>>, %arg15: memref<80xf32, #tpu.memory_space<vmem>>, %arg16: memref<10112x128xf32, #tpu.memory_space<vmem_shared>>, %arg17: memref<10240xf32, #tpu.memory_space<vmem_shared>>, %arg18: memref<!tpu.dma_semaphore, #tpu.memory_space<semaphore_mem>>, %arg19: memref<!tpu.dma_semaphore, #tpu.memory_space<semaphore_mem>>) attributes {dimension_semantics = [#tpu.dimension_semantics<core_parallel>, #tpu.dimension_semantics<subcore_parallel>], iteration_bounds = array<i64: 2, 16>, scalar_prefetch = 0 : i64, scratch_operands = 12 : i64, tpu.core_type = #tpu.core_type<sc_vector_subcore>, window_params = [{transform_indices = #map}, {transform_indices = #map1}, {transform_indices = #map}, {transform_indices = #map2}, {transform_indices = #map1}, {transform_indices = #map}]} {
    %mul3A = arith.constant 16 : i32
    %mul3A_0 = arith.muli %arg0, %mul3A : i32
    %add3A = arith.addi %mul3A_0, %arg1 : i32
    %mul3A_1 = arith.constant 632 : i32
    %mul3A_2 = arith.muli %arg1, %mul3A_1 : i32
    "tpu.region"() ({
      %run_scoped3A = tpu.sem_alloc : memref<!tpu.dma_semaphore, #tpu.memory_space<semaphore_mem>>
      %dma_start3A_139 = arith.constant 0 : i32
      %dma_start3A_140 = tpu.memref_slice %arg16[%mul3A_2, %dma_start3A_139] : memref<10112x128xf32, #tpu.memory_space<vmem_shared>> -> memref<632x128xf32, #tpu.memory_space<vmem_shared>>
      tpu.enqueue_dma source(%arg4 : memref<632x128xf32, #tpu.memory_space<hbm>>) target(%dma_start3A_140 : memref<632x128xf32, #tpu.memory_space<vmem_shared>>) target_semaphore(%run_scoped3A : memref<!tpu.dma_semaphore, #tpu.memory_space<semaphore_mem>>)
      %dma_wait3A_141 = arith.constant 0 : i32
      %dma_wait3A_142 = tpu.memref_slice %arg16[%mul3A_2, %dma_wait3A_141] : memref<10112x128xf32, #tpu.memory_space<vmem_shared>> -> memref<632x128xf32, #tpu.memory_space<vmem_shared>>
      tpu.wait_dma2 semaphore(%run_scoped3A : memref<!tpu.dma_semaphore, #tpu.memory_space<semaphore_mem>>) src(%arg4 : memref<632x128xf32, #tpu.memory_space<hbm>>) dst(%dma_wait3A_142 : memref<632x128xf32, #tpu.memory_space<vmem_shared>>)
      tpu.yield
    }) : () -> ()
    %mul3A_3 = arith.constant 640 : i32
    %mul3A_4 = arith.muli %arg1, %mul3A_3 : i32
    "tpu.region"() ({
      %run_scoped3A = tpu.sem_alloc : memref<!tpu.dma_semaphore, #tpu.memory_space<semaphore_mem>>
      %dma_start3A_139 = tpu.memref_slice %arg17[%mul3A_4] : memref<10240xf32, #tpu.memory_space<vmem_shared>> -> memref<640xf32, #tpu.memory_space<vmem_shared>>
      tpu.enqueue_dma source(%arg5 : memref<640xf32, #tpu.memory_space<hbm>>) target(%dma_start3A_139 : memref<640xf32, #tpu.memory_space<vmem_shared>>) target_semaphore(%run_scoped3A : memref<!tpu.dma_semaphore, #tpu.memory_space<semaphore_mem>>)
      %dma_wait3A_140 = tpu.memref_slice %arg17[%mul3A_4] : memref<10240xf32, #tpu.memory_space<vmem_shared>> -> memref<640xf32, #tpu.memory_space<vmem_shared>>
      tpu.wait_dma2 semaphore(%run_scoped3A : memref<!tpu.dma_semaphore, #tpu.memory_space<semaphore_mem>>) src(%arg5 : memref<640xf32, #tpu.memory_space<hbm>>) dst(%dma_wait3A_140 : memref<640xf32, #tpu.memory_space<vmem_shared>>)
      tpu.yield
    }) : () -> ()
    %broadcast_in_dim3A = arith.constant 1.000000e+00 : f32
    %broadcast_in_dim3A_5 = vector.broadcast %broadcast_in_dim3A : f32 to vector<16xf32>
    %swap3A = arith.constant 0 : index
    %swap3A_6 = tpu.vector_load %arg15[%swap3A] {strides = array<i32>} : memref<80xf32, #tpu.memory_space<vmem>>, vector<16xf32>,
    %swap3A_7 = vector.shape_cast %swap3A_6 : vector<16xf32> to vector<16xf32>
    %swap3A_8 = vector.shape_cast %broadcast_in_dim3A_5 : vector<16xf32> to vector<16xf32>
    tpu.vector_store %arg15[%swap3A], %swap3A_8 {strides = array<i32>} : memref<80xf32, #tpu.memory_space<vmem>>, vector<16xf32>,
    %broadcast_in_dim3A_9 = arith.constant 1.000000e+00 : f32
    %broadcast_in_dim3A_10 = vector.broadcast %broadcast_in_dim3A_9 : f32 to vector<16xf32>
    %swap3A_11 = arith.constant 16 : index
    %swap3A_12 = tpu.vector_load %arg15[%swap3A_11] {strides = array<i32>} : memref<80xf32, #tpu.memory_space<vmem>>, vector<16xf32>,
    %swap3A_13 = vector.shape_cast %swap3A_12 : vector<16xf32> to vector<16xf32>
    %swap3A_14 = vector.shape_cast %broadcast_in_dim3A_10 : vector<16xf32> to vector<16xf32>
    tpu.vector_store %arg15[%swap3A_11], %swap3A_14 {strides = array<i32>} : memref<80xf32, #tpu.memory_space<vmem>>, vector<16xf32>,
    %broadcast_in_dim3A_15 = arith.constant 1.000000e+00 : f32
    %broadcast_in_dim3A_16 = vector.broadcast %broadcast_in_dim3A_15 : f32 to vector<16xf32>
    %swap3A_17 = arith.constant 32 : index
    %swap3A_18 = tpu.vector_load %arg15[%swap3A_17] {strides = array<i32>} : memref<80xf32, #tpu.memory_space<vmem>>, vector<16xf32>,
    %swap3A_19 = vector.shape_cast %swap3A_18 : vector<16xf32> to vector<16xf32>
    %swap3A_20 = vector.shape_cast %broadcast_in_dim3A_16 : vector<16xf32> to vector<16xf32>
    tpu.vector_store %arg15[%swap3A_17], %swap3A_20 {strides = array<i32>} : memref<80xf32, #tpu.memory_space<vmem>>, vector<16xf32>,
    %broadcast_in_dim3A_21 = arith.constant 1.000000e+00 : f32
    %broadcast_in_dim3A_22 = vector.broadcast %broadcast_in_dim3A_21 : f32 to vector<16xf32>
    %swap3A_23 = arith.constant 48 : index
    %swap3A_24 = tpu.vector_load %arg15[%swap3A_23] {strides = array<i32>} : memref<80xf32, #tpu.memory_space<vmem>>, vector<16xf32>,
    %swap3A_25 = vector.shape_cast %swap3A_24 : vector<16xf32> to vector<16xf32>
    %swap3A_26 = vector.shape_cast %broadcast_in_dim3A_22 : vector<16xf32> to vector<16xf32>
    tpu.vector_store %arg15[%swap3A_23], %swap3A_26 {strides = array<i32>} : memref<80xf32, #tpu.memory_space<vmem>>, vector<16xf32>,
    %broadcast_in_dim3A_27 = arith.constant 1.000000e+00 : f32
    %broadcast_in_dim3A_28 = vector.broadcast %broadcast_in_dim3A_27 : f32 to vector<16xf32>
    %swap3A_29 = arith.constant 64 : index
    %swap3A_30 = tpu.vector_load %arg15[%swap3A_29] {strides = array<i32>} : memref<80xf32, #tpu.memory_space<vmem>>, vector<16xf32>,
    %swap3A_31 = vector.shape_cast %swap3A_30 : vector<16xf32> to vector<16xf32>
    %swap3A_32 = vector.shape_cast %broadcast_in_dim3A_28 : vector<16xf32> to vector<16xf32>
    tpu.vector_store %arg15[%swap3A_29], %swap3A_32 {strides = array<i32>} : memref<80xf32, #tpu.memory_space<vmem>>, vector<16xf32>,
    "tpu.region"() ({
      %run_scoped3A = tpu.sem_alloc : memref<!tpu.dma_semaphore, #tpu.memory_space<semaphore_mem>>
      %dma_start3A_139 = arith.constant 0 : i32
      %dma_start3A_140 = arith.constant 0 : i32
      %dma_start3A_141 = tpu.memref_slice %arg3[%add3A, %dma_start3A_139, %dma_start3A_140] : memref<32x125x80xi32, #tpu.memory_space<hbm>> -> memref<1x125x80xi32, #tpu.memory_space<hbm>>
      %dma_start3A_142 = tpu.memref_squeeze %dma_start3A_141 : memref<1x125x80xi32, #tpu.memory_space<hbm>> -> memref<125x80xi32, #tpu.memory_space<hbm>>
      %dma_start3A_143 = arith.constant 0 : i32
      %dma_start3A_144 = arith.constant 0 : i32
      %dma_start3A_145 = tpu.memref_slice %arg3[%add3A, %dma_start3A_143, %dma_start3A_144] : memref<32x125x80xi32, #tpu.memory_space<hbm>> -> memref<1x125x80xi32, #tpu.memory_space<hbm>>
      %dma_start3A_146 = tpu.memref_squeeze %dma_start3A_145 : memref<1x125x80xi32, #tpu.memory_space<hbm>> -> memref<125x80xi32, #tpu.memory_space<hbm>>
      tpu.enqueue_dma source(%dma_start3A_146 : memref<125x80xi32, #tpu.memory_space<hbm>>) target(%arg8 : memref<125x80xi32, #tpu.memory_space<vmem>>) target_semaphore(%run_scoped3A : memref<!tpu.dma_semaphore, #tpu.memory_space<semaphore_mem>>)
      %dma_wait3A_147 = arith.constant 0 : i32
      %dma_wait3A_148 = arith.constant 0 : i32
      %dma_wait3A_149 = tpu.memref_slice %arg3[%add3A, %dma_wait3A_147, %dma_wait3A_148] : memref<32x125x80xi32, #tpu.memory_space<hbm>> -> memref<1x125x80xi32, #tpu.memory_space<hbm>>
      %dma_wait3A_150 = tpu.memref_squeeze %dma_wait3A_149 : memref<1x125x80xi32, #tpu.memory_space<hbm>> -> memref<125x80xi32, #tpu.memory_space<hbm>>
      %dma_wait3A_151 = arith.constant 0 : i32
      %dma_wait3A_152 = arith.constant 0 : i32
      %dma_wait3A_153 = tpu.memref_slice %arg3[%add3A, %dma_wait3A_151, %dma_wait3A_152] : memref<32x125x80xi32, #tpu.memory_space<hbm>> -> memref<1x125x80xi32, #tpu.memory_space<hbm>>
      %dma_wait3A_154 = tpu.memref_squeeze %dma_wait3A_153 : memref<1x125x80xi32, #tpu.memory_space<hbm>> -> memref<125x80xi32, #tpu.memory_space<hbm>>
      tpu.wait_dma2 semaphore(%run_scoped3A : memref<!tpu.dma_semaphore, #tpu.memory_space<semaphore_mem>>) src(%dma_wait3A_154 : memref<125x80xi32, #tpu.memory_space<hbm>>) dst(%arg8 : memref<125x80xi32, #tpu.memory_space<vmem>>)
      tpu.yield
    }) : () -> ()
    %barrier3A = arith.constant 0 : index
    tpu.barrier barrier_id(%barrier3A)
    %get3A = arith.constant 0 : i32
    %get3A_33 = arith.index_cast %get3A : i32 to index
    %get3A_34 = arith.constant 0 : index
    %get3A_35 = tpu.vector_load %arg8[%get3A_33, %get3A_34] {strides = array<i32>} : memref<125x80xi32, #tpu.memory_space<vmem>>, vector<1x16xi32>,
    %get3A_36 = vector.shape_cast %get3A_35 : vector<1x16xi32> to vector<16xi32>
    %and3A = arith.constant 65535 : i32
    %and3A_37 = vector.broadcast %and3A : i32 to vector<16xi32>
    %and3A_38 = arith.andi %get3A_36, %and3A_37 : vector<16xi32>
    %swap3A_39 = arith.constant 0 : index
    %swap3A_40 = tpu.vector_load %arg9[%swap3A_39] {strides = array<i32>} : memref<80xi32, #tpu.memory_space<vmem>>, vector<16xi32>,
    %swap3A_41 = vector.shape_cast %swap3A_40 : vector<16xi32> to vector<16xi32>
    %swap3A_42 = vector.shape_cast %and3A_38 : vector<16xi32> to vector<16xi32>
    tpu.vector_store %arg9[%swap3A_39], %swap3A_42 {strides = array<i32>} : memref<80xi32, #tpu.memory_space<vmem>>, vector<16xi32>,
    %shift_right_arithmetic3A = arith.constant 16 : i32
    %shift_right_arithmetic3A_43 = vector.broadcast %shift_right_arithmetic3A : i32 to vector<16xi32>
    %shift_right_arithmetic3A_44 = arith.shrsi %get3A_36, %shift_right_arithmetic3A_43 : vector<16xi32>
    %swap3A_45 = arith.constant 0 : index
    %swap3A_46 = tpu.vector_load %arg10[%swap3A_45] {strides = array<i32>} : memref<80xi32, #tpu.memory_space<vmem>>, vector<16xi32>,
    %swap3A_47 = vector.shape_cast %swap3A_46 : vector<16xi32> to vector<16xi32>
    %swap3A_48 = vector.shape_cast %shift_right_arithmetic3A_44 : vector<16xi32> to vector<16xi32>
    tpu.vector_store %arg10[%swap3A_45], %swap3A_48 {strides = array<i32>} : memref<80xi32, #tpu.memory_space<vmem>>, vector<16xi32>,
    %get3A_49 = arith.constant 0 : i32
    %get3A_50 = arith.index_cast %get3A_49 : i32 to index
    %get3A_51 = arith.constant 16 : index
    %get3A_52 = tpu.vector_load %arg8[%get3A_50, %get3A_51] {strides = array<i32>} : memref<125x80xi32, #tpu.memory_space<vmem>>, vector<1x16xi32>,
    %get3A_53 = vector.shape_cast %get3A_52 : vector<1x16xi32> to vector<16xi32>
    %and3A_54 = arith.constant 65535 : i32
    %and3A_55 = vector.broadcast %and3A_54 : i32 to vector<16xi32>
    %and3A_56 = arith.andi %get3A_53, %and3A_55 : vector<16xi32>
    %swap3A_57 = arith.constant 16 : index
    %swap3A_58 = tpu.vector_load %arg9[%swap3A_57] {strides = array<i32>} : memref<80xi32, #tpu.memory_space<vmem>>, vector<16xi32>,
    %swap3A_59 = vector.shape_cast %swap3A_58 : vector<16xi32> to vector<16xi32>
    %swap3A_60 = vector.shape_cast %and3A_56 : vector<16xi32> to vector<16xi32>
    tpu.vector_store %arg9[%swap3A_57], %swap3A_60 {strides = array<i32>} : memref<80xi32, #tpu.memory_space<vmem>>, vector<16xi32>,
    %shift_right_arithmetic3A_61 = arith.constant 16 : i32
    %shift_right_arithmetic3A_62 = vector.broadcast %shift_right_arithmetic3A_61 : i32 to vector<16xi32>
    %shift_right_arithmetic3A_63 = arith.shrsi %get3A_53, %shift_right_arithmetic3A_62 : vector<16xi32>
    %swap3A_64 = arith.constant 16 : index
    %swap3A_65 = tpu.vector_load %arg10[%swap3A_64] {strides = array<i32>} : memref<80xi32, #tpu.memory_space<vmem>>, vector<16xi32>,
    %swap3A_66 = vector.shape_cast %swap3A_65 : vector<16xi32> to vector<16xi32>
    %swap3A_67 = vector.shape_cast %shift_right_arithmetic3A_63 : vector<16xi32> to vector<16xi32>
    tpu.vector_store %arg10[%swap3A_64], %swap3A_67 {strides = array<i32>} : memref<80xi32, #tpu.memory_space<vmem>>, vector<16xi32>,
    %get3A_68 = arith.constant 0 : i32
    %get3A_69 = arith.index_cast %get3A_68 : i32 to index
    %get3A_70 = arith.constant 32 : index
    %get3A_71 = tpu.vector_load %arg8[%get3A_69, %get3A_70] {strides = array<i32>} : memref<125x80xi32, #tpu.memory_space<vmem>>, vector<1x16xi32>,
    %get3A_72 = vector.shape_cast %get3A_71 : vector<1x16xi32> to vector<16xi32>
    %and3A_73 = arith.constant 65535 : i32
    %and3A_74 = vector.broadcast %and3A_73 : i32 to vector<16xi32>
    %and3A_75 = arith.andi %get3A_72, %and3A_74 : vector<16xi32>
    %swap3A_76 = arith.constant 32 : index
    %swap3A_77 = tpu.vector_load %arg9[%swap3A_76] {strides = array<i32>} : memref<80xi32, #tpu.memory_space<vmem>>, vector<16xi32>,
    %swap3A_78 = vector.shape_cast %swap3A_77 : vector<16xi32> to vector<16xi32>
    %swap3A_79 = vector.shape_cast %and3A_75 : vector<16xi32> to vector<16xi32>
    tpu.vector_store %arg9[%swap3A_76], %swap3A_79 {strides = array<i32>} : memref<80xi32, #tpu.memory_space<vmem>>, vector<16xi32>,
    %shift_right_arithmetic3A_80 = arith.constant 16 : i32
    %shift_right_arithmetic3A_81 = vector.broadcast %shift_right_arithmetic3A_80 : i32 to vector<16xi32>
    %shift_right_arithmetic3A_82 = arith.shrsi %get3A_72, %shift_right_arithmetic3A_81 : vector<16xi32>
    %swap3A_83 = arith.constant 32 : index
    %swap3A_84 = tpu.vector_load %arg10[%swap3A_83] {strides = array<i32>} : memref<80xi32, #tpu.memory_space<vmem>>, vector<16xi32>,
    %swap3A_85 = vector.shape_cast %swap3A_84 : vector<16xi32> to vector<16xi32>
    %swap3A_86 = vector.shape_cast %shift_right_arithmetic3A_82 : vector<16xi32> to vector<16xi32>
    tpu.vector_store %arg10[%swap3A_83], %swap3A_86 {strides = array<i32>} : memref<80xi32, #tpu.memory_space<vmem>>, vector<16xi32>,
    %get3A_87 = arith.constant 0 : i32
    %get3A_88 = arith.index_cast %get3A_87 : i32 to index
    %get3A_89 = arith.constant 48 : index
    %get3A_90 = tpu.vector_load %arg8[%get3A_88, %get3A_89] {strides = array<i32>} : memref<125x80xi32, #tpu.memory_space<vmem>>, vector<1x16xi32>,
    %get3A_91 = vector.shape_cast %get3A_90 : vector<1x16xi32> to vector<16xi32>
    %and3A_92 = arith.constant 65535 : i32
    %and3A_93 = vector.broadcast %and3A_92 : i32 to vector<16xi32>
    %and3A_94 = arith.andi %get3A_91, %and3A_93 : vector<16xi32>
    %swap3A_95 = arith.constant 48 : index
    %swap3A_96 = tpu.vector_load %arg9[%swap3A_95] {strides = array<i32>} : memref<80xi32, #tpu.memory_space<vmem>>, vector<16xi32>,
    %swap3A_97 = vector.shape_cast %swap3A_96 : vector<16xi32> to vector<16xi32>
    %swap3A_98 = vector.shape_cast %and3A_94 : vector<16xi32> to vector<16xi32>
    tpu.vector_store %arg9[%swap3A_95], %swap3A_98 {strides = array<i32>} : memref<80xi32, #tpu.memory_space<vmem>>, vector<16xi32>,
    %shift_right_arithmetic3A_99 = arith.constant 16 : i32
    %shift_right_arithmetic3A_100 = vector.broadcast %shift_right_arithmetic3A_99 : i32 to vector<16xi32>
    %shift_right_arithmetic3A_101 = arith.shrsi %get3A_91, %shift_right_arithmetic3A_100 : vector<16xi32>
    %swap3A_102 = arith.constant 48 : index
    %swap3A_103 = tpu.vector_load %arg10[%swap3A_102] {strides = array<i32>} : memref<80xi32, #tpu.memory_space<vmem>>, vector<16xi32>,
    %swap3A_104 = vector.shape_cast %swap3A_103 : vector<16xi32> to vector<16xi32>
    %swap3A_105 = vector.shape_cast %shift_right_arithmetic3A_101 : vector<16xi32> to vector<16xi32>
    tpu.vector_store %arg10[%swap3A_102], %swap3A_105 {strides = array<i32>} : memref<80xi32, #tpu.memory_space<vmem>>, vector<16xi32>,
    %get3A_106 = arith.constant 0 : i32
    %get3A_107 = arith.index_cast %get3A_106 : i32 to index
    %get3A_108 = arith.constant 64 : index
    %get3A_109 = tpu.vector_load %arg8[%get3A_107, %get3A_108] {strides = array<i32>} : memref<125x80xi32, #tpu.memory_space<vmem>>, vector<1x16xi32>,
    %get3A_110 = vector.shape_cast %get3A_109 : vector<1x16xi32> to vector<16xi32>
    %and3A_111 = arith.constant 65535 : i32
    %and3A_112 = vector.broadcast %and3A_111 : i32 to vector<16xi32>
    %and3A_113 = arith.andi %get3A_110, %and3A_112 : vector<16xi32>
    %swap3A_114 = arith.constant 64 : index
    %swap3A_115 = tpu.vector_load %arg9[%swap3A_114] {strides = array<i32>} : memref<80xi32, #tpu.memory_space<vmem>>, vector<16xi32>,
    %swap3A_116 = vector.shape_cast %swap3A_115 : vector<16xi32> to vector<16xi32>
    %swap3A_117 = vector.shape_cast %and3A_113 : vector<16xi32> to vector<16xi32>
    tpu.vector_store %arg9[%swap3A_114], %swap3A_117 {strides = array<i32>} : memref<80xi32, #tpu.memory_space<vmem>>, vector<16xi32>,
    %shift_right_arithmetic3A_118 = arith.constant 16 : i32
    %shift_right_arithmetic3A_119 = vector.broadcast %shift_right_arithmetic3A_118 : i32 to vector<16xi32>
    %shift_right_arithmetic3A_120 = arith.shrsi %get3A_110, %shift_right_arithmetic3A_119 : vector<16xi32>
    %swap3A_121 = arith.constant 64 : index
    %swap3A_122 = tpu.vector_load %arg10[%swap3A_121] {strides = array<i32>} : memref<80xi32, #tpu.memory_space<vmem>>, vector<16xi32>,
    %swap3A_123 = vector.shape_cast %swap3A_122 : vector<16xi32> to vector<16xi32>
    %swap3A_124 = vector.shape_cast %shift_right_arithmetic3A_120 : vector<16xi32> to vector<16xi32>
    tpu.vector_store %arg10[%swap3A_121], %swap3A_124 {strides = array<i32>} : memref<80xi32, #tpu.memory_space<vmem>>, vector<16xi32>,
    %dma_start3A = arith.constant 0 : i32
    %dma_start3A_125 = arith.constant 0 : i32
    %dma_start3A_126 = tpu.memref_slice %arg2[%dma_start3A, %dma_start3A_125] : memref<10000x128xf32, #tpu.memory_space<hbm>> -> memref<10000x128xf32, #tpu.memory_space<hbm>>
    tpu.enqueue_indirect_dma source(%dma_start3A_126 : memref<10000x128xf32, #tpu.memory_space<hbm>>) target(%arg13 : memref<80x128xf32, #tpu.memory_space<vmem>>) offsets(%arg9 : memref<80xi32, #tpu.memory_space<vmem>>) semaphore(%arg18 : memref<!tpu.dma_semaphore, #tpu.memory_space<semaphore_mem>>)
    %scan3A = arith.constant 0 : i32
    %scan3A_127 = arith.constant 0 : i32
    %scan3A_128 = arith.constant 62 : i32
    %scan3A_129 = arith.addi %scan3A_127, %scan3A_128 : i32
    %scan3A_130 = arith.constant 1 : i32
    scf.for %scan3A_139 = %scan3A_127 to %scan3A_129 step %scan3A_130  : i32 {
      %mul3A_140 = arith.constant 2 : i32
      %mul3A_141 = arith.muli %mul3A_140, %scan3A_139 : i32
      %add3A_142 = arith.constant 1 : i32
      %add3A_143 = arith.addi %mul3A_141, %add3A_142 : i32
      %get3A_144 = arith.index_cast %add3A_143 : i32 to index
      %get3A_145 = arith.constant 0 : index
      %get3A_146 = tpu.vector_load %arg8[%get3A_144, %get3A_145] {strides = array<i32>} : memref<125x80xi32, #tpu.memory_space<vmem>>, vector<1x16xi32>,
      %get3A_147 = vector.shape_cast %get3A_146 : vector<1x16xi32> to vector<16xi32>
      %and3A_148 = arith.constant 65535 : i32
      %and3A_149 = vector.broadcast %and3A_148 : i32 to vector<16xi32>
      %and3A_150 = arith.andi %get3A_147, %and3A_149 : vector<16xi32>
      %swap3A_151 = arith.constant 0 : index
      %swap3A_152 = tpu.vector_load %arg11[%swap3A_151] {strides = array<i32>} : memref<80xi32, #tpu.memory_space<vmem>>, vector<16xi32>,
      %swap3A_153 = vector.shape_cast %swap3A_152 : vector<16xi32> to vector<16xi32>
      %swap3A_154 = vector.shape_cast %and3A_150 : vector<16xi32> to vector<16xi32>
      tpu.vector_store %arg11[%swap3A_151], %swap3A_154 {strides = array<i32>} : memref<80xi32, #tpu.memory_space<vmem>>, vector<16xi32>,
      %shift_right_arithmetic3A_155 = arith.constant 16 : i32
      %shift_right_arithmetic3A_156 = vector.broadcast %shift_right_arithmetic3A_155 : i32 to vector<16xi32>
      %shift_right_arithmetic3A_157 = arith.shrsi %get3A_147, %shift_right_arithmetic3A_156 : vector<16xi32>
      %swap3A_158 = arith.constant 0 : index
      %swap3A_159 = tpu.vector_load %arg12[%swap3A_158] {strides = array<i32>} : memref<80xi32, #tpu.memory_space<vmem>>, vector<16xi32>,
      %swap3A_160 = vector.shape_cast %swap3A_159 : vector<16xi32> to vector<16xi32>
      %swap3A_161 = vector.shape_cast %shift_right_arithmetic3A_157 : vector<16xi32> to vector<16xi32>
      tpu.vector_store %arg12[%swap3A_158], %swap3A_161 {strides = array<i32>} : memref<80xi32, #tpu.memory_space<vmem>>, vector<16xi32>,
      %get3A_162 = arith.index_cast %add3A_143 : i32 to index
      %get3A_163 = arith.constant 16 : index
      %get3A_164 = tpu.vector_load %arg8[%get3A_162, %get3A_163] {strides = array<i32>} : memref<125x80xi32, #tpu.memory_space<vmem>>, vector<1x16xi32>,
      %get3A_165 = vector.shape_cast %get3A_164 : vector<1x16xi32> to vector<16xi32>
      %and3A_166 = arith.constant 65535 : i32
      %and3A_167 = vector.broadcast %and3A_166 : i32 to vector<16xi32>
      %and3A_168 = arith.andi %get3A_165, %and3A_167 : vector<16xi32>
      %swap3A_169 = arith.constant 16 : index
      %swap3A_170 = tpu.vector_load %arg11[%swap3A_169] {strides = array<i32>} : memref<80xi32, #tpu.memory_space<vmem>>, vector<16xi32>,
      %swap3A_171 = vector.shape_cast %swap3A_170 : vector<16xi32> to vector<16xi32>
      %swap3A_172 = vector.shape_cast %and3A_168 : vector<16xi32> to vector<16xi32>
      tpu.vector_store %arg11[%swap3A_169], %swap3A_172 {strides = array<i32>} : memref<80xi32, #tpu.memory_space<vmem>>, vector<16xi32>,
      %shift_right_arithmetic3A_173 = arith.constant 16 : i32
      %shift_right_arithmetic3A_174 = vector.broadcast %shift_right_arithmetic3A_173 : i32 to vector<16xi32>
      %shift_right_arithmetic3A_175 = arith.shrsi %get3A_165, %shift_right_arithmetic3A_174 : vector<16xi32>
      %swap3A_176 = arith.constant 16 : index
      %swap3A_177 = tpu.vector_load %arg12[%swap3A_176] {strides = array<i32>} : memref<80xi32, #tpu.memory_space<vmem>>, vector<16xi32>,
      %swap3A_178 = vector.shape_cast %swap3A_177 : vector<16xi32> to vector<16xi32>
      %swap3A_179 = vector.shape_cast %shift_right_arithmetic3A_175 : vector<16xi32> to vector<16xi32>
      tpu.vector_store %arg12[%swap3A_176], %swap3A_179 {strides = array<i32>} : memref<80xi32, #tpu.memory_space<vmem>>, vector<16xi32>,
      %get3A_180 = arith.index_cast %add3A_143 : i32 to index
      %get3A_181 = arith.constant 32 : index
      %get3A_182 = tpu.vector_load %arg8[%get3A_180, %get3A_181] {strides = array<i32>} : memref<125x80xi32, #tpu.memory_space<vmem>>, vector<1x16xi32>,
      %get3A_183 = vector.shape_cast %get3A_182 : vector<1x16xi32> to vector<16xi32>
      %and3A_184 = arith.constant 65535 : i32
      %and3A_185 = vector.broadcast %and3A_184 : i32 to vector<16xi32>
      %and3A_186 = arith.andi %get3A_183, %and3A_185 : vector<16xi32>
      %swap3A_187 = arith.constant 32 : index
      %swap3A_188 = tpu.vector_load %arg11[%swap3A_187] {strides = array<i32>} : memref<80xi32, #tpu.memory_space<vmem>>, vector<16xi32>,
      %swap3A_189 = vector.shape_cast %swap3A_188 : vector<16xi32> to vector<16xi32>
      %swap3A_190 = vector.shape_cast %and3A_186 : vector<16xi32> to vector<16xi32>
      tpu.vector_store %arg11[%swap3A_187], %swap3A_190 {strides = array<i32>} : memref<80xi32, #tpu.memory_space<vmem>>, vector<16xi32>,
      %shift_right_arithmetic3A_191 = arith.constant 16 : i32
      %shift_right_arithmetic3A_192 = vector.broadcast %shift_right_arithmetic3A_191 : i32 to vector<16xi32>
      %shift_right_arithmetic3A_193 = arith.shrsi %get3A_183, %shift_right_arithmetic3A_192 : vector<16xi32>
      %swap3A_194 = arith.constant 32 : index
      %swap3A_195 = tpu.vector_load %arg12[%swap3A_194] {strides = array<i32>} : memref<80xi32, #tpu.memory_space<vmem>>, vector<16xi32>,
      %swap3A_196 = vector.shape_cast %swap3A_195 : vector<16xi32> to vector<16xi32>
      %swap3A_197 = vector.shape_cast %shift_right_arithmetic3A_193 : vector<16xi32> to vector<16xi32>
      tpu.vector_store %arg12[%swap3A_194], %swap3A_197 {strides = array<i32>} : memref<80xi32, #tpu.memory_space<vmem>>, vector<16xi32>,
      %get3A_198 = arith.index_cast %add3A_143 : i32 to index
      %get3A_199 = arith.constant 48 : index
      %get3A_200 = tpu.vector_load %arg8[%get3A_198, %get3A_199] {strides = array<i32>} : memref<125x80xi32, #tpu.memory_space<vmem>>, vector<1x16xi32>,
      %get3A_201 = vector.shape_cast %get3A_200 : vector<1x16xi32> to vector<16xi32>
      %and3A_202 = arith.constant 65535 : i32
      %and3A_203 = vector.broadcast %and3A_202 : i32 to vector<16xi32>
      %and3A_204 = arith.andi %get3A_201, %and3A_203 : vector<16xi32>
      %swap3A_205 = arith.constant 48 : index
      %swap3A_206 = tpu.vector_load %arg11[%swap3A_205] {strides = array<i32>} : memref<80xi32, #tpu.memory_space<vmem>>, vector<16xi32>,
      %swap3A_207 = vector.shape_cast %swap3A_206 : vector<16xi32> to vector<16xi32>
      %swap3A_208 = vector.shape_cast %and3A_204 : vector<16xi32> to vector<16xi32>
      tpu.vector_store %arg11[%swap3A_205], %swap3A_208 {strides = array<i32>} : memref<80xi32, #tpu.memory_space<vmem>>, vector<16xi32>,
      %shift_right_arithmetic3A_209 = arith.constant 16 : i32
      %shift_right_arithmetic3A_210 = vector.broadcast %shift_right_arithmetic3A_209 : i32 to vector<16xi32>
      %shift_right_arithmetic3A_211 = arith.shrsi %get3A_201, %shift_right_arithmetic3A_210 : vector<16xi32>
      %swap3A_212 = arith.constant 48 : index
      %swap3A_213 = tpu.vector_load %arg12[%swap3A_212] {strides = array<i32>} : memref<80xi32, #tpu.memory_space<vmem>>, vector<16xi32>,
      %swap3A_214 = vector.shape_cast %swap3A_213 : vector<16xi32> to vector<16xi32>
      %swap3A_215 = vector.shape_cast %shift_right_arithmetic3A_211 : vector<16xi32> to vector<16xi32>
      tpu.vector_store %arg12[%swap3A_212], %swap3A_215 {strides = array<i32>} : memref<80xi32, #tpu.memory_space<vmem>>, vector<16xi32>,
      %get3A_216 = arith.index_cast %add3A_143 : i32 to index
      %get3A_217 = arith.constant 64 : index
      %get3A_218 = tpu.vector_load %arg8[%get3A_216, %get3A_217] {strides = array<i32>} : memref<125x80xi32, #tpu.memory_space<vmem>>, vector<1x16xi32>,
      %get3A_219 = vector.shape_cast %get3A_218 : vector<1x16xi32> to vector<16xi32>
      %and3A_220 = arith.constant 65535 : i32
      %and3A_221 = vector.broadcast %and3A_220 : i32 to vector<16xi32>
      %and3A_222 = arith.andi %get3A_219, %and3A_221 : vector<16xi32>
      %swap3A_223 = arith.constant 64 : index
      %swap3A_224 = tpu.vector_load %arg11[%swap3A_223] {strides = array<i32>} : memref<80xi32, #tpu.memory_space<vmem>>, vector<16xi32>,
      %swap3A_225 = vector.shape_cast %swap3A_224 : vector<16xi32> to vector<16xi32>
      %swap3A_226 = vector.shape_cast %and3A_222 : vector<16xi32> to vector<16xi32>
      tpu.vector_store %arg11[%swap3A_223], %swap3A_226 {strides = array<i32>} : memref<80xi32, #tpu.memory_space<vmem>>, vector<16xi32>,
      %shift_right_arithmetic3A_227 = arith.constant 16 : i32
      %shift_right_arithmetic3A_228 = vector.broadcast %shift_right_arithmetic3A_227 : i32 to vector<16xi32>
      %shift_right_arithmetic3A_229 = arith.shrsi %get3A_219, %shift_right_arithmetic3A_228 : vector<16xi32>
      %swap3A_230 = arith.constant 64 : index
      %swap3A_231 = tpu.vector_load %arg12[%swap3A_230] {strides = array<i32>} : memref<80xi32, #tpu.memory_space<vmem>>, vector<16xi32>,
      %swap3A_232 = vector.shape_cast %swap3A_231 : vector<16xi32> to vector<16xi32>
      %swap3A_233 = vector.shape_cast %shift_right_arithmetic3A_229 : vector<16xi32> to vector<16xi32>
      tpu.vector_store %arg12[%swap3A_230], %swap3A_233 {strides = array<i32>} : memref<80xi32, #tpu.memory_space<vmem>>, vector<16xi32>,
      %dma_start3A_234 = arith.constant 0 : i32
      %dma_start3A_235 = arith.constant 0 : i32
      %dma_start3A_236 = tpu.memref_slice %arg2[%dma_start3A_234, %dma_start3A_235] : memref<10000x128xf32, #tpu.memory_space<hbm>> -> memref<10000x128xf32, #tpu.memory_space<hbm>>
      tpu.enqueue_indirect_dma source(%dma_start3A_236 : memref<10000x128xf32, #tpu.memory_space<hbm>>) target(%arg14 : memref<80x128xf32, #tpu.memory_space<vmem>>) offsets(%arg11 : memref<80xi32, #tpu.memory_space<vmem>>) semaphore(%arg19 : memref<!tpu.dma_semaphore, #tpu.memory_space<semaphore_mem>>)
      %dma_wait3A_237 = arith.constant 0 : i32
      %dma_wait3A_238 = arith.constant 0 : i32
      %dma_wait3A_239 = tpu.memref_slice %arg2[%dma_wait3A_237, %dma_wait3A_238] : memref<10000x128xf32, #tpu.memory_space<hbm>> -> memref<10000x128xf32, #tpu.memory_space<hbm>>
      tpu.wait_indirect_dma semaphore(%arg18 : memref<!tpu.dma_semaphore, #tpu.memory_space<semaphore_mem>>) src(%dma_wait3A_239 : memref<10000x128xf32, #tpu.memory_space<hbm>>) dst(%arg13 : memref<80x128xf32, #tpu.memory_space<vmem>>)
      "tpu.region"() ({
        %run_scoped3A = tpu.sem_alloc : memref<!tpu.dma_semaphore, #tpu.memory_space<semaphore_mem>>
        %dma_start3A_340 = arith.constant 0 : i32
        %dma_start3A_341 = arith.constant 0 : i32
        %dma_start3A_342 = tpu.memref_slice %arg16[%dma_start3A_340, %dma_start3A_341] : memref<10112x128xf32, #tpu.memory_space<vmem_shared>> -> memref<10112x128xf32, #tpu.memory_space<vmem_shared>>
        tpu.enqueue_indirect_dma source(%arg13 : memref<80x128xf32, #tpu.memory_space<vmem>>) target(%dma_start3A_342 : memref<10112x128xf32, #tpu.memory_space<vmem_shared>>) offsets(%arg10 : memref<80xi32, #tpu.memory_space<vmem>>) semaphore(%run_scoped3A : memref<!tpu.dma_semaphore, #tpu.memory_space<semaphore_mem>>) {add = true}
        %dma_wait3A_343 = arith.constant 0 : i32
        %dma_wait3A_344 = arith.constant 0 : i32
        %dma_wait3A_345 = tpu.memref_slice %arg16[%dma_wait3A_343, %dma_wait3A_344] : memref<10112x128xf32, #tpu.memory_space<vmem_shared>> -> memref<10112x128xf32, #tpu.memory_space<vmem_shared>>
        tpu.wait_indirect_dma semaphore(%run_scoped3A : memref<!tpu.dma_semaphore, #tpu.memory_space<semaphore_mem>>) src(%arg13 : memref<80x128xf32, #tpu.memory_space<vmem>>) dst(%dma_wait3A_345 : memref<10112x128xf32, #tpu.memory_space<vmem_shared>>)
        tpu.yield
      }) : () -> ()
      "tpu.region"() ({
        %run_scoped3A = tpu.sem_alloc : memref<!tpu.dma_semaphore, #tpu.memory_space<semaphore_mem>>
        %dma_start3A_340 = arith.constant 0 : i32
        %dma_start3A_341 = tpu.memref_slice %arg17[%dma_start3A_340] : memref<10240xf32, #tpu.memory_space<vmem_shared>> -> memref<10240xf32, #tpu.memory_space<vmem_shared>>
        tpu.enqueue_indirect_dma source(%arg15 : memref<80xf32, #tpu.memory_space<vmem>>) target(%dma_start3A_341 : memref<10240xf32, #tpu.memory_space<vmem_shared>>) offsets(%arg10 : memref<80xi32, #tpu.memory_space<vmem>>) semaphore(%run_scoped3A : memref<!tpu.dma_semaphore, #tpu.memory_space<semaphore_mem>>) {add = true}
        %dma_wait3A_342 = arith.constant 0 : i32
        %dma_wait3A_343 = tpu.memref_slice %arg17[%dma_wait3A_342] : memref<10240xf32, #tpu.memory_space<vmem_shared>> -> memref<10240xf32, #tpu.memory_space<vmem_shared>>
        tpu.wait_indirect_dma semaphore(%run_scoped3A : memref<!tpu.dma_semaphore, #tpu.memory_space<semaphore_mem>>) src(%arg15 : memref<80xf32, #tpu.memory_space<vmem>>) dst(%dma_wait3A_343 : memref<10240xf32, #tpu.memory_space<vmem_shared>>)
        tpu.yield
      }) : () -> ()
      %mul3A_240 = arith.constant 2 : i32
      %mul3A_241 = arith.muli %mul3A_240, %scan3A_139 : i32
      %add3A_242 = arith.constant 2 : i32
      %add3A_243 = arith.addi %mul3A_241, %add3A_242 : i32
      %get3A_244 = arith.index_cast %add3A_243 : i32 to index
      %get3A_245 = arith.constant 0 : index
      %get3A_246 = tpu.vector_load %arg8[%get3A_244, %get3A_245] {strides = array<i32>} : memref<125x80xi32, #tpu.memory_space<vmem>>, vector<1x16xi32>,
      %get3A_247 = vector.shape_cast %get3A_246 : vector<1x16xi32> to vector<16xi32>
      %and3A_248 = arith.constant 65535 : i32
      %and3A_249 = vector.broadcast %and3A_248 : i32 to vector<16xi32>
      %and3A_250 = arith.andi %get3A_247, %and3A_249 : vector<16xi32>
      %swap3A_251 = arith.constant 0 : index
      %swap3A_252 = tpu.vector_load %arg9[%swap3A_251] {strides = array<i32>} : memref<80xi32, #tpu.memory_space<vmem>>, vector<16xi32>,
      %swap3A_253 = vector.shape_cast %swap3A_252 : vector<16xi32> to vector<16xi32>
      %swap3A_254 = vector.shape_cast %and3A_250 : vector<16xi32> to vector<16xi32>
      tpu.vector_store %arg9[%swap3A_251], %swap3A_254 {strides = array<i32>} : memref<80xi32, #tpu.memory_space<vmem>>, vector<16xi32>,
      %shift_right_arithmetic3A_255 = arith.constant 16 : i32
      %shift_right_arithmetic3A_256 = vector.broadcast %shift_right_arithmetic3A_255 : i32 to vector<16xi32>
      %shift_right_arithmetic3A_257 = arith.shrsi %get3A_247, %shift_right_arithmetic3A_256 : vector<16xi32>
      %swap3A_258 = arith.constant 0 : index
      %swap3A_259 = tpu.vector_load %arg10[%swap3A_258] {strides = array<i32>} : memref<80xi32, #tpu.memory_space<vmem>>, vector<16xi32>,
      %swap3A_260 = vector.shape_cast %swap3A_259 : vector<16xi32> to vector<16xi32>
      %swap3A_261 = vector.shape_cast %shift_right_arithmetic3A_257 : vector<16xi32> to vector<16xi32>
      tpu.vector_store %arg10[%swap3A_258], %swap3A_261 {strides = array<i32>} : memref<80xi32, #tpu.memory_space<vmem>>, vector<16xi32>,
      %get3A_262 = arith.index_cast %add3A_243 : i32 to index
      %get3A_263 = arith.constant 16 : index
      %get3A_264 = tpu.vector_load %arg8[%get3A_262, %get3A_263] {strides = array<i32>} : memref<125x80xi32, #tpu.memory_space<vmem>>, vector<1x16xi32>,
      %get3A_265 = vector.shape_cast %get3A_264 : vector<1x16xi32> to vector<16xi32>
      %and3A_266 = arith.constant 65535 : i32
      %and3A_267 = vector.broadcast %and3A_266 : i32 to vector<16xi32>
      %and3A_268 = arith.andi %get3A_265, %and3A_267 : vector<16xi32>
      %swap3A_269 = arith.constant 16 : index
      %swap3A_270 = tpu.vector_load %arg9[%swap3A_269] {strides = array<i32>} : memref<80xi32, #tpu.memory_space<vmem>>, vector<16xi32>,
      %swap3A_271 = vector.shape_cast %swap3A_270 : vector<16xi32> to vector<16xi32>
      %swap3A_272 = vector.shape_cast %and3A_268 : vector<16xi32> to vector<16xi32>
      tpu.vector_store %arg9[%swap3A_269], %swap3A_272 {strides = array<i32>} : memref<80xi32, #tpu.memory_space<vmem>>, vector<16xi32>,
      %shift_right_arithmetic3A_273 = arith.constant 16 : i32
      %shift_right_arithmetic3A_274 = vector.broadcast %shift_right_arithmetic3A_273 : i32 to vector<16xi32>
      %shift_right_arithmetic3A_275 = arith.shrsi %get3A_265, %shift_right_arithmetic3A_274 : vector<16xi32>
      %swap3A_276 = arith.constant 16 : index
      %swap3A_277 = tpu.vector_load %arg10[%swap3A_276] {strides = array<i32>} : memref<80xi32, #tpu.memory_space<vmem>>, vector<16xi32>,
      %swap3A_278 = vector.shape_cast %swap3A_277 : vector<16xi32> to vector<16xi32>
      %swap3A_279 = vector.shape_cast %shift_right_arithmetic3A_275 : vector<16xi32> to vector<16xi32>
      tpu.vector_store %arg10[%swap3A_276], %swap3A_279 {strides = array<i32>} : memref<80xi32, #tpu.memory_space<vmem>>, vector<16xi32>,
      %get3A_280 = arith.index_cast %add3A_243 : i32 to index
      %get3A_281 = arith.constant 32 : index
      %get3A_282 = tpu.vector_load %arg8[%get3A_280, %get3A_281] {strides = array<i32>} : memref<125x80xi32, #tpu.memory_space<vmem>>, vector<1x16xi32>,
      %get3A_283 = vector.shape_cast %get3A_282 : vector<1x16xi32> to vector<16xi32>
      %and3A_284 = arith.constant 65535 : i32
      %and3A_285 = vector.broadcast %and3A_284 : i32 to vector<16xi32>
      %and3A_286 = arith.andi %get3A_283, %and3A_285 : vector<16xi32>
      %swap3A_287 = arith.constant 32 : index
      %swap3A_288 = tpu.vector_load %arg9[%swap3A_287] {strides = array<i32>} : memref<80xi32, #tpu.memory_space<vmem>>, vector<16xi32>,
      %swap3A_289 = vector.shape_cast %swap3A_288 : vector<16xi32> to vector<16xi32>
      %swap3A_290 = vector.shape_cast %and3A_286 : vector<16xi32> to vector<16xi32>
      tpu.vector_store %arg9[%swap3A_287], %swap3A_290 {strides = array<i32>} : memref<80xi32, #tpu.memory_space<vmem>>, vector<16xi32>,
      %shift_right_arithmetic3A_291 = arith.constant 16 : i32
      %shift_right_arithmetic3A_292 = vector.broadcast %shift_right_arithmetic3A_291 : i32 to vector<16xi32>
      %shift_right_arithmetic3A_293 = arith.shrsi %get3A_283, %shift_right_arithmetic3A_292 : vector<16xi32>
      %swap3A_294 = arith.constant 32 : index
      %swap3A_295 = tpu.vector_load %arg10[%swap3A_294] {strides = array<i32>} : memref<80xi32, #tpu.memory_space<vmem>>, vector<16xi32>,
      %swap3A_296 = vector.shape_cast %swap3A_295 : vector<16xi32> to vector<16xi32>
      %swap3A_297 = vector.shape_cast %shift_right_arithmetic3A_293 : vector<16xi32> to vector<16xi32>
      tpu.vector_store %arg10[%swap3A_294], %swap3A_297 {strides = array<i32>} : memref<80xi32, #tpu.memory_space<vmem>>, vector<16xi32>,
      %get3A_298 = arith.index_cast %add3A_243 : i32 to index
      %get3A_299 = arith.constant 48 : index
      %get3A_300 = tpu.vector_load %arg8[%get3A_298, %get3A_299] {strides = array<i32>} : memref<125x80xi32, #tpu.memory_space<vmem>>, vector<1x16xi32>,
      %get3A_301 = vector.shape_cast %get3A_300 : vector<1x16xi32> to vector<16xi32>
      %and3A_302 = arith.constant 65535 : i32
      %and3A_303 = vector.broadcast %and3A_302 : i32 to vector<16xi32>
      %and3A_304 = arith.andi %get3A_301, %and3A_303 : vector<16xi32>
      %swap3A_305 = arith.constant 48 : index
      %swap3A_306 = tpu.vector_load %arg9[%swap3A_305] {strides = array<i32>} : memref<80xi32, #tpu.memory_space<vmem>>, vector<16xi32>,
      %swap3A_307 = vector.shape_cast %swap3A_306 : vector<16xi32> to vector<16xi32>
      %swap3A_308 = vector.shape_cast %and3A_304 : vector<16xi32> to vector<16xi32>
      tpu.vector_store %arg9[%swap3A_305], %swap3A_308 {strides = array<i32>} : memref<80xi32, #tpu.memory_space<vmem>>, vector<16xi32>,
      %shift_right_arithmetic3A_309 = arith.constant 16 : i32
      %shift_right_arithmetic3A_310 = vector.broadcast %shift_right_arithmetic3A_309 : i32 to vector<16xi32>
      %shift_right_arithmetic3A_311 = arith.shrsi %get3A_301, %shift_right_arithmetic3A_310 : vector<16xi32>
      %swap3A_312 = arith.constant 48 : index
      %swap3A_313 = tpu.vector_load %arg10[%swap3A_312] {strides = array<i32>} : memref<80xi32, #tpu.memory_space<vmem>>, vector<16xi32>,
      %swap3A_314 = vector.shape_cast %swap3A_313 : vector<16xi32> to vector<16xi32>
      %swap3A_315 = vector.shape_cast %shift_right_arithmetic3A_311 : vector<16xi32> to vector<16xi32>
      tpu.vector_store %arg10[%swap3A_312], %swap3A_315 {strides = array<i32>} : memref<80xi32, #tpu.memory_space<vmem>>, vector<16xi32>,
      %get3A_316 = arith.index_cast %add3A_243 : i32 to index
      %get3A_317 = arith.constant 64 : index
      %get3A_318 = tpu.vector_load %arg8[%get3A_316, %get3A_317] {strides = array<i32>} : memref<125x80xi32, #tpu.memory_space<vmem>>, vector<1x16xi32>,
      %get3A_319 = vector.shape_cast %get3A_318 : vector<1x16xi32> to vector<16xi32>
      %and3A_320 = arith.constant 65535 : i32
      %and3A_321 = vector.broadcast %and3A_320 : i32 to vector<16xi32>
      %and3A_322 = arith.andi %get3A_319, %and3A_321 : vector<16xi32>
      %swap3A_323 = arith.constant 64 : index
      %swap3A_324 = tpu.vector_load %arg9[%swap3A_323] {strides = array<i32>} : memref<80xi32, #tpu.memory_space<vmem>>, vector<16xi32>,
      %swap3A_325 = vector.shape_cast %swap3A_324 : vector<16xi32> to vector<16xi32>
      %swap3A_326 = vector.shape_cast %and3A_322 : vector<16xi32> to vector<16xi32>
      tpu.vector_store %arg9[%swap3A_323], %swap3A_326 {strides = array<i32>} : memref<80xi32, #tpu.memory_space<vmem>>, vector<16xi32>,
      %shift_right_arithmetic3A_327 = arith.constant 16 : i32
      %shift_right_arithmetic3A_328 = vector.broadcast %shift_right_arithmetic3A_327 : i32 to vector<16xi32>
      %shift_right_arithmetic3A_329 = arith.shrsi %get3A_319, %shift_right_arithmetic3A_328 : vector<16xi32>
      %swap3A_330 = arith.constant 64 : index
      %swap3A_331 = tpu.vector_load %arg10[%swap3A_330] {strides = array<i32>} : memref<80xi32, #tpu.memory_space<vmem>>, vector<16xi32>,
      %swap3A_332 = vector.shape_cast %swap3A_331 : vector<16xi32> to vector<16xi32>
      %swap3A_333 = vector.shape_cast %shift_right_arithmetic3A_329 : vector<16xi32> to vector<16xi32>
      tpu.vector_store %arg10[%swap3A_330], %swap3A_333 {strides = array<i32>} : memref<80xi32, #tpu.memory_space<vmem>>, vector<16xi32>,
      %dma_start3A_334 = arith.constant 0 : i32
      %dma_start3A_335 = arith.constant 0 : i32
      %dma_start3A_336 = tpu.memref_slice %arg2[%dma_start3A_334, %dma_start3A_335] : memref<10000x128xf32, #tpu.memory_space<hbm>> -> memref<10000x128xf32, #tpu.memory_space<hbm>>
      tpu.enqueue_indirect_dma source(%dma_start3A_336 : memref<10000x128xf32, #tpu.memory_space<hbm>>) target(%arg13 : memref<80x128xf32, #tpu.memory_space<vmem>>) offsets(%arg9 : memref<80xi32, #tpu.memory_space<vmem>>) semaphore(%arg18 : memref<!tpu.dma_semaphore, #tpu.memory_space<semaphore_mem>>)
      %dma_wait3A_337 = arith.constant 0 : i32
      %dma_wait3A_338 = arith.constant 0 : i32
      %dma_wait3A_339 = tpu.memref_slice %arg2[%dma_wait3A_337, %dma_wait3A_338] : memref<10000x128xf32, #tpu.memory_space<hbm>> -> memref<10000x128xf32, #tpu.memory_space<hbm>>
      tpu.wait_indirect_dma semaphore(%arg19 : memref<!tpu.dma_semaphore, #tpu.memory_space<semaphore_mem>>) src(%dma_wait3A_339 : memref<10000x128xf32, #tpu.memory_space<hbm>>) dst(%arg14 : memref<80x128xf32, #tpu.memory_space<vmem>>)
      "tpu.region"() ({
        %run_scoped3A = tpu.sem_alloc : memref<!tpu.dma_semaphore, #tpu.memory_space<semaphore_mem>>
        %dma_start3A_340 = arith.constant 0 : i32
        %dma_start3A_341 = arith.constant 0 : i32
        %dma_start3A_342 = tpu.memref_slice %arg16[%dma_start3A_340, %dma_start3A_341] : memref<10112x128xf32, #tpu.memory_space<vmem_shared>> -> memref<10112x128xf32, #tpu.memory_space<vmem_shared>>
        tpu.enqueue_indirect_dma source(%arg14 : memref<80x128xf32, #tpu.memory_space<vmem>>) target(%dma_start3A_342 : memref<10112x128xf32, #tpu.memory_space<vmem_shared>>) offsets(%arg12 : memref<80xi32, #tpu.memory_space<vmem>>) semaphore(%run_scoped3A : memref<!tpu.dma_semaphore, #tpu.memory_space<semaphore_mem>>) {add = true}
        %dma_wait3A_343 = arith.constant 0 : i32
        %dma_wait3A_344 = arith.constant 0 : i32
        %dma_wait3A_345 = tpu.memref_slice %arg16[%dma_wait3A_343, %dma_wait3A_344] : memref<10112x128xf32, #tpu.memory_space<vmem_shared>> -> memref<10112x128xf32, #tpu.memory_space<vmem_shared>>
        tpu.wait_indirect_dma semaphore(%run_scoped3A : memref<!tpu.dma_semaphore, #tpu.memory_space<semaphore_mem>>) src(%arg14 : memref<80x128xf32, #tpu.memory_space<vmem>>) dst(%dma_wait3A_345 : memref<10112x128xf32, #tpu.memory_space<vmem_shared>>)
        tpu.yield
      }) : () -> ()
      "tpu.region"() ({
        %run_scoped3A = tpu.sem_alloc : memref<!tpu.dma_semaphore, #tpu.memory_space<semaphore_mem>>
        %dma_start3A_340 = arith.constant 0 : i32
        %dma_start3A_341 = tpu.memref_slice %arg17[%dma_start3A_340] : memref<10240xf32, #tpu.memory_space<vmem_shared>> -> memref<10240xf32, #tpu.memory_space<vmem_shared>>
        tpu.enqueue_indirect_dma source(%arg15 : memref<80xf32, #tpu.memory_space<vmem>>) target(%dma_start3A_341 : memref<10240xf32, #tpu.memory_space<vmem_shared>>) offsets(%arg12 : memref<80xi32, #tpu.memory_space<vmem>>) semaphore(%run_scoped3A : memref<!tpu.dma_semaphore, #tpu.memory_space<semaphore_mem>>) {add = true}
        %dma_wait3A_342 = arith.constant 0 : i32
        %dma_wait3A_343 = tpu.memref_slice %arg17[%dma_wait3A_342] : memref<10240xf32, #tpu.memory_space<vmem_shared>> -> memref<10240xf32, #tpu.memory_space<vmem_shared>>
        tpu.wait_indirect_dma semaphore(%run_scoped3A : memref<!tpu.dma_semaphore, #tpu.memory_space<semaphore_mem>>) src(%arg15 : memref<80xf32, #tpu.memory_space<vmem>>) dst(%dma_wait3A_343 : memref<10240xf32, #tpu.memory_space<vmem_shared>>)
        tpu.yield
      }) : () -> ()
    }
    %scan3A_131 = arith.constant 62 : i32
    %dma_wait3A = arith.constant 0 : i32
    %dma_wait3A_132 = arith.constant 0 : i32
    %dma_wait3A_133 = tpu.memref_slice %arg2[%dma_wait3A, %dma_wait3A_132] : memref<10000x128xf32, #tpu.memory_space<hbm>> -> memref<10000x128xf32, #tpu.memory_space<hbm>>
    tpu.wait_indirect_dma semaphore(%arg18 : memref<!tpu.dma_semaphore, #tpu.memory_space<semaphore_mem>>) src(%dma_wait3A_133 : memref<10000x128xf32, #tpu.memory_space<hbm>>) dst(%arg13 : memref<80x128xf32, #tpu.memory_space<vmem>>)
    "tpu.region"() ({
      %run_scoped3A = tpu.sem_alloc : memref<!tpu.dma_semaphore, #tpu.memory_space<semaphore_mem>>
      %dma_start3A_139 = arith.constant 0 : i32
      %dma_start3A_140 = arith.constant 0 : i32
      %dma_start3A_141 = tpu.memref_slice %arg16[%dma_start3A_139, %dma_start3A_140] : memref<10112x128xf32, #tpu.memory_space<vmem_shared>> -> memref<10112x128xf32, #tpu.memory_space<vmem_shared>>
      tpu.enqueue_indirect_dma source(%arg13 : memref<80x128xf32, #tpu.memory_space<vmem>>) target(%dma_start3A_141 : memref<10112x128xf32, #tpu.memory_space<vmem_shared>>) offsets(%arg10 : memref<80xi32, #tpu.memory_space<vmem>>) semaphore(%run_scoped3A : memref<!tpu.dma_semaphore, #tpu.memory_space<semaphore_mem>>) {add = true}
      %dma_wait3A_142 = arith.constant 0 : i32
      %dma_wait3A_143 = arith.constant 0 : i32
      %dma_wait3A_144 = tpu.memref_slice %arg16[%dma_wait3A_142, %dma_wait3A_143] : memref<10112x128xf32, #tpu.memory_space<vmem_shared>> -> memref<10112x128xf32, #tpu.memory_space<vmem_shared>>
      tpu.wait_indirect_dma semaphore(%run_scoped3A : memref<!tpu.dma_semaphore, #tpu.memory_space<semaphore_mem>>) src(%arg13 : memref<80x128xf32, #tpu.memory_space<vmem>>) dst(%dma_wait3A_144 : memref<10112x128xf32, #tpu.memory_space<vmem_shared>>)
      tpu.yield
    }) : () -> ()
    "tpu.region"() ({
      %run_scoped3A = tpu.sem_alloc : memref<!tpu.dma_semaphore, #tpu.memory_space<semaphore_mem>>
      %dma_start3A_139 = arith.constant 0 : i32
      %dma_start3A_140 = tpu.memref_slice %arg17[%dma_start3A_139] : memref<10240xf32, #tpu.memory_space<vmem_shared>> -> memref<10240xf32, #tpu.memory_space<vmem_shared>>
      tpu.enqueue_indirect_dma source(%arg15 : memref<80xf32, #tpu.memory_space<vmem>>) target(%dma_start3A_140 : memref<10240xf32, #tpu.memory_space<vmem_shared>>) offsets(%arg10 : memref<80xi32, #tpu.memory_space<vmem>>) semaphore(%run_scoped3A : memref<!tpu.dma_semaphore, #tpu.memory_space<semaphore_mem>>) {add = true}
      %dma_wait3A_141 = arith.constant 0 : i32
      %dma_wait3A_142 = tpu.memref_slice %arg17[%dma_wait3A_141] : memref<10240xf32, #tpu.memory_space<vmem_shared>> -> memref<10240xf32, #tpu.memory_space<vmem_shared>>
      tpu.wait_indirect_dma semaphore(%run_scoped3A : memref<!tpu.dma_semaphore, #tpu.memory_space<semaphore_mem>>) src(%arg15 : memref<80xf32, #tpu.memory_space<vmem>>) dst(%dma_wait3A_142 : memref<10240xf32, #tpu.memory_space<vmem_shared>>)
      tpu.yield
    }) : () -> ()
    %barrier3A_134 = arith.constant 0 : index
    tpu.barrier barrier_id(%barrier3A_134)
    %mul3A_135 = arith.constant 632 : i32
    %mul3A_136 = arith.muli %arg1, %mul3A_135 : i32
    "tpu.region"() ({
      %run_scoped3A = tpu.sem_alloc : memref<!tpu.dma_semaphore, #tpu.memory_space<semaphore_mem>>
      %dma_start3A_139 = arith.constant 0 : i32
      %dma_start3A_140 = tpu.memref_slice %arg6[%arg0, %mul3A_136, %dma_start3A_139] : memref<2x10112x128xf32, #tpu.memory_space<hbm>> -> memref<1x632x128xf32, #tpu.memory_space<hbm>>
      %dma_start3A_141 = tpu.memref_squeeze %dma_start3A_140 : memref<1x632x128xf32, #tpu.memory_space<hbm>> -> memref<632x128xf32, #tpu.memory_space<hbm>>
      %dma_start3A_142 = arith.constant 0 : i32
      %dma_start3A_143 = tpu.memref_slice %arg16[%mul3A_136, %dma_start3A_142] : memref<10112x128xf32, #tpu.memory_space<vmem_shared>> -> memref<632x128xf32, #tpu.memory_space<vmem_shared>>
      tpu.enqueue_dma source(%dma_start3A_143 : memref<632x128xf32, #tpu.memory_space<vmem_shared>>) target(%dma_start3A_141 : memref<632x128xf32, #tpu.memory_space<hbm>>) target_semaphore(%run_scoped3A : memref<!tpu.dma_semaphore, #tpu.memory_space<semaphore_mem>>)
      %dma_wait3A_144 = arith.constant 0 : i32
      %dma_wait3A_145 = tpu.memref_slice %arg6[%arg0, %mul3A_136, %dma_wait3A_144] : memref<2x10112x128xf32, #tpu.memory_space<hbm>> -> memref<1x632x128xf32, #tpu.memory_space<hbm>>
      %dma_wait3A_146 = tpu.memref_squeeze %dma_wait3A_145 : memref<1x632x128xf32, #tpu.memory_space<hbm>> -> memref<632x128xf32, #tpu.memory_space<hbm>>
      %dma_wait3A_147 = arith.constant 0 : i32
      %dma_wait3A_148 = tpu.memref_slice %arg16[%mul3A_136, %dma_wait3A_147] : memref<10112x128xf32, #tpu.memory_space<vmem_shared>> -> memref<632x128xf32, #tpu.memory_space<vmem_shared>>
      tpu.wait_dma2 semaphore(%run_scoped3A : memref<!tpu.dma_semaphore, #tpu.memory_space<semaphore_mem>>) src(%dma_wait3A_148 : memref<632x128xf32, #tpu.memory_space<vmem_shared>>) dst(%dma_wait3A_146 : memref<632x128xf32, #tpu.memory_space<hbm>>)
      tpu.yield
    }) : () -> ()
    %mul3A_137 = arith.constant 640 : i32
    %mul3A_138 = arith.muli %arg1, %mul3A_137 : i32
    "tpu.region"() ({
      %run_scoped3A = tpu.sem_alloc : memref<!tpu.dma_semaphore, #tpu.memory_space<semaphore_mem>>
      %dma_start3A_139 = tpu.memref_slice %arg7[%arg0, %mul3A_138] : memref<2x10240xf32, #tpu.memory_space<hbm>> -> memref<1x640xf32, #tpu.memory_space<hbm>>
      %dma_start3A_140 = tpu.memref_squeeze %dma_start3A_139 : memref<1x640xf32, #tpu.memory_space<hbm>> -> memref<640xf32, #tpu.memory_space<hbm>>
      %dma_start3A_141 = tpu.memref_slice %arg17[%mul3A_138] : memref<10240xf32, #tpu.memory_space<vmem_shared>> -> memref<640xf32, #tpu.memory_space<vmem_shared>>
      tpu.enqueue_dma source(%dma_start3A_141 : memref<640xf32, #tpu.memory_space<vmem_shared>>) target(%dma_start3A_140 : memref<640xf32, #tpu.memory_space<hbm>>) target_semaphore(%run_scoped3A : memref<!tpu.dma_semaphore, #tpu.memory_space<semaphore_mem>>)
      %dma_wait3A_142 = tpu.memref_slice %arg7[%arg0, %mul3A_138] : memref<2x10240xf32, #tpu.memory_space<hbm>> -> memref<1x640xf32, #tpu.memory_space<hbm>>
      %dma_wait3A_143 = tpu.memref_squeeze %dma_wait3A_142 : memref<1x640xf32, #tpu.memory_space<hbm>> -> memref<640xf32, #tpu.memory_space<hbm>>
      %dma_wait3A_144 = tpu.memref_slice %arg17[%mul3A_138] : memref<10240xf32, #tpu.memory_space<vmem_shared>> -> memref<640xf32, #tpu.memory_space<vmem_shared>>
      tpu.wait_dma2 semaphore(%run_scoped3A : memref<!tpu.dma_semaphore, #tpu.memory_space<semaphore_mem>>) src(%dma_wait3A_144 : memref<640xf32, #tpu.memory_space<vmem_shared>>) dst(%dma_wait3A_143 : memref<640xf32, #tpu.memory_space<hbm>>)
      tpu.yield
    }) : () -> ()
    return
  }
}

#map = affine_map<(d0, d1) -> (0, 0)>
#map1 = affine_map<(d0, d1) -> (0, 0, 0)>
module attributes {stable_mosaic.version = 14 : i64} {
  func.func @_sc_agg_body(%arg0: i32, %arg1: i32, %arg2: memref<10000x128xf32, #tpu.memory_space<hbm>>, %arg3: memref<32x125x80xi32, #tpu.memory_space<hbm>>, %arg4: memref<632x128xf32, #tpu.memory_space<hbm>>, %arg5: memref<2x10112x128xf32, #tpu.memory_space<hbm>>, %arg6: memref<125x80xi32, #tpu.memory_space<vmem>>, %arg7: memref<80xi32, #tpu.memory_space<vmem>>, %arg8: memref<80xi32, #tpu.memory_space<vmem>>, %arg9: memref<80xi32, #tpu.memory_space<vmem>>, %arg10: memref<80xi32, #tpu.memory_space<vmem>>, %arg11: memref<80x128xf32, #tpu.memory_space<vmem>>, %arg12: memref<80x128xf32, #tpu.memory_space<vmem>>, %arg13: memref<10112x128xf32, #tpu.memory_space<vmem_shared>>, %arg14: memref<!tpu.dma_semaphore, #tpu.memory_space<semaphore_mem>>, %arg15: memref<!tpu.dma_semaphore, #tpu.memory_space<semaphore_mem>>) attributes {dimension_semantics = [#tpu.dimension_semantics<core_parallel>, #tpu.dimension_semantics<subcore_parallel>], iteration_bounds = array<i64: 2, 16>, scalar_prefetch = 0 : i64, scratch_operands = 10 : i64, tpu.core_type = #tpu.core_type<sc_vector_subcore>, window_params = [{transform_indices = #map}, {transform_indices = #map1}, {transform_indices = #map}, {transform_indices = #map1}]} {
    %mul3A = arith.constant 16 : i32
    %mul3A_0 = arith.muli %arg0, %mul3A : i32
    %add3A = arith.addi %mul3A_0, %arg1 : i32
    %mul3A_1 = arith.constant 632 : i32
    %mul3A_2 = arith.muli %arg1, %mul3A_1 : i32
    "tpu.region"() ({
      %run_scoped3A = tpu.sem_alloc : memref<!tpu.dma_semaphore, #tpu.memory_space<semaphore_mem>>
      %dma_start3A_106 = arith.constant 0 : i32
      %dma_start3A_107 = tpu.memref_slice %arg13[%mul3A_2, %dma_start3A_106] : memref<10112x128xf32, #tpu.memory_space<vmem_shared>> -> memref<632x128xf32, #tpu.memory_space<vmem_shared>>
      tpu.enqueue_dma source(%arg4 : memref<632x128xf32, #tpu.memory_space<hbm>>) target(%dma_start3A_107 : memref<632x128xf32, #tpu.memory_space<vmem_shared>>) target_semaphore(%run_scoped3A : memref<!tpu.dma_semaphore, #tpu.memory_space<semaphore_mem>>)
      %dma_wait3A_108 = arith.constant 0 : i32
      %dma_wait3A_109 = tpu.memref_slice %arg13[%mul3A_2, %dma_wait3A_108] : memref<10112x128xf32, #tpu.memory_space<vmem_shared>> -> memref<632x128xf32, #tpu.memory_space<vmem_shared>>
      tpu.wait_dma2 semaphore(%run_scoped3A : memref<!tpu.dma_semaphore, #tpu.memory_space<semaphore_mem>>) src(%arg4 : memref<632x128xf32, #tpu.memory_space<hbm>>) dst(%dma_wait3A_109 : memref<632x128xf32, #tpu.memory_space<vmem_shared>>)
      tpu.yield
    }) : () -> ()
    "tpu.region"() ({
      %run_scoped3A = tpu.sem_alloc : memref<!tpu.dma_semaphore, #tpu.memory_space<semaphore_mem>>
      %dma_start3A_106 = arith.constant 0 : i32
      %dma_start3A_107 = arith.constant 0 : i32
      %dma_start3A_108 = tpu.memref_slice %arg3[%add3A, %dma_start3A_106, %dma_start3A_107] : memref<32x125x80xi32, #tpu.memory_space<hbm>> -> memref<1x125x80xi32, #tpu.memory_space<hbm>>
      %dma_start3A_109 = tpu.memref_squeeze %dma_start3A_108 : memref<1x125x80xi32, #tpu.memory_space<hbm>> -> memref<125x80xi32, #tpu.memory_space<hbm>>
      %dma_start3A_110 = arith.constant 0 : i32
      %dma_start3A_111 = arith.constant 0 : i32
      %dma_start3A_112 = tpu.memref_slice %arg3[%add3A, %dma_start3A_110, %dma_start3A_111] : memref<32x125x80xi32, #tpu.memory_space<hbm>> -> memref<1x125x80xi32, #tpu.memory_space<hbm>>
      %dma_start3A_113 = tpu.memref_squeeze %dma_start3A_112 : memref<1x125x80xi32, #tpu.memory_space<hbm>> -> memref<125x80xi32, #tpu.memory_space<hbm>>
      tpu.enqueue_dma source(%dma_start3A_113 : memref<125x80xi32, #tpu.memory_space<hbm>>) target(%arg6 : memref<125x80xi32, #tpu.memory_space<vmem>>) target_semaphore(%run_scoped3A : memref<!tpu.dma_semaphore, #tpu.memory_space<semaphore_mem>>)
      %dma_wait3A_114 = arith.constant 0 : i32
      %dma_wait3A_115 = arith.constant 0 : i32
      %dma_wait3A_116 = tpu.memref_slice %arg3[%add3A, %dma_wait3A_114, %dma_wait3A_115] : memref<32x125x80xi32, #tpu.memory_space<hbm>> -> memref<1x125x80xi32, #tpu.memory_space<hbm>>
      %dma_wait3A_117 = tpu.memref_squeeze %dma_wait3A_116 : memref<1x125x80xi32, #tpu.memory_space<hbm>> -> memref<125x80xi32, #tpu.memory_space<hbm>>
      %dma_wait3A_118 = arith.constant 0 : i32
      %dma_wait3A_119 = arith.constant 0 : i32
      %dma_wait3A_120 = tpu.memref_slice %arg3[%add3A, %dma_wait3A_118, %dma_wait3A_119] : memref<32x125x80xi32, #tpu.memory_space<hbm>> -> memref<1x125x80xi32, #tpu.memory_space<hbm>>
      %dma_wait3A_121 = tpu.memref_squeeze %dma_wait3A_120 : memref<1x125x80xi32, #tpu.memory_space<hbm>> -> memref<125x80xi32, #tpu.memory_space<hbm>>
      tpu.wait_dma2 semaphore(%run_scoped3A : memref<!tpu.dma_semaphore, #tpu.memory_space<semaphore_mem>>) src(%dma_wait3A_121 : memref<125x80xi32, #tpu.memory_space<hbm>>) dst(%arg6 : memref<125x80xi32, #tpu.memory_space<vmem>>)
      tpu.yield
    }) : () -> ()
    %barrier3A = arith.constant 0 : index
    tpu.barrier barrier_id(%barrier3A)
    %get3A = arith.constant 0 : i32
    %get3A_3 = arith.index_cast %get3A : i32 to index
    %get3A_4 = arith.constant 0 : index
    %get3A_5 = tpu.vector_load %arg6[%get3A_3, %get3A_4] {strides = array<i32>} : memref<125x80xi32, #tpu.memory_space<vmem>>, vector<1x16xi32>,
    %get3A_6 = vector.shape_cast %get3A_5 : vector<1x16xi32> to vector<16xi32>
    %and3A = arith.constant 65535 : i32
    %and3A_7 = vector.broadcast %and3A : i32 to vector<16xi32>
    %and3A_8 = arith.andi %get3A_6, %and3A_7 : vector<16xi32>
    %swap3A = arith.constant 0 : index
    %swap3A_9 = tpu.vector_load %arg7[%swap3A] {strides = array<i32>} : memref<80xi32, #tpu.memory_space<vmem>>, vector<16xi32>,
    %swap3A_10 = vector.shape_cast %swap3A_9 : vector<16xi32> to vector<16xi32>
    %swap3A_11 = vector.shape_cast %and3A_8 : vector<16xi32> to vector<16xi32>
    tpu.vector_store %arg7[%swap3A], %swap3A_11 {strides = array<i32>} : memref<80xi32, #tpu.memory_space<vmem>>, vector<16xi32>,
    %shift_right_arithmetic3A = arith.constant 16 : i32
    %shift_right_arithmetic3A_12 = vector.broadcast %shift_right_arithmetic3A : i32 to vector<16xi32>
    %shift_right_arithmetic3A_13 = arith.shrsi %get3A_6, %shift_right_arithmetic3A_12 : vector<16xi32>
    %swap3A_14 = arith.constant 0 : index
    %swap3A_15 = tpu.vector_load %arg8[%swap3A_14] {strides = array<i32>} : memref<80xi32, #tpu.memory_space<vmem>>, vector<16xi32>,
    %swap3A_16 = vector.shape_cast %swap3A_15 : vector<16xi32> to vector<16xi32>
    %swap3A_17 = vector.shape_cast %shift_right_arithmetic3A_13 : vector<16xi32> to vector<16xi32>
    tpu.vector_store %arg8[%swap3A_14], %swap3A_17 {strides = array<i32>} : memref<80xi32, #tpu.memory_space<vmem>>, vector<16xi32>,
    %get3A_18 = arith.constant 0 : i32
    %get3A_19 = arith.index_cast %get3A_18 : i32 to index
    %get3A_20 = arith.constant 16 : index
    %get3A_21 = tpu.vector_load %arg6[%get3A_19, %get3A_20] {strides = array<i32>} : memref<125x80xi32, #tpu.memory_space<vmem>>, vector<1x16xi32>,
    %get3A_22 = vector.shape_cast %get3A_21 : vector<1x16xi32> to vector<16xi32>
    %and3A_23 = arith.constant 65535 : i32
    %and3A_24 = vector.broadcast %and3A_23 : i32 to vector<16xi32>
    %and3A_25 = arith.andi %get3A_22, %and3A_24 : vector<16xi32>
    %swap3A_26 = arith.constant 16 : index
    %swap3A_27 = tpu.vector_load %arg7[%swap3A_26] {strides = array<i32>} : memref<80xi32, #tpu.memory_space<vmem>>, vector<16xi32>,
    %swap3A_28 = vector.shape_cast %swap3A_27 : vector<16xi32> to vector<16xi32>
    %swap3A_29 = vector.shape_cast %and3A_25 : vector<16xi32> to vector<16xi32>
    tpu.vector_store %arg7[%swap3A_26], %swap3A_29 {strides = array<i32>} : memref<80xi32, #tpu.memory_space<vmem>>, vector<16xi32>,
    %shift_right_arithmetic3A_30 = arith.constant 16 : i32
    %shift_right_arithmetic3A_31 = vector.broadcast %shift_right_arithmetic3A_30 : i32 to vector<16xi32>
    %shift_right_arithmetic3A_32 = arith.shrsi %get3A_22, %shift_right_arithmetic3A_31 : vector<16xi32>
    %swap3A_33 = arith.constant 16 : index
    %swap3A_34 = tpu.vector_load %arg8[%swap3A_33] {strides = array<i32>} : memref<80xi32, #tpu.memory_space<vmem>>, vector<16xi32>,
    %swap3A_35 = vector.shape_cast %swap3A_34 : vector<16xi32> to vector<16xi32>
    %swap3A_36 = vector.shape_cast %shift_right_arithmetic3A_32 : vector<16xi32> to vector<16xi32>
    tpu.vector_store %arg8[%swap3A_33], %swap3A_36 {strides = array<i32>} : memref<80xi32, #tpu.memory_space<vmem>>, vector<16xi32>,
    %get3A_37 = arith.constant 0 : i32
    %get3A_38 = arith.index_cast %get3A_37 : i32 to index
    %get3A_39 = arith.constant 32 : index
    %get3A_40 = tpu.vector_load %arg6[%get3A_38, %get3A_39] {strides = array<i32>} : memref<125x80xi32, #tpu.memory_space<vmem>>, vector<1x16xi32>,
    %get3A_41 = vector.shape_cast %get3A_40 : vector<1x16xi32> to vector<16xi32>
    %and3A_42 = arith.constant 65535 : i32
    %and3A_43 = vector.broadcast %and3A_42 : i32 to vector<16xi32>
    %and3A_44 = arith.andi %get3A_41, %and3A_43 : vector<16xi32>
    %swap3A_45 = arith.constant 32 : index
    %swap3A_46 = tpu.vector_load %arg7[%swap3A_45] {strides = array<i32>} : memref<80xi32, #tpu.memory_space<vmem>>, vector<16xi32>,
    %swap3A_47 = vector.shape_cast %swap3A_46 : vector<16xi32> to vector<16xi32>
    %swap3A_48 = vector.shape_cast %and3A_44 : vector<16xi32> to vector<16xi32>
    tpu.vector_store %arg7[%swap3A_45], %swap3A_48 {strides = array<i32>} : memref<80xi32, #tpu.memory_space<vmem>>, vector<16xi32>,
    %shift_right_arithmetic3A_49 = arith.constant 16 : i32
    %shift_right_arithmetic3A_50 = vector.broadcast %shift_right_arithmetic3A_49 : i32 to vector<16xi32>
    %shift_right_arithmetic3A_51 = arith.shrsi %get3A_41, %shift_right_arithmetic3A_50 : vector<16xi32>
    %swap3A_52 = arith.constant 32 : index
    %swap3A_53 = tpu.vector_load %arg8[%swap3A_52] {strides = array<i32>} : memref<80xi32, #tpu.memory_space<vmem>>, vector<16xi32>,
    %swap3A_54 = vector.shape_cast %swap3A_53 : vector<16xi32> to vector<16xi32>
    %swap3A_55 = vector.shape_cast %shift_right_arithmetic3A_51 : vector<16xi32> to vector<16xi32>
    tpu.vector_store %arg8[%swap3A_52], %swap3A_55 {strides = array<i32>} : memref<80xi32, #tpu.memory_space<vmem>>, vector<16xi32>,
    %get3A_56 = arith.constant 0 : i32
    %get3A_57 = arith.index_cast %get3A_56 : i32 to index
    %get3A_58 = arith.constant 48 : index
    %get3A_59 = tpu.vector_load %arg6[%get3A_57, %get3A_58] {strides = array<i32>} : memref<125x80xi32, #tpu.memory_space<vmem>>, vector<1x16xi32>,
    %get3A_60 = vector.shape_cast %get3A_59 : vector<1x16xi32> to vector<16xi32>
    %and3A_61 = arith.constant 65535 : i32
    %and3A_62 = vector.broadcast %and3A_61 : i32 to vector<16xi32>
    %and3A_63 = arith.andi %get3A_60, %and3A_62 : vector<16xi32>
    %swap3A_64 = arith.constant 48 : index
    %swap3A_65 = tpu.vector_load %arg7[%swap3A_64] {strides = array<i32>} : memref<80xi32, #tpu.memory_space<vmem>>, vector<16xi32>,
    %swap3A_66 = vector.shape_cast %swap3A_65 : vector<16xi32> to vector<16xi32>
    %swap3A_67 = vector.shape_cast %and3A_63 : vector<16xi32> to vector<16xi32>
    tpu.vector_store %arg7[%swap3A_64], %swap3A_67 {strides = array<i32>} : memref<80xi32, #tpu.memory_space<vmem>>, vector<16xi32>,
    %shift_right_arithmetic3A_68 = arith.constant 16 : i32
    %shift_right_arithmetic3A_69 = vector.broadcast %shift_right_arithmetic3A_68 : i32 to vector<16xi32>
    %shift_right_arithmetic3A_70 = arith.shrsi %get3A_60, %shift_right_arithmetic3A_69 : vector<16xi32>
    %swap3A_71 = arith.constant 48 : index
    %swap3A_72 = tpu.vector_load %arg8[%swap3A_71] {strides = array<i32>} : memref<80xi32, #tpu.memory_space<vmem>>, vector<16xi32>,
    %swap3A_73 = vector.shape_cast %swap3A_72 : vector<16xi32> to vector<16xi32>
    %swap3A_74 = vector.shape_cast %shift_right_arithmetic3A_70 : vector<16xi32> to vector<16xi32>
    tpu.vector_store %arg8[%swap3A_71], %swap3A_74 {strides = array<i32>} : memref<80xi32, #tpu.memory_space<vmem>>, vector<16xi32>,
    %get3A_75 = arith.constant 0 : i32
    %get3A_76 = arith.index_cast %get3A_75 : i32 to index
    %get3A_77 = arith.constant 64 : index
    %get3A_78 = tpu.vector_load %arg6[%get3A_76, %get3A_77] {strides = array<i32>} : memref<125x80xi32, #tpu.memory_space<vmem>>, vector<1x16xi32>,
    %get3A_79 = vector.shape_cast %get3A_78 : vector<1x16xi32> to vector<16xi32>
    %and3A_80 = arith.constant 65535 : i32
    %and3A_81 = vector.broadcast %and3A_80 : i32 to vector<16xi32>
    %and3A_82 = arith.andi %get3A_79, %and3A_81 : vector<16xi32>
    %swap3A_83 = arith.constant 64 : index
    %swap3A_84 = tpu.vector_load %arg7[%swap3A_83] {strides = array<i32>} : memref<80xi32, #tpu.memory_space<vmem>>, vector<16xi32>,
    %swap3A_85 = vector.shape_cast %swap3A_84 : vector<16xi32> to vector<16xi32>
    %swap3A_86 = vector.shape_cast %and3A_82 : vector<16xi32> to vector<16xi32>
    tpu.vector_store %arg7[%swap3A_83], %swap3A_86 {strides = array<i32>} : memref<80xi32, #tpu.memory_space<vmem>>, vector<16xi32>,
    %shift_right_arithmetic3A_87 = arith.constant 16 : i32
    %shift_right_arithmetic3A_88 = vector.broadcast %shift_right_arithmetic3A_87 : i32 to vector<16xi32>
    %shift_right_arithmetic3A_89 = arith.shrsi %get3A_79, %shift_right_arithmetic3A_88 : vector<16xi32>
    %swap3A_90 = arith.constant 64 : index
    %swap3A_91 = tpu.vector_load %arg8[%swap3A_90] {strides = array<i32>} : memref<80xi32, #tpu.memory_space<vmem>>, vector<16xi32>,
    %swap3A_92 = vector.shape_cast %swap3A_91 : vector<16xi32> to vector<16xi32>
    %swap3A_93 = vector.shape_cast %shift_right_arithmetic3A_89 : vector<16xi32> to vector<16xi32>
    tpu.vector_store %arg8[%swap3A_90], %swap3A_93 {strides = array<i32>} : memref<80xi32, #tpu.memory_space<vmem>>, vector<16xi32>,
    %dma_start3A = arith.constant 0 : i32
    %dma_start3A_94 = arith.constant 0 : i32
    %dma_start3A_95 = tpu.memref_slice %arg2[%dma_start3A, %dma_start3A_94] : memref<10000x128xf32, #tpu.memory_space<hbm>> -> memref<10000x128xf32, #tpu.memory_space<hbm>>
    tpu.enqueue_indirect_dma source(%dma_start3A_95 : memref<10000x128xf32, #tpu.memory_space<hbm>>) target(%arg11 : memref<80x128xf32, #tpu.memory_space<vmem>>) offsets(%arg7 : memref<80xi32, #tpu.memory_space<vmem>>) semaphore(%arg14 : memref<!tpu.dma_semaphore, #tpu.memory_space<semaphore_mem>>)
    %scan3A = arith.constant 0 : i32
    %scan3A_96 = arith.constant 0 : i32
    %scan3A_97 = arith.constant 62 : i32
    %scan3A_98 = arith.addi %scan3A_96, %scan3A_97 : i32
    %scan3A_99 = arith.constant 1 : i32
    scf.for %scan3A_106 = %scan3A_96 to %scan3A_98 step %scan3A_99  : i32 {
      %mul3A_107 = arith.constant 2 : i32
      %mul3A_108 = arith.muli %mul3A_107, %scan3A_106 : i32
      %add3A_109 = arith.constant 1 : i32
      %add3A_110 = arith.addi %mul3A_108, %add3A_109 : i32
      %get3A_111 = arith.index_cast %add3A_110 : i32 to index
      %get3A_112 = arith.constant 0 : index
      %get3A_113 = tpu.vector_load %arg6[%get3A_111, %get3A_112] {strides = array<i32>} : memref<125x80xi32, #tpu.memory_space<vmem>>, vector<1x16xi32>,
      %get3A_114 = vector.shape_cast %get3A_113 : vector<1x16xi32> to vector<16xi32>
      %and3A_115 = arith.constant 65535 : i32
      %and3A_116 = vector.broadcast %and3A_115 : i32 to vector<16xi32>
      %and3A_117 = arith.andi %get3A_114, %and3A_116 : vector<16xi32>
      %swap3A_118 = arith.constant 0 : index
      %swap3A_119 = tpu.vector_load %arg9[%swap3A_118] {strides = array<i32>} : memref<80xi32, #tpu.memory_space<vmem>>, vector<16xi32>,
      %swap3A_120 = vector.shape_cast %swap3A_119 : vector<16xi32> to vector<16xi32>
      %swap3A_121 = vector.shape_cast %and3A_117 : vector<16xi32> to vector<16xi32>
      tpu.vector_store %arg9[%swap3A_118], %swap3A_121 {strides = array<i32>} : memref<80xi32, #tpu.memory_space<vmem>>, vector<16xi32>,
      %shift_right_arithmetic3A_122 = arith.constant 16 : i32
      %shift_right_arithmetic3A_123 = vector.broadcast %shift_right_arithmetic3A_122 : i32 to vector<16xi32>
      %shift_right_arithmetic3A_124 = arith.shrsi %get3A_114, %shift_right_arithmetic3A_123 : vector<16xi32>
      %swap3A_125 = arith.constant 0 : index
      %swap3A_126 = tpu.vector_load %arg10[%swap3A_125] {strides = array<i32>} : memref<80xi32, #tpu.memory_space<vmem>>, vector<16xi32>,
      %swap3A_127 = vector.shape_cast %swap3A_126 : vector<16xi32> to vector<16xi32>
      %swap3A_128 = vector.shape_cast %shift_right_arithmetic3A_124 : vector<16xi32> to vector<16xi32>
      tpu.vector_store %arg10[%swap3A_125], %swap3A_128 {strides = array<i32>} : memref<80xi32, #tpu.memory_space<vmem>>, vector<16xi32>,
      %get3A_129 = arith.index_cast %add3A_110 : i32 to index
      %get3A_130 = arith.constant 16 : index
      %get3A_131 = tpu.vector_load %arg6[%get3A_129, %get3A_130] {strides = array<i32>} : memref<125x80xi32, #tpu.memory_space<vmem>>, vector<1x16xi32>,
      %get3A_132 = vector.shape_cast %get3A_131 : vector<1x16xi32> to vector<16xi32>
      %and3A_133 = arith.constant 65535 : i32
      %and3A_134 = vector.broadcast %and3A_133 : i32 to vector<16xi32>
      %and3A_135 = arith.andi %get3A_132, %and3A_134 : vector<16xi32>
      %swap3A_136 = arith.constant 16 : index
      %swap3A_137 = tpu.vector_load %arg9[%swap3A_136] {strides = array<i32>} : memref<80xi32, #tpu.memory_space<vmem>>, vector<16xi32>,
      %swap3A_138 = vector.shape_cast %swap3A_137 : vector<16xi32> to vector<16xi32>
      %swap3A_139 = vector.shape_cast %and3A_135 : vector<16xi32> to vector<16xi32>
      tpu.vector_store %arg9[%swap3A_136], %swap3A_139 {strides = array<i32>} : memref<80xi32, #tpu.memory_space<vmem>>, vector<16xi32>,
      %shift_right_arithmetic3A_140 = arith.constant 16 : i32
      %shift_right_arithmetic3A_141 = vector.broadcast %shift_right_arithmetic3A_140 : i32 to vector<16xi32>
      %shift_right_arithmetic3A_142 = arith.shrsi %get3A_132, %shift_right_arithmetic3A_141 : vector<16xi32>
      %swap3A_143 = arith.constant 16 : index
      %swap3A_144 = tpu.vector_load %arg10[%swap3A_143] {strides = array<i32>} : memref<80xi32, #tpu.memory_space<vmem>>, vector<16xi32>,
      %swap3A_145 = vector.shape_cast %swap3A_144 : vector<16xi32> to vector<16xi32>
      %swap3A_146 = vector.shape_cast %shift_right_arithmetic3A_142 : vector<16xi32> to vector<16xi32>
      tpu.vector_store %arg10[%swap3A_143], %swap3A_146 {strides = array<i32>} : memref<80xi32, #tpu.memory_space<vmem>>, vector<16xi32>,
      %get3A_147 = arith.index_cast %add3A_110 : i32 to index
      %get3A_148 = arith.constant 32 : index
      %get3A_149 = tpu.vector_load %arg6[%get3A_147, %get3A_148] {strides = array<i32>} : memref<125x80xi32, #tpu.memory_space<vmem>>, vector<1x16xi32>,
      %get3A_150 = vector.shape_cast %get3A_149 : vector<1x16xi32> to vector<16xi32>
      %and3A_151 = arith.constant 65535 : i32
      %and3A_152 = vector.broadcast %and3A_151 : i32 to vector<16xi32>
      %and3A_153 = arith.andi %get3A_150, %and3A_152 : vector<16xi32>
      %swap3A_154 = arith.constant 32 : index
      %swap3A_155 = tpu.vector_load %arg9[%swap3A_154] {strides = array<i32>} : memref<80xi32, #tpu.memory_space<vmem>>, vector<16xi32>,
      %swap3A_156 = vector.shape_cast %swap3A_155 : vector<16xi32> to vector<16xi32>
      %swap3A_157 = vector.shape_cast %and3A_153 : vector<16xi32> to vector<16xi32>
      tpu.vector_store %arg9[%swap3A_154], %swap3A_157 {strides = array<i32>} : memref<80xi32, #tpu.memory_space<vmem>>, vector<16xi32>,
      %shift_right_arithmetic3A_158 = arith.constant 16 : i32
      %shift_right_arithmetic3A_159 = vector.broadcast %shift_right_arithmetic3A_158 : i32 to vector<16xi32>
      %shift_right_arithmetic3A_160 = arith.shrsi %get3A_150, %shift_right_arithmetic3A_159 : vector<16xi32>
      %swap3A_161 = arith.constant 32 : index
      %swap3A_162 = tpu.vector_load %arg10[%swap3A_161] {strides = array<i32>} : memref<80xi32, #tpu.memory_space<vmem>>, vector<16xi32>,
      %swap3A_163 = vector.shape_cast %swap3A_162 : vector<16xi32> to vector<16xi32>
      %swap3A_164 = vector.shape_cast %shift_right_arithmetic3A_160 : vector<16xi32> to vector<16xi32>
      tpu.vector_store %arg10[%swap3A_161], %swap3A_164 {strides = array<i32>} : memref<80xi32, #tpu.memory_space<vmem>>, vector<16xi32>,
      %get3A_165 = arith.index_cast %add3A_110 : i32 to index
      %get3A_166 = arith.constant 48 : index
      %get3A_167 = tpu.vector_load %arg6[%get3A_165, %get3A_166] {strides = array<i32>} : memref<125x80xi32, #tpu.memory_space<vmem>>, vector<1x16xi32>,
      %get3A_168 = vector.shape_cast %get3A_167 : vector<1x16xi32> to vector<16xi32>
      %and3A_169 = arith.constant 65535 : i32
      %and3A_170 = vector.broadcast %and3A_169 : i32 to vector<16xi32>
      %and3A_171 = arith.andi %get3A_168, %and3A_170 : vector<16xi32>
      %swap3A_172 = arith.constant 48 : index
      %swap3A_173 = tpu.vector_load %arg9[%swap3A_172] {strides = array<i32>} : memref<80xi32, #tpu.memory_space<vmem>>, vector<16xi32>,
      %swap3A_174 = vector.shape_cast %swap3A_173 : vector<16xi32> to vector<16xi32>
      %swap3A_175 = vector.shape_cast %and3A_171 : vector<16xi32> to vector<16xi32>
      tpu.vector_store %arg9[%swap3A_172], %swap3A_175 {strides = array<i32>} : memref<80xi32, #tpu.memory_space<vmem>>, vector<16xi32>,
      %shift_right_arithmetic3A_176 = arith.constant 16 : i32
      %shift_right_arithmetic3A_177 = vector.broadcast %shift_right_arithmetic3A_176 : i32 to vector<16xi32>
      %shift_right_arithmetic3A_178 = arith.shrsi %get3A_168, %shift_right_arithmetic3A_177 : vector<16xi32>
      %swap3A_179 = arith.constant 48 : index
      %swap3A_180 = tpu.vector_load %arg10[%swap3A_179] {strides = array<i32>} : memref<80xi32, #tpu.memory_space<vmem>>, vector<16xi32>,
      %swap3A_181 = vector.shape_cast %swap3A_180 : vector<16xi32> to vector<16xi32>
      %swap3A_182 = vector.shape_cast %shift_right_arithmetic3A_178 : vector<16xi32> to vector<16xi32>
      tpu.vector_store %arg10[%swap3A_179], %swap3A_182 {strides = array<i32>} : memref<80xi32, #tpu.memory_space<vmem>>, vector<16xi32>,
      %get3A_183 = arith.index_cast %add3A_110 : i32 to index
      %get3A_184 = arith.constant 64 : index
      %get3A_185 = tpu.vector_load %arg6[%get3A_183, %get3A_184] {strides = array<i32>} : memref<125x80xi32, #tpu.memory_space<vmem>>, vector<1x16xi32>,
      %get3A_186 = vector.shape_cast %get3A_185 : vector<1x16xi32> to vector<16xi32>
      %and3A_187 = arith.constant 65535 : i32
      %and3A_188 = vector.broadcast %and3A_187 : i32 to vector<16xi32>
      %and3A_189 = arith.andi %get3A_186, %and3A_188 : vector<16xi32>
      %swap3A_190 = arith.constant 64 : index
      %swap3A_191 = tpu.vector_load %arg9[%swap3A_190] {strides = array<i32>} : memref<80xi32, #tpu.memory_space<vmem>>, vector<16xi32>,
      %swap3A_192 = vector.shape_cast %swap3A_191 : vector<16xi32> to vector<16xi32>
      %swap3A_193 = vector.shape_cast %and3A_189 : vector<16xi32> to vector<16xi32>
      tpu.vector_store %arg9[%swap3A_190], %swap3A_193 {strides = array<i32>} : memref<80xi32, #tpu.memory_space<vmem>>, vector<16xi32>,
      %shift_right_arithmetic3A_194 = arith.constant 16 : i32
      %shift_right_arithmetic3A_195 = vector.broadcast %shift_right_arithmetic3A_194 : i32 to vector<16xi32>
      %shift_right_arithmetic3A_196 = arith.shrsi %get3A_186, %shift_right_arithmetic3A_195 : vector<16xi32>
      %swap3A_197 = arith.constant 64 : index
      %swap3A_198 = tpu.vector_load %arg10[%swap3A_197] {strides = array<i32>} : memref<80xi32, #tpu.memory_space<vmem>>, vector<16xi32>,
      %swap3A_199 = vector.shape_cast %swap3A_198 : vector<16xi32> to vector<16xi32>
      %swap3A_200 = vector.shape_cast %shift_right_arithmetic3A_196 : vector<16xi32> to vector<16xi32>
      tpu.vector_store %arg10[%swap3A_197], %swap3A_200 {strides = array<i32>} : memref<80xi32, #tpu.memory_space<vmem>>, vector<16xi32>,
      %dma_start3A_201 = arith.constant 0 : i32
      %dma_start3A_202 = arith.constant 0 : i32
      %dma_start3A_203 = tpu.memref_slice %arg2[%dma_start3A_201, %dma_start3A_202] : memref<10000x128xf32, #tpu.memory_space<hbm>> -> memref<10000x128xf32, #tpu.memory_space<hbm>>
      tpu.enqueue_indirect_dma source(%dma_start3A_203 : memref<10000x128xf32, #tpu.memory_space<hbm>>) target(%arg12 : memref<80x128xf32, #tpu.memory_space<vmem>>) offsets(%arg9 : memref<80xi32, #tpu.memory_space<vmem>>) semaphore(%arg15 : memref<!tpu.dma_semaphore, #tpu.memory_space<semaphore_mem>>)
      %dma_wait3A_204 = arith.constant 0 : i32
      %dma_wait3A_205 = arith.constant 0 : i32
      %dma_wait3A_206 = tpu.memref_slice %arg2[%dma_wait3A_204, %dma_wait3A_205] : memref<10000x128xf32, #tpu.memory_space<hbm>> -> memref<10000x128xf32, #tpu.memory_space<hbm>>
      tpu.wait_indirect_dma semaphore(%arg14 : memref<!tpu.dma_semaphore, #tpu.memory_space<semaphore_mem>>) src(%dma_wait3A_206 : memref<10000x128xf32, #tpu.memory_space<hbm>>) dst(%arg11 : memref<80x128xf32, #tpu.memory_space<vmem>>)
      "tpu.region"() ({
        %run_scoped3A = tpu.sem_alloc : memref<!tpu.dma_semaphore, #tpu.memory_space<semaphore_mem>>
        %dma_start3A_307 = arith.constant 0 : i32
        %dma_start3A_308 = arith.constant 0 : i32
        %dma_start3A_309 = tpu.memref_slice %arg13[%dma_start3A_307, %dma_start3A_308] : memref<10112x128xf32, #tpu.memory_space<vmem_shared>> -> memref<10112x128xf32, #tpu.memory_space<vmem_shared>>
        tpu.enqueue_indirect_dma source(%arg11 : memref<80x128xf32, #tpu.memory_space<vmem>>) target(%dma_start3A_309 : memref<10112x128xf32, #tpu.memory_space<vmem_shared>>) offsets(%arg8 : memref<80xi32, #tpu.memory_space<vmem>>) semaphore(%run_scoped3A : memref<!tpu.dma_semaphore, #tpu.memory_space<semaphore_mem>>) {add = true}
        %dma_wait3A_310 = arith.constant 0 : i32
        %dma_wait3A_311 = arith.constant 0 : i32
        %dma_wait3A_312 = tpu.memref_slice %arg13[%dma_wait3A_310, %dma_wait3A_311] : memref<10112x128xf32, #tpu.memory_space<vmem_shared>> -> memref<10112x128xf32, #tpu.memory_space<vmem_shared>>
        tpu.wait_indirect_dma semaphore(%run_scoped3A : memref<!tpu.dma_semaphore, #tpu.memory_space<semaphore_mem>>) src(%arg11 : memref<80x128xf32, #tpu.memory_space<vmem>>) dst(%dma_wait3A_312 : memref<10112x128xf32, #tpu.memory_space<vmem_shared>>)
        tpu.yield
      }) : () -> ()
      %mul3A_207 = arith.constant 2 : i32
      %mul3A_208 = arith.muli %mul3A_207, %scan3A_106 : i32
      %add3A_209 = arith.constant 2 : i32
      %add3A_210 = arith.addi %mul3A_208, %add3A_209 : i32
      %get3A_211 = arith.index_cast %add3A_210 : i32 to index
      %get3A_212 = arith.constant 0 : index
      %get3A_213 = tpu.vector_load %arg6[%get3A_211, %get3A_212] {strides = array<i32>} : memref<125x80xi32, #tpu.memory_space<vmem>>, vector<1x16xi32>,
      %get3A_214 = vector.shape_cast %get3A_213 : vector<1x16xi32> to vector<16xi32>
      %and3A_215 = arith.constant 65535 : i32
      %and3A_216 = vector.broadcast %and3A_215 : i32 to vector<16xi32>
      %and3A_217 = arith.andi %get3A_214, %and3A_216 : vector<16xi32>
      %swap3A_218 = arith.constant 0 : index
      %swap3A_219 = tpu.vector_load %arg7[%swap3A_218] {strides = array<i32>} : memref<80xi32, #tpu.memory_space<vmem>>, vector<16xi32>,
      %swap3A_220 = vector.shape_cast %swap3A_219 : vector<16xi32> to vector<16xi32>
      %swap3A_221 = vector.shape_cast %and3A_217 : vector<16xi32> to vector<16xi32>
      tpu.vector_store %arg7[%swap3A_218], %swap3A_221 {strides = array<i32>} : memref<80xi32, #tpu.memory_space<vmem>>, vector<16xi32>,
      %shift_right_arithmetic3A_222 = arith.constant 16 : i32
      %shift_right_arithmetic3A_223 = vector.broadcast %shift_right_arithmetic3A_222 : i32 to vector<16xi32>
      %shift_right_arithmetic3A_224 = arith.shrsi %get3A_214, %shift_right_arithmetic3A_223 : vector<16xi32>
      %swap3A_225 = arith.constant 0 : index
      %swap3A_226 = tpu.vector_load %arg8[%swap3A_225] {strides = array<i32>} : memref<80xi32, #tpu.memory_space<vmem>>, vector<16xi32>,
      %swap3A_227 = vector.shape_cast %swap3A_226 : vector<16xi32> to vector<16xi32>
      %swap3A_228 = vector.shape_cast %shift_right_arithmetic3A_224 : vector<16xi32> to vector<16xi32>
      tpu.vector_store %arg8[%swap3A_225], %swap3A_228 {strides = array<i32>} : memref<80xi32, #tpu.memory_space<vmem>>, vector<16xi32>,
      %get3A_229 = arith.index_cast %add3A_210 : i32 to index
      %get3A_230 = arith.constant 16 : index
      %get3A_231 = tpu.vector_load %arg6[%get3A_229, %get3A_230] {strides = array<i32>} : memref<125x80xi32, #tpu.memory_space<vmem>>, vector<1x16xi32>,
      %get3A_232 = vector.shape_cast %get3A_231 : vector<1x16xi32> to vector<16xi32>
      %and3A_233 = arith.constant 65535 : i32
      %and3A_234 = vector.broadcast %and3A_233 : i32 to vector<16xi32>
      %and3A_235 = arith.andi %get3A_232, %and3A_234 : vector<16xi32>
      %swap3A_236 = arith.constant 16 : index
      %swap3A_237 = tpu.vector_load %arg7[%swap3A_236] {strides = array<i32>} : memref<80xi32, #tpu.memory_space<vmem>>, vector<16xi32>,
      %swap3A_238 = vector.shape_cast %swap3A_237 : vector<16xi32> to vector<16xi32>
      %swap3A_239 = vector.shape_cast %and3A_235 : vector<16xi32> to vector<16xi32>
      tpu.vector_store %arg7[%swap3A_236], %swap3A_239 {strides = array<i32>} : memref<80xi32, #tpu.memory_space<vmem>>, vector<16xi32>,
      %shift_right_arithmetic3A_240 = arith.constant 16 : i32
      %shift_right_arithmetic3A_241 = vector.broadcast %shift_right_arithmetic3A_240 : i32 to vector<16xi32>
      %shift_right_arithmetic3A_242 = arith.shrsi %get3A_232, %shift_right_arithmetic3A_241 : vector<16xi32>
      %swap3A_243 = arith.constant 16 : index
      %swap3A_244 = tpu.vector_load %arg8[%swap3A_243] {strides = array<i32>} : memref<80xi32, #tpu.memory_space<vmem>>, vector<16xi32>,
      %swap3A_245 = vector.shape_cast %swap3A_244 : vector<16xi32> to vector<16xi32>
      %swap3A_246 = vector.shape_cast %shift_right_arithmetic3A_242 : vector<16xi32> to vector<16xi32>
      tpu.vector_store %arg8[%swap3A_243], %swap3A_246 {strides = array<i32>} : memref<80xi32, #tpu.memory_space<vmem>>, vector<16xi32>,
      %get3A_247 = arith.index_cast %add3A_210 : i32 to index
      %get3A_248 = arith.constant 32 : index
      %get3A_249 = tpu.vector_load %arg6[%get3A_247, %get3A_248] {strides = array<i32>} : memref<125x80xi32, #tpu.memory_space<vmem>>, vector<1x16xi32>,
      %get3A_250 = vector.shape_cast %get3A_249 : vector<1x16xi32> to vector<16xi32>
      %and3A_251 = arith.constant 65535 : i32
      %and3A_252 = vector.broadcast %and3A_251 : i32 to vector<16xi32>
      %and3A_253 = arith.andi %get3A_250, %and3A_252 : vector<16xi32>
      %swap3A_254 = arith.constant 32 : index
      %swap3A_255 = tpu.vector_load %arg7[%swap3A_254] {strides = array<i32>} : memref<80xi32, #tpu.memory_space<vmem>>, vector<16xi32>,
      %swap3A_256 = vector.shape_cast %swap3A_255 : vector<16xi32> to vector<16xi32>
      %swap3A_257 = vector.shape_cast %and3A_253 : vector<16xi32> to vector<16xi32>
      tpu.vector_store %arg7[%swap3A_254], %swap3A_257 {strides = array<i32>} : memref<80xi32, #tpu.memory_space<vmem>>, vector<16xi32>,
      %shift_right_arithmetic3A_258 = arith.constant 16 : i32
      %shift_right_arithmetic3A_259 = vector.broadcast %shift_right_arithmetic3A_258 : i32 to vector<16xi32>
      %shift_right_arithmetic3A_260 = arith.shrsi %get3A_250, %shift_right_arithmetic3A_259 : vector<16xi32>
      %swap3A_261 = arith.constant 32 : index
      %swap3A_262 = tpu.vector_load %arg8[%swap3A_261] {strides = array<i32>} : memref<80xi32, #tpu.memory_space<vmem>>, vector<16xi32>,
      %swap3A_263 = vector.shape_cast %swap3A_262 : vector<16xi32> to vector<16xi32>
      %swap3A_264 = vector.shape_cast %shift_right_arithmetic3A_260 : vector<16xi32> to vector<16xi32>
      tpu.vector_store %arg8[%swap3A_261], %swap3A_264 {strides = array<i32>} : memref<80xi32, #tpu.memory_space<vmem>>, vector<16xi32>,
      %get3A_265 = arith.index_cast %add3A_210 : i32 to index
      %get3A_266 = arith.constant 48 : index
      %get3A_267 = tpu.vector_load %arg6[%get3A_265, %get3A_266] {strides = array<i32>} : memref<125x80xi32, #tpu.memory_space<vmem>>, vector<1x16xi32>,
      %get3A_268 = vector.shape_cast %get3A_267 : vector<1x16xi32> to vector<16xi32>
      %and3A_269 = arith.constant 65535 : i32
      %and3A_270 = vector.broadcast %and3A_269 : i32 to vector<16xi32>
      %and3A_271 = arith.andi %get3A_268, %and3A_270 : vector<16xi32>
      %swap3A_272 = arith.constant 48 : index
      %swap3A_273 = tpu.vector_load %arg7[%swap3A_272] {strides = array<i32>} : memref<80xi32, #tpu.memory_space<vmem>>, vector<16xi32>,
      %swap3A_274 = vector.shape_cast %swap3A_273 : vector<16xi32> to vector<16xi32>
      %swap3A_275 = vector.shape_cast %and3A_271 : vector<16xi32> to vector<16xi32>
      tpu.vector_store %arg7[%swap3A_272], %swap3A_275 {strides = array<i32>} : memref<80xi32, #tpu.memory_space<vmem>>, vector<16xi32>,
      %shift_right_arithmetic3A_276 = arith.constant 16 : i32
      %shift_right_arithmetic3A_277 = vector.broadcast %shift_right_arithmetic3A_276 : i32 to vector<16xi32>
      %shift_right_arithmetic3A_278 = arith.shrsi %get3A_268, %shift_right_arithmetic3A_277 : vector<16xi32>
      %swap3A_279 = arith.constant 48 : index
      %swap3A_280 = tpu.vector_load %arg8[%swap3A_279] {strides = array<i32>} : memref<80xi32, #tpu.memory_space<vmem>>, vector<16xi32>,
      %swap3A_281 = vector.shape_cast %swap3A_280 : vector<16xi32> to vector<16xi32>
      %swap3A_282 = vector.shape_cast %shift_right_arithmetic3A_278 : vector<16xi32> to vector<16xi32>
      tpu.vector_store %arg8[%swap3A_279], %swap3A_282 {strides = array<i32>} : memref<80xi32, #tpu.memory_space<vmem>>, vector<16xi32>,
      %get3A_283 = arith.index_cast %add3A_210 : i32 to index
      %get3A_284 = arith.constant 64 : index
      %get3A_285 = tpu.vector_load %arg6[%get3A_283, %get3A_284] {strides = array<i32>} : memref<125x80xi32, #tpu.memory_space<vmem>>, vector<1x16xi32>,
      %get3A_286 = vector.shape_cast %get3A_285 : vector<1x16xi32> to vector<16xi32>
      %and3A_287 = arith.constant 65535 : i32
      %and3A_288 = vector.broadcast %and3A_287 : i32 to vector<16xi32>
      %and3A_289 = arith.andi %get3A_286, %and3A_288 : vector<16xi32>
      %swap3A_290 = arith.constant 64 : index
      %swap3A_291 = tpu.vector_load %arg7[%swap3A_290] {strides = array<i32>} : memref<80xi32, #tpu.memory_space<vmem>>, vector<16xi32>,
      %swap3A_292 = vector.shape_cast %swap3A_291 : vector<16xi32> to vector<16xi32>
      %swap3A_293 = vector.shape_cast %and3A_289 : vector<16xi32> to vector<16xi32>
      tpu.vector_store %arg7[%swap3A_290], %swap3A_293 {strides = array<i32>} : memref<80xi32, #tpu.memory_space<vmem>>, vector<16xi32>,
      %shift_right_arithmetic3A_294 = arith.constant 16 : i32
      %shift_right_arithmetic3A_295 = vector.broadcast %shift_right_arithmetic3A_294 : i32 to vector<16xi32>
      %shift_right_arithmetic3A_296 = arith.shrsi %get3A_286, %shift_right_arithmetic3A_295 : vector<16xi32>
      %swap3A_297 = arith.constant 64 : index
      %swap3A_298 = tpu.vector_load %arg8[%swap3A_297] {strides = array<i32>} : memref<80xi32, #tpu.memory_space<vmem>>, vector<16xi32>,
      %swap3A_299 = vector.shape_cast %swap3A_298 : vector<16xi32> to vector<16xi32>
      %swap3A_300 = vector.shape_cast %shift_right_arithmetic3A_296 : vector<16xi32> to vector<16xi32>
      tpu.vector_store %arg8[%swap3A_297], %swap3A_300 {strides = array<i32>} : memref<80xi32, #tpu.memory_space<vmem>>, vector<16xi32>,
      %dma_start3A_301 = arith.constant 0 : i32
      %dma_start3A_302 = arith.constant 0 : i32
      %dma_start3A_303 = tpu.memref_slice %arg2[%dma_start3A_301, %dma_start3A_302] : memref<10000x128xf32, #tpu.memory_space<hbm>> -> memref<10000x128xf32, #tpu.memory_space<hbm>>
      tpu.enqueue_indirect_dma source(%dma_start3A_303 : memref<10000x128xf32, #tpu.memory_space<hbm>>) target(%arg11 : memref<80x128xf32, #tpu.memory_space<vmem>>) offsets(%arg7 : memref<80xi32, #tpu.memory_space<vmem>>) semaphore(%arg14 : memref<!tpu.dma_semaphore, #tpu.memory_space<semaphore_mem>>)
      %dma_wait3A_304 = arith.constant 0 : i32
      %dma_wait3A_305 = arith.constant 0 : i32
      %dma_wait3A_306 = tpu.memref_slice %arg2[%dma_wait3A_304, %dma_wait3A_305] : memref<10000x128xf32, #tpu.memory_space<hbm>> -> memref<10000x128xf32, #tpu.memory_space<hbm>>
      tpu.wait_indirect_dma semaphore(%arg15 : memref<!tpu.dma_semaphore, #tpu.memory_space<semaphore_mem>>) src(%dma_wait3A_306 : memref<10000x128xf32, #tpu.memory_space<hbm>>) dst(%arg12 : memref<80x128xf32, #tpu.memory_space<vmem>>)
      "tpu.region"() ({
        %run_scoped3A = tpu.sem_alloc : memref<!tpu.dma_semaphore, #tpu.memory_space<semaphore_mem>>
        %dma_start3A_307 = arith.constant 0 : i32
        %dma_start3A_308 = arith.constant 0 : i32
        %dma_start3A_309 = tpu.memref_slice %arg13[%dma_start3A_307, %dma_start3A_308] : memref<10112x128xf32, #tpu.memory_space<vmem_shared>> -> memref<10112x128xf32, #tpu.memory_space<vmem_shared>>
        tpu.enqueue_indirect_dma source(%arg12 : memref<80x128xf32, #tpu.memory_space<vmem>>) target(%dma_start3A_309 : memref<10112x128xf32, #tpu.memory_space<vmem_shared>>) offsets(%arg10 : memref<80xi32, #tpu.memory_space<vmem>>) semaphore(%run_scoped3A : memref<!tpu.dma_semaphore, #tpu.memory_space<semaphore_mem>>) {add = true}
        %dma_wait3A_310 = arith.constant 0 : i32
        %dma_wait3A_311 = arith.constant 0 : i32
        %dma_wait3A_312 = tpu.memref_slice %arg13[%dma_wait3A_310, %dma_wait3A_311] : memref<10112x128xf32, #tpu.memory_space<vmem_shared>> -> memref<10112x128xf32, #tpu.memory_space<vmem_shared>>
        tpu.wait_indirect_dma semaphore(%run_scoped3A : memref<!tpu.dma_semaphore, #tpu.memory_space<semaphore_mem>>) src(%arg12 : memref<80x128xf32, #tpu.memory_space<vmem>>) dst(%dma_wait3A_312 : memref<10112x128xf32, #tpu.memory_space<vmem_shared>>)
        tpu.yield
      }) : () -> ()
    }
    %scan3A_100 = arith.constant 62 : i32
    %dma_wait3A = arith.constant 0 : i32
    %dma_wait3A_101 = arith.constant 0 : i32
    %dma_wait3A_102 = tpu.memref_slice %arg2[%dma_wait3A, %dma_wait3A_101] : memref<10000x128xf32, #tpu.memory_space<hbm>> -> memref<10000x128xf32, #tpu.memory_space<hbm>>
    tpu.wait_indirect_dma semaphore(%arg14 : memref<!tpu.dma_semaphore, #tpu.memory_space<semaphore_mem>>) src(%dma_wait3A_102 : memref<10000x128xf32, #tpu.memory_space<hbm>>) dst(%arg11 : memref<80x128xf32, #tpu.memory_space<vmem>>)
    "tpu.region"() ({
      %run_scoped3A = tpu.sem_alloc : memref<!tpu.dma_semaphore, #tpu.memory_space<semaphore_mem>>
      %dma_start3A_106 = arith.constant 0 : i32
      %dma_start3A_107 = arith.constant 0 : i32
      %dma_start3A_108 = tpu.memref_slice %arg13[%dma_start3A_106, %dma_start3A_107] : memref<10112x128xf32, #tpu.memory_space<vmem_shared>> -> memref<10112x128xf32, #tpu.memory_space<vmem_shared>>
      tpu.enqueue_indirect_dma source(%arg11 : memref<80x128xf32, #tpu.memory_space<vmem>>) target(%dma_start3A_108 : memref<10112x128xf32, #tpu.memory_space<vmem_shared>>) offsets(%arg8 : memref<80xi32, #tpu.memory_space<vmem>>) semaphore(%run_scoped3A : memref<!tpu.dma_semaphore, #tpu.memory_space<semaphore_mem>>) {add = true}
      %dma_wait3A_109 = arith.constant 0 : i32
      %dma_wait3A_110 = arith.constant 0 : i32
      %dma_wait3A_111 = tpu.memref_slice %arg13[%dma_wait3A_109, %dma_wait3A_110] : memref<10112x128xf32, #tpu.memory_space<vmem_shared>> -> memref<10112x128xf32, #tpu.memory_space<vmem_shared>>
      tpu.wait_indirect_dma semaphore(%run_scoped3A : memref<!tpu.dma_semaphore, #tpu.memory_space<semaphore_mem>>) src(%arg11 : memref<80x128xf32, #tpu.memory_space<vmem>>) dst(%dma_wait3A_111 : memref<10112x128xf32, #tpu.memory_space<vmem_shared>>)
      tpu.yield
    }) : () -> ()
    %barrier3A_103 = arith.constant 0 : index
    tpu.barrier barrier_id(%barrier3A_103)
    %mul3A_104 = arith.constant 632 : i32
    %mul3A_105 = arith.muli %arg1, %mul3A_104 : i32
    "tpu.region"() ({
      %run_scoped3A = tpu.sem_alloc : memref<!tpu.dma_semaphore, #tpu.memory_space<semaphore_mem>>
      %dma_start3A_106 = arith.constant 0 : i32
      %dma_start3A_107 = tpu.memref_slice %arg5[%arg0, %mul3A_105, %dma_start3A_106] : memref<2x10112x128xf32, #tpu.memory_space<hbm>> -> memref<1x632x128xf32, #tpu.memory_space<hbm>>
      %dma_start3A_108 = tpu.memref_squeeze %dma_start3A_107 : memref<1x632x128xf32, #tpu.memory_space<hbm>> -> memref<632x128xf32, #tpu.memory_space<hbm>>
      %dma_start3A_109 = arith.constant 0 : i32
      %dma_start3A_110 = tpu.memref_slice %arg13[%mul3A_105, %dma_start3A_109] : memref<10112x128xf32, #tpu.memory_space<vmem_shared>> -> memref<632x128xf32, #tpu.memory_space<vmem_shared>>
      tpu.enqueue_dma source(%dma_start3A_110 : memref<632x128xf32, #tpu.memory_space<vmem_shared>>) target(%dma_start3A_108 : memref<632x128xf32, #tpu.memory_space<hbm>>) target_semaphore(%run_scoped3A : memref<!tpu.dma_semaphore, #tpu.memory_space<semaphore_mem>>)
      %dma_wait3A_111 = arith.constant 0 : i32
      %dma_wait3A_112 = tpu.memref_slice %arg5[%arg0, %mul3A_105, %dma_wait3A_111] : memref<2x10112x128xf32, #tpu.memory_space<hbm>> -> memref<1x632x128xf32, #tpu.memory_space<hbm>>
      %dma_wait3A_113 = tpu.memref_squeeze %dma_wait3A_112 : memref<1x632x128xf32, #tpu.memory_space<hbm>> -> memref<632x128xf32, #tpu.memory_space<hbm>>
      %dma_wait3A_114 = arith.constant 0 : i32
      %dma_wait3A_115 = tpu.memref_slice %arg13[%mul3A_105, %dma_wait3A_114] : memref<10112x128xf32, #tpu.memory_space<vmem_shared>> -> memref<632x128xf32, #tpu.memory_space<vmem_shared>>
      tpu.wait_dma2 semaphore(%run_scoped3A : memref<!tpu.dma_semaphore, #tpu.memory_space<semaphore_mem>>) src(%dma_wait3A_115 : memref<632x128xf32, #tpu.memory_space<vmem_shared>>) dst(%dma_wait3A_113 : memref<632x128xf32, #tpu.memory_space<hbm>>)
      tpu.yield
    }) : () -> ()
    return
  }
}

#map = affine_map<(d0, d1) -> (0, 0)>
#map1 = affine_map<(d0, d1) -> (0, 0, 0)>
module attributes {stable_mosaic.version = 14 : i64} {
  func.func @_sc_agg_body(%arg0: i32, %arg1: i32, %arg2: memref<10000x128xf32, #tpu.memory_space<hbm>>, %arg3: memref<32x125x80xi32, #tpu.memory_space<hbm>>, %arg4: memref<632x128xf32, #tpu.memory_space<hbm>>, %arg5: memref<2x10112x128xf32, #tpu.memory_space<hbm>>, %arg6: memref<125x80xi32, #tpu.memory_space<vmem>>, %arg7: memref<80xi32, #tpu.memory_space<vmem>>, %arg8: memref<80xi32, #tpu.memory_space<vmem>>, %arg9: memref<80xi32, #tpu.memory_space<vmem>>, %arg10: memref<80xi32, #tpu.memory_space<vmem>>, %arg11: memref<80x128xf32, #tpu.memory_space<vmem>>, %arg12: memref<80x128xf32, #tpu.memory_space<vmem>>, %arg13: memref<10112x128xf32, #tpu.memory_space<vmem_shared>>, %arg14: memref<!tpu.dma_semaphore, #tpu.memory_space<semaphore_mem>>, %arg15: memref<!tpu.dma_semaphore, #tpu.memory_space<semaphore_mem>>) attributes {dimension_semantics = [#tpu.dimension_semantics<core_parallel>, #tpu.dimension_semantics<subcore_parallel>], iteration_bounds = array<i64: 2, 16>, scalar_prefetch = 0 : i64, scratch_operands = 10 : i64, tpu.core_type = #tpu.core_type<sc_vector_subcore>, window_params = [{transform_indices = #map}, {transform_indices = #map1}, {transform_indices = #map}, {transform_indices = #map1}]} {
    %mul3A = arith.constant 16 : i32
    %mul3A_0 = arith.muli %arg0, %mul3A : i32
    %add3A = arith.addi %mul3A_0, %arg1 : i32
    %mul3A_1 = arith.constant 632 : i32
    %mul3A_2 = arith.muli %arg1, %mul3A_1 : i32
    "tpu.region"() ({
      %run_scoped3A = tpu.sem_alloc : memref<!tpu.dma_semaphore, #tpu.memory_space<semaphore_mem>>
      %dma_start3A_106 = arith.constant 0 : i32
      %dma_start3A_107 = tpu.memref_slice %arg13[%mul3A_2, %dma_start3A_106] : memref<10112x128xf32, #tpu.memory_space<vmem_shared>> -> memref<632x128xf32, #tpu.memory_space<vmem_shared>>
      tpu.enqueue_dma source(%arg4 : memref<632x128xf32, #tpu.memory_space<hbm>>) target(%dma_start3A_107 : memref<632x128xf32, #tpu.memory_space<vmem_shared>>) target_semaphore(%run_scoped3A : memref<!tpu.dma_semaphore, #tpu.memory_space<semaphore_mem>>)
      %dma_wait3A_108 = arith.constant 0 : i32
      %dma_wait3A_109 = tpu.memref_slice %arg13[%mul3A_2, %dma_wait3A_108] : memref<10112x128xf32, #tpu.memory_space<vmem_shared>> -> memref<632x128xf32, #tpu.memory_space<vmem_shared>>
      tpu.wait_dma2 semaphore(%run_scoped3A : memref<!tpu.dma_semaphore, #tpu.memory_space<semaphore_mem>>) src(%arg4 : memref<632x128xf32, #tpu.memory_space<hbm>>) dst(%dma_wait3A_109 : memref<632x128xf32, #tpu.memory_space<vmem_shared>>)
      tpu.yield
    }) : () -> ()
    "tpu.region"() ({
      %run_scoped3A = tpu.sem_alloc : memref<!tpu.dma_semaphore, #tpu.memory_space<semaphore_mem>>
      %dma_start3A_106 = arith.constant 0 : i32
      %dma_start3A_107 = arith.constant 0 : i32
      %dma_start3A_108 = tpu.memref_slice %arg3[%add3A, %dma_start3A_106, %dma_start3A_107] : memref<32x125x80xi32, #tpu.memory_space<hbm>> -> memref<1x125x80xi32, #tpu.memory_space<hbm>>
      %dma_start3A_109 = tpu.memref_squeeze %dma_start3A_108 : memref<1x125x80xi32, #tpu.memory_space<hbm>> -> memref<125x80xi32, #tpu.memory_space<hbm>>
      %dma_start3A_110 = arith.constant 0 : i32
      %dma_start3A_111 = arith.constant 0 : i32
      %dma_start3A_112 = tpu.memref_slice %arg3[%add3A, %dma_start3A_110, %dma_start3A_111] : memref<32x125x80xi32, #tpu.memory_space<hbm>> -> memref<1x125x80xi32, #tpu.memory_space<hbm>>
      %dma_start3A_113 = tpu.memref_squeeze %dma_start3A_112 : memref<1x125x80xi32, #tpu.memory_space<hbm>> -> memref<125x80xi32, #tpu.memory_space<hbm>>
      tpu.enqueue_dma source(%dma_start3A_113 : memref<125x80xi32, #tpu.memory_space<hbm>>) target(%arg6 : memref<125x80xi32, #tpu.memory_space<vmem>>) target_semaphore(%run_scoped3A : memref<!tpu.dma_semaphore, #tpu.memory_space<semaphore_mem>>)
      %dma_wait3A_114 = arith.constant 0 : i32
      %dma_wait3A_115 = arith.constant 0 : i32
      %dma_wait3A_116 = tpu.memref_slice %arg3[%add3A, %dma_wait3A_114, %dma_wait3A_115] : memref<32x125x80xi32, #tpu.memory_space<hbm>> -> memref<1x125x80xi32, #tpu.memory_space<hbm>>
      %dma_wait3A_117 = tpu.memref_squeeze %dma_wait3A_116 : memref<1x125x80xi32, #tpu.memory_space<hbm>> -> memref<125x80xi32, #tpu.memory_space<hbm>>
      %dma_wait3A_118 = arith.constant 0 : i32
      %dma_wait3A_119 = arith.constant 0 : i32
      %dma_wait3A_120 = tpu.memref_slice %arg3[%add3A, %dma_wait3A_118, %dma_wait3A_119] : memref<32x125x80xi32, #tpu.memory_space<hbm>> -> memref<1x125x80xi32, #tpu.memory_space<hbm>>
      %dma_wait3A_121 = tpu.memref_squeeze %dma_wait3A_120 : memref<1x125x80xi32, #tpu.memory_space<hbm>> -> memref<125x80xi32, #tpu.memory_space<hbm>>
      tpu.wait_dma2 semaphore(%run_scoped3A : memref<!tpu.dma_semaphore, #tpu.memory_space<semaphore_mem>>) src(%dma_wait3A_121 : memref<125x80xi32, #tpu.memory_space<hbm>>) dst(%arg6 : memref<125x80xi32, #tpu.memory_space<vmem>>)
      tpu.yield
    }) : () -> ()
    %barrier3A = arith.constant 0 : index
    tpu.barrier barrier_id(%barrier3A)
    %get3A = arith.constant 0 : i32
    %get3A_3 = arith.index_cast %get3A : i32 to index
    %get3A_4 = arith.constant 0 : index
    %get3A_5 = tpu.vector_load %arg6[%get3A_3, %get3A_4] {strides = array<i32>} : memref<125x80xi32, #tpu.memory_space<vmem>>, vector<1x16xi32>,
    %get3A_6 = vector.shape_cast %get3A_5 : vector<1x16xi32> to vector<16xi32>
    %and3A = arith.constant 65535 : i32
    %and3A_7 = vector.broadcast %and3A : i32 to vector<16xi32>
    %and3A_8 = arith.andi %get3A_6, %and3A_7 : vector<16xi32>
    %swap3A = arith.constant 0 : index
    %swap3A_9 = tpu.vector_load %arg7[%swap3A] {strides = array<i32>} : memref<80xi32, #tpu.memory_space<vmem>>, vector<16xi32>,
    %swap3A_10 = vector.shape_cast %swap3A_9 : vector<16xi32> to vector<16xi32>
    %swap3A_11 = vector.shape_cast %and3A_8 : vector<16xi32> to vector<16xi32>
    tpu.vector_store %arg7[%swap3A], %swap3A_11 {strides = array<i32>} : memref<80xi32, #tpu.memory_space<vmem>>, vector<16xi32>,
    %shift_right_arithmetic3A = arith.constant 16 : i32
    %shift_right_arithmetic3A_12 = vector.broadcast %shift_right_arithmetic3A : i32 to vector<16xi32>
    %shift_right_arithmetic3A_13 = arith.shrsi %get3A_6, %shift_right_arithmetic3A_12 : vector<16xi32>
    %swap3A_14 = arith.constant 0 : index
    %swap3A_15 = tpu.vector_load %arg8[%swap3A_14] {strides = array<i32>} : memref<80xi32, #tpu.memory_space<vmem>>, vector<16xi32>,
    %swap3A_16 = vector.shape_cast %swap3A_15 : vector<16xi32> to vector<16xi32>
    %swap3A_17 = vector.shape_cast %shift_right_arithmetic3A_13 : vector<16xi32> to vector<16xi32>
    tpu.vector_store %arg8[%swap3A_14], %swap3A_17 {strides = array<i32>} : memref<80xi32, #tpu.memory_space<vmem>>, vector<16xi32>,
    %get3A_18 = arith.constant 0 : i32
    %get3A_19 = arith.index_cast %get3A_18 : i32 to index
    %get3A_20 = arith.constant 16 : index
    %get3A_21 = tpu.vector_load %arg6[%get3A_19, %get3A_20] {strides = array<i32>} : memref<125x80xi32, #tpu.memory_space<vmem>>, vector<1x16xi32>,
    %get3A_22 = vector.shape_cast %get3A_21 : vector<1x16xi32> to vector<16xi32>
    %and3A_23 = arith.constant 65535 : i32
    %and3A_24 = vector.broadcast %and3A_23 : i32 to vector<16xi32>
    %and3A_25 = arith.andi %get3A_22, %and3A_24 : vector<16xi32>
    %swap3A_26 = arith.constant 16 : index
    %swap3A_27 = tpu.vector_load %arg7[%swap3A_26] {strides = array<i32>} : memref<80xi32, #tpu.memory_space<vmem>>, vector<16xi32>,
    %swap3A_28 = vector.shape_cast %swap3A_27 : vector<16xi32> to vector<16xi32>
    %swap3A_29 = vector.shape_cast %and3A_25 : vector<16xi32> to vector<16xi32>
    tpu.vector_store %arg7[%swap3A_26], %swap3A_29 {strides = array<i32>} : memref<80xi32, #tpu.memory_space<vmem>>, vector<16xi32>,
    %shift_right_arithmetic3A_30 = arith.constant 16 : i32
    %shift_right_arithmetic3A_31 = vector.broadcast %shift_right_arithmetic3A_30 : i32 to vector<16xi32>
    %shift_right_arithmetic3A_32 = arith.shrsi %get3A_22, %shift_right_arithmetic3A_31 : vector<16xi32>
    %swap3A_33 = arith.constant 16 : index
    %swap3A_34 = tpu.vector_load %arg8[%swap3A_33] {strides = array<i32>} : memref<80xi32, #tpu.memory_space<vmem>>, vector<16xi32>,
    %swap3A_35 = vector.shape_cast %swap3A_34 : vector<16xi32> to vector<16xi32>
    %swap3A_36 = vector.shape_cast %shift_right_arithmetic3A_32 : vector<16xi32> to vector<16xi32>
    tpu.vector_store %arg8[%swap3A_33], %swap3A_36 {strides = array<i32>} : memref<80xi32, #tpu.memory_space<vmem>>, vector<16xi32>,
    %get3A_37 = arith.constant 0 : i32
    %get3A_38 = arith.index_cast %get3A_37 : i32 to index
    %get3A_39 = arith.constant 32 : index
    %get3A_40 = tpu.vector_load %arg6[%get3A_38, %get3A_39] {strides = array<i32>} : memref<125x80xi32, #tpu.memory_space<vmem>>, vector<1x16xi32>,
    %get3A_41 = vector.shape_cast %get3A_40 : vector<1x16xi32> to vector<16xi32>
    %and3A_42 = arith.constant 65535 : i32
    %and3A_43 = vector.broadcast %and3A_42 : i32 to vector<16xi32>
    %and3A_44 = arith.andi %get3A_41, %and3A_43 : vector<16xi32>
    %swap3A_45 = arith.constant 32 : index
    %swap3A_46 = tpu.vector_load %arg7[%swap3A_45] {strides = array<i32>} : memref<80xi32, #tpu.memory_space<vmem>>, vector<16xi32>,
    %swap3A_47 = vector.shape_cast %swap3A_46 : vector<16xi32> to vector<16xi32>
    %swap3A_48 = vector.shape_cast %and3A_44 : vector<16xi32> to vector<16xi32>
    tpu.vector_store %arg7[%swap3A_45], %swap3A_48 {strides = array<i32>} : memref<80xi32, #tpu.memory_space<vmem>>, vector<16xi32>,
    %shift_right_arithmetic3A_49 = arith.constant 16 : i32
    %shift_right_arithmetic3A_50 = vector.broadcast %shift_right_arithmetic3A_49 : i32 to vector<16xi32>
    %shift_right_arithmetic3A_51 = arith.shrsi %get3A_41, %shift_right_arithmetic3A_50 : vector<16xi32>
    %swap3A_52 = arith.constant 32 : index
    %swap3A_53 = tpu.vector_load %arg8[%swap3A_52] {strides = array<i32>} : memref<80xi32, #tpu.memory_space<vmem>>, vector<16xi32>,
    %swap3A_54 = vector.shape_cast %swap3A_53 : vector<16xi32> to vector<16xi32>
    %swap3A_55 = vector.shape_cast %shift_right_arithmetic3A_51 : vector<16xi32> to vector<16xi32>
    tpu.vector_store %arg8[%swap3A_52], %swap3A_55 {strides = array<i32>} : memref<80xi32, #tpu.memory_space<vmem>>, vector<16xi32>,
    %get3A_56 = arith.constant 0 : i32
    %get3A_57 = arith.index_cast %get3A_56 : i32 to index
    %get3A_58 = arith.constant 48 : index
    %get3A_59 = tpu.vector_load %arg6[%get3A_57, %get3A_58] {strides = array<i32>} : memref<125x80xi32, #tpu.memory_space<vmem>>, vector<1x16xi32>,
    %get3A_60 = vector.shape_cast %get3A_59 : vector<1x16xi32> to vector<16xi32>
    %and3A_61 = arith.constant 65535 : i32
    %and3A_62 = vector.broadcast %and3A_61 : i32 to vector<16xi32>
    %and3A_63 = arith.andi %get3A_60, %and3A_62 : vector<16xi32>
    %swap3A_64 = arith.constant 48 : index
    %swap3A_65 = tpu.vector_load %arg7[%swap3A_64] {strides = array<i32>} : memref<80xi32, #tpu.memory_space<vmem>>, vector<16xi32>,
    %swap3A_66 = vector.shape_cast %swap3A_65 : vector<16xi32> to vector<16xi32>
    %swap3A_67 = vector.shape_cast %and3A_63 : vector<16xi32> to vector<16xi32>
    tpu.vector_store %arg7[%swap3A_64], %swap3A_67 {strides = array<i32>} : memref<80xi32, #tpu.memory_space<vmem>>, vector<16xi32>,
    %shift_right_arithmetic3A_68 = arith.constant 16 : i32
    %shift_right_arithmetic3A_69 = vector.broadcast %shift_right_arithmetic3A_68 : i32 to vector<16xi32>
    %shift_right_arithmetic3A_70 = arith.shrsi %get3A_60, %shift_right_arithmetic3A_69 : vector<16xi32>
    %swap3A_71 = arith.constant 48 : index
    %swap3A_72 = tpu.vector_load %arg8[%swap3A_71] {strides = array<i32>} : memref<80xi32, #tpu.memory_space<vmem>>, vector<16xi32>,
    %swap3A_73 = vector.shape_cast %swap3A_72 : vector<16xi32> to vector<16xi32>
    %swap3A_74 = vector.shape_cast %shift_right_arithmetic3A_70 : vector<16xi32> to vector<16xi32>
    tpu.vector_store %arg8[%swap3A_71], %swap3A_74 {strides = array<i32>} : memref<80xi32, #tpu.memory_space<vmem>>, vector<16xi32>,
    %get3A_75 = arith.constant 0 : i32
    %get3A_76 = arith.index_cast %get3A_75 : i32 to index
    %get3A_77 = arith.constant 64 : index
    %get3A_78 = tpu.vector_load %arg6[%get3A_76, %get3A_77] {strides = array<i32>} : memref<125x80xi32, #tpu.memory_space<vmem>>, vector<1x16xi32>,
    %get3A_79 = vector.shape_cast %get3A_78 : vector<1x16xi32> to vector<16xi32>
    %and3A_80 = arith.constant 65535 : i32
    %and3A_81 = vector.broadcast %and3A_80 : i32 to vector<16xi32>
    %and3A_82 = arith.andi %get3A_79, %and3A_81 : vector<16xi32>
    %swap3A_83 = arith.constant 64 : index
    %swap3A_84 = tpu.vector_load %arg7[%swap3A_83] {strides = array<i32>} : memref<80xi32, #tpu.memory_space<vmem>>, vector<16xi32>,
    %swap3A_85 = vector.shape_cast %swap3A_84 : vector<16xi32> to vector<16xi32>
    %swap3A_86 = vector.shape_cast %and3A_82 : vector<16xi32> to vector<16xi32>
    tpu.vector_store %arg7[%swap3A_83], %swap3A_86 {strides = array<i32>} : memref<80xi32, #tpu.memory_space<vmem>>, vector<16xi32>,
    %shift_right_arithmetic3A_87 = arith.constant 16 : i32
    %shift_right_arithmetic3A_88 = vector.broadcast %shift_right_arithmetic3A_87 : i32 to vector<16xi32>
    %shift_right_arithmetic3A_89 = arith.shrsi %get3A_79, %shift_right_arithmetic3A_88 : vector<16xi32>
    %swap3A_90 = arith.constant 64 : index
    %swap3A_91 = tpu.vector_load %arg8[%swap3A_90] {strides = array<i32>} : memref<80xi32, #tpu.memory_space<vmem>>, vector<16xi32>,
    %swap3A_92 = vector.shape_cast %swap3A_91 : vector<16xi32> to vector<16xi32>
    %swap3A_93 = vector.shape_cast %shift_right_arithmetic3A_89 : vector<16xi32> to vector<16xi32>
    tpu.vector_store %arg8[%swap3A_90], %swap3A_93 {strides = array<i32>} : memref<80xi32, #tpu.memory_space<vmem>>, vector<16xi32>,
    %dma_start3A = arith.constant 0 : i32
    %dma_start3A_94 = arith.constant 0 : i32
    %dma_start3A_95 = tpu.memref_slice %arg2[%dma_start3A, %dma_start3A_94] : memref<10000x128xf32, #tpu.memory_space<hbm>> -> memref<10000x128xf32, #tpu.memory_space<hbm>>
    tpu.enqueue_indirect_dma source(%dma_start3A_95 : memref<10000x128xf32, #tpu.memory_space<hbm>>) target(%arg11 : memref<80x128xf32, #tpu.memory_space<vmem>>) offsets(%arg7 : memref<80xi32, #tpu.memory_space<vmem>>) semaphore(%arg14 : memref<!tpu.dma_semaphore, #tpu.memory_space<semaphore_mem>>)
    %scan3A = arith.constant 0 : i32
    %scan3A_96 = arith.constant 0 : i32
    %scan3A_97 = arith.constant 62 : i32
    %scan3A_98 = arith.addi %scan3A_96, %scan3A_97 : i32
    %scan3A_99 = arith.constant 1 : i32
    scf.for %scan3A_106 = %scan3A_96 to %scan3A_98 step %scan3A_99  : i32 {
      %mul3A_107 = arith.constant 2 : i32
      %mul3A_108 = arith.muli %mul3A_107, %scan3A_106 : i32
      %add3A_109 = arith.constant 1 : i32
      %add3A_110 = arith.addi %mul3A_108, %add3A_109 : i32
      %get3A_111 = arith.index_cast %add3A_110 : i32 to index
      %get3A_112 = arith.constant 0 : index
      %get3A_113 = tpu.vector_load %arg6[%get3A_111, %get3A_112] {strides = array<i32>} : memref<125x80xi32, #tpu.memory_space<vmem>>, vector<1x16xi32>,
      %get3A_114 = vector.shape_cast %get3A_113 : vector<1x16xi32> to vector<16xi32>
      %and3A_115 = arith.constant 65535 : i32
      %and3A_116 = vector.broadcast %and3A_115 : i32 to vector<16xi32>
      %and3A_117 = arith.andi %get3A_114, %and3A_116 : vector<16xi32>
      %swap3A_118 = arith.constant 0 : index
      %swap3A_119 = tpu.vector_load %arg9[%swap3A_118] {strides = array<i32>} : memref<80xi32, #tpu.memory_space<vmem>>, vector<16xi32>,
      %swap3A_120 = vector.shape_cast %swap3A_119 : vector<16xi32> to vector<16xi32>
      %swap3A_121 = vector.shape_cast %and3A_117 : vector<16xi32> to vector<16xi32>
      tpu.vector_store %arg9[%swap3A_118], %swap3A_121 {strides = array<i32>} : memref<80xi32, #tpu.memory_space<vmem>>, vector<16xi32>,
      %shift_right_arithmetic3A_122 = arith.constant 16 : i32
      %shift_right_arithmetic3A_123 = vector.broadcast %shift_right_arithmetic3A_122 : i32 to vector<16xi32>
      %shift_right_arithmetic3A_124 = arith.shrsi %get3A_114, %shift_right_arithmetic3A_123 : vector<16xi32>
      %swap3A_125 = arith.constant 0 : index
      %swap3A_126 = tpu.vector_load %arg10[%swap3A_125] {strides = array<i32>} : memref<80xi32, #tpu.memory_space<vmem>>, vector<16xi32>,
      %swap3A_127 = vector.shape_cast %swap3A_126 : vector<16xi32> to vector<16xi32>
      %swap3A_128 = vector.shape_cast %shift_right_arithmetic3A_124 : vector<16xi32> to vector<16xi32>
      tpu.vector_store %arg10[%swap3A_125], %swap3A_128 {strides = array<i32>} : memref<80xi32, #tpu.memory_space<vmem>>, vector<16xi32>,
      %get3A_129 = arith.index_cast %add3A_110 : i32 to index
      %get3A_130 = arith.constant 16 : index
      %get3A_131 = tpu.vector_load %arg6[%get3A_129, %get3A_130] {strides = array<i32>} : memref<125x80xi32, #tpu.memory_space<vmem>>, vector<1x16xi32>,
      %get3A_132 = vector.shape_cast %get3A_131 : vector<1x16xi32> to vector<16xi32>
      %and3A_133 = arith.constant 65535 : i32
      %and3A_134 = vector.broadcast %and3A_133 : i32 to vector<16xi32>
      %and3A_135 = arith.andi %get3A_132, %and3A_134 : vector<16xi32>
      %swap3A_136 = arith.constant 16 : index
      %swap3A_137 = tpu.vector_load %arg9[%swap3A_136] {strides = array<i32>} : memref<80xi32, #tpu.memory_space<vmem>>, vector<16xi32>,
      %swap3A_138 = vector.shape_cast %swap3A_137 : vector<16xi32> to vector<16xi32>
      %swap3A_139 = vector.shape_cast %and3A_135 : vector<16xi32> to vector<16xi32>
      tpu.vector_store %arg9[%swap3A_136], %swap3A_139 {strides = array<i32>} : memref<80xi32, #tpu.memory_space<vmem>>, vector<16xi32>,
      %shift_right_arithmetic3A_140 = arith.constant 16 : i32
      %shift_right_arithmetic3A_141 = vector.broadcast %shift_right_arithmetic3A_140 : i32 to vector<16xi32>
      %shift_right_arithmetic3A_142 = arith.shrsi %get3A_132, %shift_right_arithmetic3A_141 : vector<16xi32>
      %swap3A_143 = arith.constant 16 : index
      %swap3A_144 = tpu.vector_load %arg10[%swap3A_143] {strides = array<i32>} : memref<80xi32, #tpu.memory_space<vmem>>, vector<16xi32>,
      %swap3A_145 = vector.shape_cast %swap3A_144 : vector<16xi32> to vector<16xi32>
      %swap3A_146 = vector.shape_cast %shift_right_arithmetic3A_142 : vector<16xi32> to vector<16xi32>
      tpu.vector_store %arg10[%swap3A_143], %swap3A_146 {strides = array<i32>} : memref<80xi32, #tpu.memory_space<vmem>>, vector<16xi32>,
      %get3A_147 = arith.index_cast %add3A_110 : i32 to index
      %get3A_148 = arith.constant 32 : index
      %get3A_149 = tpu.vector_load %arg6[%get3A_147, %get3A_148] {strides = array<i32>} : memref<125x80xi32, #tpu.memory_space<vmem>>, vector<1x16xi32>,
      %get3A_150 = vector.shape_cast %get3A_149 : vector<1x16xi32> to vector<16xi32>
      %and3A_151 = arith.constant 65535 : i32
      %and3A_152 = vector.broadcast %and3A_151 : i32 to vector<16xi32>
      %and3A_153 = arith.andi %get3A_150, %and3A_152 : vector<16xi32>
      %swap3A_154 = arith.constant 32 : index
      %swap3A_155 = tpu.vector_load %arg9[%swap3A_154] {strides = array<i32>} : memref<80xi32, #tpu.memory_space<vmem>>, vector<16xi32>,
      %swap3A_156 = vector.shape_cast %swap3A_155 : vector<16xi32> to vector<16xi32>
      %swap3A_157 = vector.shape_cast %and3A_153 : vector<16xi32> to vector<16xi32>
      tpu.vector_store %arg9[%swap3A_154], %swap3A_157 {strides = array<i32>} : memref<80xi32, #tpu.memory_space<vmem>>, vector<16xi32>,
      %shift_right_arithmetic3A_158 = arith.constant 16 : i32
      %shift_right_arithmetic3A_159 = vector.broadcast %shift_right_arithmetic3A_158 : i32 to vector<16xi32>
      %shift_right_arithmetic3A_160 = arith.shrsi %get3A_150, %shift_right_arithmetic3A_159 : vector<16xi32>
      %swap3A_161 = arith.constant 32 : index
      %swap3A_162 = tpu.vector_load %arg10[%swap3A_161] {strides = array<i32>} : memref<80xi32, #tpu.memory_space<vmem>>, vector<16xi32>,
      %swap3A_163 = vector.shape_cast %swap3A_162 : vector<16xi32> to vector<16xi32>
      %swap3A_164 = vector.shape_cast %shift_right_arithmetic3A_160 : vector<16xi32> to vector<16xi32>
      tpu.vector_store %arg10[%swap3A_161], %swap3A_164 {strides = array<i32>} : memref<80xi32, #tpu.memory_space<vmem>>, vector<16xi32>,
      %get3A_165 = arith.index_cast %add3A_110 : i32 to index
      %get3A_166 = arith.constant 48 : index
      %get3A_167 = tpu.vector_load %arg6[%get3A_165, %get3A_166] {strides = array<i32>} : memref<125x80xi32, #tpu.memory_space<vmem>>, vector<1x16xi32>,
      %get3A_168 = vector.shape_cast %get3A_167 : vector<1x16xi32> to vector<16xi32>
      %and3A_169 = arith.constant 65535 : i32
      %and3A_170 = vector.broadcast %and3A_169 : i32 to vector<16xi32>
      %and3A_171 = arith.andi %get3A_168, %and3A_170 : vector<16xi32>
      %swap3A_172 = arith.constant 48 : index
      %swap3A_173 = tpu.vector_load %arg9[%swap3A_172] {strides = array<i32>} : memref<80xi32, #tpu.memory_space<vmem>>, vector<16xi32>,
      %swap3A_174 = vector.shape_cast %swap3A_173 : vector<16xi32> to vector<16xi32>
      %swap3A_175 = vector.shape_cast %and3A_171 : vector<16xi32> to vector<16xi32>
      tpu.vector_store %arg9[%swap3A_172], %swap3A_175 {strides = array<i32>} : memref<80xi32, #tpu.memory_space<vmem>>, vector<16xi32>,
      %shift_right_arithmetic3A_176 = arith.constant 16 : i32
      %shift_right_arithmetic3A_177 = vector.broadcast %shift_right_arithmetic3A_176 : i32 to vector<16xi32>
      %shift_right_arithmetic3A_178 = arith.shrsi %get3A_168, %shift_right_arithmetic3A_177 : vector<16xi32>
      %swap3A_179 = arith.constant 48 : index
      %swap3A_180 = tpu.vector_load %arg10[%swap3A_179] {strides = array<i32>} : memref<80xi32, #tpu.memory_space<vmem>>, vector<16xi32>,
      %swap3A_181 = vector.shape_cast %swap3A_180 : vector<16xi32> to vector<16xi32>
      %swap3A_182 = vector.shape_cast %shift_right_arithmetic3A_178 : vector<16xi32> to vector<16xi32>
      tpu.vector_store %arg10[%swap3A_179], %swap3A_182 {strides = array<i32>} : memref<80xi32, #tpu.memory_space<vmem>>, vector<16xi32>,
      %get3A_183 = arith.index_cast %add3A_110 : i32 to index
      %get3A_184 = arith.constant 64 : index
      %get3A_185 = tpu.vector_load %arg6[%get3A_183, %get3A_184] {strides = array<i32>} : memref<125x80xi32, #tpu.memory_space<vmem>>, vector<1x16xi32>,
      %get3A_186 = vector.shape_cast %get3A_185 : vector<1x16xi32> to vector<16xi32>
      %and3A_187 = arith.constant 65535 : i32
      %and3A_188 = vector.broadcast %and3A_187 : i32 to vector<16xi32>
      %and3A_189 = arith.andi %get3A_186, %and3A_188 : vector<16xi32>
      %swap3A_190 = arith.constant 64 : index
      %swap3A_191 = tpu.vector_load %arg9[%swap3A_190] {strides = array<i32>} : memref<80xi32, #tpu.memory_space<vmem>>, vector<16xi32>,
      %swap3A_192 = vector.shape_cast %swap3A_191 : vector<16xi32> to vector<16xi32>
      %swap3A_193 = vector.shape_cast %and3A_189 : vector<16xi32> to vector<16xi32>
      tpu.vector_store %arg9[%swap3A_190], %swap3A_193 {strides = array<i32>} : memref<80xi32, #tpu.memory_space<vmem>>, vector<16xi32>,
      %shift_right_arithmetic3A_194 = arith.constant 16 : i32
      %shift_right_arithmetic3A_195 = vector.broadcast %shift_right_arithmetic3A_194 : i32 to vector<16xi32>
      %shift_right_arithmetic3A_196 = arith.shrsi %get3A_186, %shift_right_arithmetic3A_195 : vector<16xi32>
      %swap3A_197 = arith.constant 64 : index
      %swap3A_198 = tpu.vector_load %arg10[%swap3A_197] {strides = array<i32>} : memref<80xi32, #tpu.memory_space<vmem>>, vector<16xi32>,
      %swap3A_199 = vector.shape_cast %swap3A_198 : vector<16xi32> to vector<16xi32>
      %swap3A_200 = vector.shape_cast %shift_right_arithmetic3A_196 : vector<16xi32> to vector<16xi32>
      tpu.vector_store %arg10[%swap3A_197], %swap3A_200 {strides = array<i32>} : memref<80xi32, #tpu.memory_space<vmem>>, vector<16xi32>,
      %dma_start3A_201 = arith.constant 0 : i32
      %dma_start3A_202 = arith.constant 0 : i32
      %dma_start3A_203 = tpu.memref_slice %arg2[%dma_start3A_201, %dma_start3A_202] : memref<10000x128xf32, #tpu.memory_space<hbm>> -> memref<10000x128xf32, #tpu.memory_space<hbm>>
      tpu.enqueue_indirect_dma source(%dma_start3A_203 : memref<10000x128xf32, #tpu.memory_space<hbm>>) target(%arg12 : memref<80x128xf32, #tpu.memory_space<vmem>>) offsets(%arg9 : memref<80xi32, #tpu.memory_space<vmem>>) semaphore(%arg15 : memref<!tpu.dma_semaphore, #tpu.memory_space<semaphore_mem>>)
      %dma_wait3A_204 = arith.constant 0 : i32
      %dma_wait3A_205 = arith.constant 0 : i32
      %dma_wait3A_206 = tpu.memref_slice %arg2[%dma_wait3A_204, %dma_wait3A_205] : memref<10000x128xf32, #tpu.memory_space<hbm>> -> memref<10000x128xf32, #tpu.memory_space<hbm>>
      tpu.wait_indirect_dma semaphore(%arg14 : memref<!tpu.dma_semaphore, #tpu.memory_space<semaphore_mem>>) src(%dma_wait3A_206 : memref<10000x128xf32, #tpu.memory_space<hbm>>) dst(%arg11 : memref<80x128xf32, #tpu.memory_space<vmem>>)
      "tpu.region"() ({
        %run_scoped3A = tpu.sem_alloc : memref<!tpu.dma_semaphore, #tpu.memory_space<semaphore_mem>>
        %dma_start3A_307 = arith.constant 0 : i32
        %dma_start3A_308 = arith.constant 0 : i32
        %dma_start3A_309 = tpu.memref_slice %arg13[%dma_start3A_307, %dma_start3A_308] : memref<10112x128xf32, #tpu.memory_space<vmem_shared>> -> memref<10112x128xf32, #tpu.memory_space<vmem_shared>>
        tpu.enqueue_indirect_dma source(%arg11 : memref<80x128xf32, #tpu.memory_space<vmem>>) target(%dma_start3A_309 : memref<10112x128xf32, #tpu.memory_space<vmem_shared>>) offsets(%arg8 : memref<80xi32, #tpu.memory_space<vmem>>) semaphore(%run_scoped3A : memref<!tpu.dma_semaphore, #tpu.memory_space<semaphore_mem>>) {add = true}
        %dma_wait3A_310 = arith.constant 0 : i32
        %dma_wait3A_311 = arith.constant 0 : i32
        %dma_wait3A_312 = tpu.memref_slice %arg13[%dma_wait3A_310, %dma_wait3A_311] : memref<10112x128xf32, #tpu.memory_space<vmem_shared>> -> memref<10112x128xf32, #tpu.memory_space<vmem_shared>>
        tpu.wait_indirect_dma semaphore(%run_scoped3A : memref<!tpu.dma_semaphore, #tpu.memory_space<semaphore_mem>>) src(%arg11 : memref<80x128xf32, #tpu.memory_space<vmem>>) dst(%dma_wait3A_312 : memref<10112x128xf32, #tpu.memory_space<vmem_shared>>)
        tpu.yield
      }) : () -> ()
      %mul3A_207 = arith.constant 2 : i32
      %mul3A_208 = arith.muli %mul3A_207, %scan3A_106 : i32
      %add3A_209 = arith.constant 2 : i32
      %add3A_210 = arith.addi %mul3A_208, %add3A_209 : i32
      %get3A_211 = arith.index_cast %add3A_210 : i32 to index
      %get3A_212 = arith.constant 0 : index
      %get3A_213 = tpu.vector_load %arg6[%get3A_211, %get3A_212] {strides = array<i32>} : memref<125x80xi32, #tpu.memory_space<vmem>>, vector<1x16xi32>,
      %get3A_214 = vector.shape_cast %get3A_213 : vector<1x16xi32> to vector<16xi32>
      %and3A_215 = arith.constant 65535 : i32
      %and3A_216 = vector.broadcast %and3A_215 : i32 to vector<16xi32>
      %and3A_217 = arith.andi %get3A_214, %and3A_216 : vector<16xi32>
      %swap3A_218 = arith.constant 0 : index
      %swap3A_219 = tpu.vector_load %arg7[%swap3A_218] {strides = array<i32>} : memref<80xi32, #tpu.memory_space<vmem>>, vector<16xi32>,
      %swap3A_220 = vector.shape_cast %swap3A_219 : vector<16xi32> to vector<16xi32>
      %swap3A_221 = vector.shape_cast %and3A_217 : vector<16xi32> to vector<16xi32>
      tpu.vector_store %arg7[%swap3A_218], %swap3A_221 {strides = array<i32>} : memref<80xi32, #tpu.memory_space<vmem>>, vector<16xi32>,
      %shift_right_arithmetic3A_222 = arith.constant 16 : i32
      %shift_right_arithmetic3A_223 = vector.broadcast %shift_right_arithmetic3A_222 : i32 to vector<16xi32>
      %shift_right_arithmetic3A_224 = arith.shrsi %get3A_214, %shift_right_arithmetic3A_223 : vector<16xi32>
      %swap3A_225 = arith.constant 0 : index
      %swap3A_226 = tpu.vector_load %arg8[%swap3A_225] {strides = array<i32>} : memref<80xi32, #tpu.memory_space<vmem>>, vector<16xi32>,
      %swap3A_227 = vector.shape_cast %swap3A_226 : vector<16xi32> to vector<16xi32>
      %swap3A_228 = vector.shape_cast %shift_right_arithmetic3A_224 : vector<16xi32> to vector<16xi32>
      tpu.vector_store %arg8[%swap3A_225], %swap3A_228 {strides = array<i32>} : memref<80xi32, #tpu.memory_space<vmem>>, vector<16xi32>,
      %get3A_229 = arith.index_cast %add3A_210 : i32 to index
      %get3A_230 = arith.constant 16 : index
      %get3A_231 = tpu.vector_load %arg6[%get3A_229, %get3A_230] {strides = array<i32>} : memref<125x80xi32, #tpu.memory_space<vmem>>, vector<1x16xi32>,
      %get3A_232 = vector.shape_cast %get3A_231 : vector<1x16xi32> to vector<16xi32>
      %and3A_233 = arith.constant 65535 : i32
      %and3A_234 = vector.broadcast %and3A_233 : i32 to vector<16xi32>
      %and3A_235 = arith.andi %get3A_232, %and3A_234 : vector<16xi32>
      %swap3A_236 = arith.constant 16 : index
      %swap3A_237 = tpu.vector_load %arg7[%swap3A_236] {strides = array<i32>} : memref<80xi32, #tpu.memory_space<vmem>>, vector<16xi32>,
      %swap3A_238 = vector.shape_cast %swap3A_237 : vector<16xi32> to vector<16xi32>
      %swap3A_239 = vector.shape_cast %and3A_235 : vector<16xi32> to vector<16xi32>
      tpu.vector_store %arg7[%swap3A_236], %swap3A_239 {strides = array<i32>} : memref<80xi32, #tpu.memory_space<vmem>>, vector<16xi32>,
      %shift_right_arithmetic3A_240 = arith.constant 16 : i32
      %shift_right_arithmetic3A_241 = vector.broadcast %shift_right_arithmetic3A_240 : i32 to vector<16xi32>
      %shift_right_arithmetic3A_242 = arith.shrsi %get3A_232, %shift_right_arithmetic3A_241 : vector<16xi32>
      %swap3A_243 = arith.constant 16 : index
      %swap3A_244 = tpu.vector_load %arg8[%swap3A_243] {strides = array<i32>} : memref<80xi32, #tpu.memory_space<vmem>>, vector<16xi32>,
      %swap3A_245 = vector.shape_cast %swap3A_244 : vector<16xi32> to vector<16xi32>
      %swap3A_246 = vector.shape_cast %shift_right_arithmetic3A_242 : vector<16xi32> to vector<16xi32>
      tpu.vector_store %arg8[%swap3A_243], %swap3A_246 {strides = array<i32>} : memref<80xi32, #tpu.memory_space<vmem>>, vector<16xi32>,
      %get3A_247 = arith.index_cast %add3A_210 : i32 to index
      %get3A_248 = arith.constant 32 : index
      %get3A_249 = tpu.vector_load %arg6[%get3A_247, %get3A_248] {strides = array<i32>} : memref<125x80xi32, #tpu.memory_space<vmem>>, vector<1x16xi32>,
      %get3A_250 = vector.shape_cast %get3A_249 : vector<1x16xi32> to vector<16xi32>
      %and3A_251 = arith.constant 65535 : i32
      %and3A_252 = vector.broadcast %and3A_251 : i32 to vector<16xi32>
      %and3A_253 = arith.andi %get3A_250, %and3A_252 : vector<16xi32>
      %swap3A_254 = arith.constant 32 : index
      %swap3A_255 = tpu.vector_load %arg7[%swap3A_254] {strides = array<i32>} : memref<80xi32, #tpu.memory_space<vmem>>, vector<16xi32>,
      %swap3A_256 = vector.shape_cast %swap3A_255 : vector<16xi32> to vector<16xi32>
      %swap3A_257 = vector.shape_cast %and3A_253 : vector<16xi32> to vector<16xi32>
      tpu.vector_store %arg7[%swap3A_254], %swap3A_257 {strides = array<i32>} : memref<80xi32, #tpu.memory_space<vmem>>, vector<16xi32>,
      %shift_right_arithmetic3A_258 = arith.constant 16 : i32
      %shift_right_arithmetic3A_259 = vector.broadcast %shift_right_arithmetic3A_258 : i32 to vector<16xi32>
      %shift_right_arithmetic3A_260 = arith.shrsi %get3A_250, %shift_right_arithmetic3A_259 : vector<16xi32>
      %swap3A_261 = arith.constant 32 : index
      %swap3A_262 = tpu.vector_load %arg8[%swap3A_261] {strides = array<i32>} : memref<80xi32, #tpu.memory_space<vmem>>, vector<16xi32>,
      %swap3A_263 = vector.shape_cast %swap3A_262 : vector<16xi32> to vector<16xi32>
      %swap3A_264 = vector.shape_cast %shift_right_arithmetic3A_260 : vector<16xi32> to vector<16xi32>
      tpu.vector_store %arg8[%swap3A_261], %swap3A_264 {strides = array<i32>} : memref<80xi32, #tpu.memory_space<vmem>>, vector<16xi32>,
      %get3A_265 = arith.index_cast %add3A_210 : i32 to index
      %get3A_266 = arith.constant 48 : index
      %get3A_267 = tpu.vector_load %arg6[%get3A_265, %get3A_266] {strides = array<i32>} : memref<125x80xi32, #tpu.memory_space<vmem>>, vector<1x16xi32>,
      %get3A_268 = vector.shape_cast %get3A_267 : vector<1x16xi32> to vector<16xi32>
      %and3A_269 = arith.constant 65535 : i32
      %and3A_270 = vector.broadcast %and3A_269 : i32 to vector<16xi32>
      %and3A_271 = arith.andi %get3A_268, %and3A_270 : vector<16xi32>
      %swap3A_272 = arith.constant 48 : index
      %swap3A_273 = tpu.vector_load %arg7[%swap3A_272] {strides = array<i32>} : memref<80xi32, #tpu.memory_space<vmem>>, vector<16xi32>,
      %swap3A_274 = vector.shape_cast %swap3A_273 : vector<16xi32> to vector<16xi32>
      %swap3A_275 = vector.shape_cast %and3A_271 : vector<16xi32> to vector<16xi32>
      tpu.vector_store %arg7[%swap3A_272], %swap3A_275 {strides = array<i32>} : memref<80xi32, #tpu.memory_space<vmem>>, vector<16xi32>,
      %shift_right_arithmetic3A_276 = arith.constant 16 : i32
      %shift_right_arithmetic3A_277 = vector.broadcast %shift_right_arithmetic3A_276 : i32 to vector<16xi32>
      %shift_right_arithmetic3A_278 = arith.shrsi %get3A_268, %shift_right_arithmetic3A_277 : vector<16xi32>
      %swap3A_279 = arith.constant 48 : index
      %swap3A_280 = tpu.vector_load %arg8[%swap3A_279] {strides = array<i32>} : memref<80xi32, #tpu.memory_space<vmem>>, vector<16xi32>,
      %swap3A_281 = vector.shape_cast %swap3A_280 : vector<16xi32> to vector<16xi32>
      %swap3A_282 = vector.shape_cast %shift_right_arithmetic3A_278 : vector<16xi32> to vector<16xi32>
      tpu.vector_store %arg8[%swap3A_279], %swap3A_282 {strides = array<i32>} : memref<80xi32, #tpu.memory_space<vmem>>, vector<16xi32>,
      %get3A_283 = arith.index_cast %add3A_210 : i32 to index
      %get3A_284 = arith.constant 64 : index
      %get3A_285 = tpu.vector_load %arg6[%get3A_283, %get3A_284] {strides = array<i32>} : memref<125x80xi32, #tpu.memory_space<vmem>>, vector<1x16xi32>,
      %get3A_286 = vector.shape_cast %get3A_285 : vector<1x16xi32> to vector<16xi32>
      %and3A_287 = arith.constant 65535 : i32
      %and3A_288 = vector.broadcast %and3A_287 : i32 to vector<16xi32>
      %and3A_289 = arith.andi %get3A_286, %and3A_288 : vector<16xi32>
      %swap3A_290 = arith.constant 64 : index
      %swap3A_291 = tpu.vector_load %arg7[%swap3A_290] {strides = array<i32>} : memref<80xi32, #tpu.memory_space<vmem>>, vector<16xi32>,
      %swap3A_292 = vector.shape_cast %swap3A_291 : vector<16xi32> to vector<16xi32>
      %swap3A_293 = vector.shape_cast %and3A_289 : vector<16xi32> to vector<16xi32>
      tpu.vector_store %arg7[%swap3A_290], %swap3A_293 {strides = array<i32>} : memref<80xi32, #tpu.memory_space<vmem>>, vector<16xi32>,
      %shift_right_arithmetic3A_294 = arith.constant 16 : i32
      %shift_right_arithmetic3A_295 = vector.broadcast %shift_right_arithmetic3A_294 : i32 to vector<16xi32>
      %shift_right_arithmetic3A_296 = arith.shrsi %get3A_286, %shift_right_arithmetic3A_295 : vector<16xi32>
      %swap3A_297 = arith.constant 64 : index
      %swap3A_298 = tpu.vector_load %arg8[%swap3A_297] {strides = array<i32>} : memref<80xi32, #tpu.memory_space<vmem>>, vector<16xi32>,
      %swap3A_299 = vector.shape_cast %swap3A_298 : vector<16xi32> to vector<16xi32>
      %swap3A_300 = vector.shape_cast %shift_right_arithmetic3A_296 : vector<16xi32> to vector<16xi32>
      tpu.vector_store %arg8[%swap3A_297], %swap3A_300 {strides = array<i32>} : memref<80xi32, #tpu.memory_space<vmem>>, vector<16xi32>,
      %dma_start3A_301 = arith.constant 0 : i32
      %dma_start3A_302 = arith.constant 0 : i32
      %dma_start3A_303 = tpu.memref_slice %arg2[%dma_start3A_301, %dma_start3A_302] : memref<10000x128xf32, #tpu.memory_space<hbm>> -> memref<10000x128xf32, #tpu.memory_space<hbm>>
      tpu.enqueue_indirect_dma source(%dma_start3A_303 : memref<10000x128xf32, #tpu.memory_space<hbm>>) target(%arg11 : memref<80x128xf32, #tpu.memory_space<vmem>>) offsets(%arg7 : memref<80xi32, #tpu.memory_space<vmem>>) semaphore(%arg14 : memref<!tpu.dma_semaphore, #tpu.memory_space<semaphore_mem>>)
      %dma_wait3A_304 = arith.constant 0 : i32
      %dma_wait3A_305 = arith.constant 0 : i32
      %dma_wait3A_306 = tpu.memref_slice %arg2[%dma_wait3A_304, %dma_wait3A_305] : memref<10000x128xf32, #tpu.memory_space<hbm>> -> memref<10000x128xf32, #tpu.memory_space<hbm>>
      tpu.wait_indirect_dma semaphore(%arg15 : memref<!tpu.dma_semaphore, #tpu.memory_space<semaphore_mem>>) src(%dma_wait3A_306 : memref<10000x128xf32, #tpu.memory_space<hbm>>) dst(%arg12 : memref<80x128xf32, #tpu.memory_space<vmem>>)
      "tpu.region"() ({
        %run_scoped3A = tpu.sem_alloc : memref<!tpu.dma_semaphore, #tpu.memory_space<semaphore_mem>>
        %dma_start3A_307 = arith.constant 0 : i32
        %dma_start3A_308 = arith.constant 0 : i32
        %dma_start3A_309 = tpu.memref_slice %arg13[%dma_start3A_307, %dma_start3A_308] : memref<10112x128xf32, #tpu.memory_space<vmem_shared>> -> memref<10112x128xf32, #tpu.memory_space<vmem_shared>>
        tpu.enqueue_indirect_dma source(%arg12 : memref<80x128xf32, #tpu.memory_space<vmem>>) target(%dma_start3A_309 : memref<10112x128xf32, #tpu.memory_space<vmem_shared>>) offsets(%arg10 : memref<80xi32, #tpu.memory_space<vmem>>) semaphore(%run_scoped3A : memref<!tpu.dma_semaphore, #tpu.memory_space<semaphore_mem>>) {add = true}
        %dma_wait3A_310 = arith.constant 0 : i32
        %dma_wait3A_311 = arith.constant 0 : i32
        %dma_wait3A_312 = tpu.memref_slice %arg13[%dma_wait3A_310, %dma_wait3A_311] : memref<10112x128xf32, #tpu.memory_space<vmem_shared>> -> memref<10112x128xf32, #tpu.memory_space<vmem_shared>>
        tpu.wait_indirect_dma semaphore(%run_scoped3A : memref<!tpu.dma_semaphore, #tpu.memory_space<semaphore_mem>>) src(%arg12 : memref<80x128xf32, #tpu.memory_space<vmem>>) dst(%dma_wait3A_312 : memref<10112x128xf32, #tpu.memory_space<vmem_shared>>)
        tpu.yield
      }) : () -> ()
    }
    %scan3A_100 = arith.constant 62 : i32
    %dma_wait3A = arith.constant 0 : i32
    %dma_wait3A_101 = arith.constant 0 : i32
    %dma_wait3A_102 = tpu.memref_slice %arg2[%dma_wait3A, %dma_wait3A_101] : memref<10000x128xf32, #tpu.memory_space<hbm>> -> memref<10000x128xf32, #tpu.memory_space<hbm>>
    tpu.wait_indirect_dma semaphore(%arg14 : memref<!tpu.dma_semaphore, #tpu.memory_space<semaphore_mem>>) src(%dma_wait3A_102 : memref<10000x128xf32, #tpu.memory_space<hbm>>) dst(%arg11 : memref<80x128xf32, #tpu.memory_space<vmem>>)
    "tpu.region"() ({
      %run_scoped3A = tpu.sem_alloc : memref<!tpu.dma_semaphore, #tpu.memory_space<semaphore_mem>>
      %dma_start3A_106 = arith.constant 0 : i32
      %dma_start3A_107 = arith.constant 0 : i32
      %dma_start3A_108 = tpu.memref_slice %arg13[%dma_start3A_106, %dma_start3A_107] : memref<10112x128xf32, #tpu.memory_space<vmem_shared>> -> memref<10112x128xf32, #tpu.memory_space<vmem_shared>>
      tpu.enqueue_indirect_dma source(%arg11 : memref<80x128xf32, #tpu.memory_space<vmem>>) target(%dma_start3A_108 : memref<10112x128xf32, #tpu.memory_space<vmem_shared>>) offsets(%arg8 : memref<80xi32, #tpu.memory_space<vmem>>) semaphore(%run_scoped3A : memref<!tpu.dma_semaphore, #tpu.memory_space<semaphore_mem>>) {add = true}
      %dma_wait3A_109 = arith.constant 0 : i32
      %dma_wait3A_110 = arith.constant 0 : i32
      %dma_wait3A_111 = tpu.memref_slice %arg13[%dma_wait3A_109, %dma_wait3A_110] : memref<10112x128xf32, #tpu.memory_space<vmem_shared>> -> memref<10112x128xf32, #tpu.memory_space<vmem_shared>>
      tpu.wait_indirect_dma semaphore(%run_scoped3A : memref<!tpu.dma_semaphore, #tpu.memory_space<semaphore_mem>>) src(%arg11 : memref<80x128xf32, #tpu.memory_space<vmem>>) dst(%dma_wait3A_111 : memref<10112x128xf32, #tpu.memory_space<vmem_shared>>)
      tpu.yield
    }) : () -> ()
    %barrier3A_103 = arith.constant 0 : index
    tpu.barrier barrier_id(%barrier3A_103)
    %mul3A_104 = arith.constant 632 : i32
    %mul3A_105 = arith.muli %arg1, %mul3A_104 : i32
    "tpu.region"() ({
      %run_scoped3A = tpu.sem_alloc : memref<!tpu.dma_semaphore, #tpu.memory_space<semaphore_mem>>
      %dma_start3A_106 = arith.constant 0 : i32
      %dma_start3A_107 = tpu.memref_slice %arg5[%arg0, %mul3A_105, %dma_start3A_106] : memref<2x10112x128xf32, #tpu.memory_space<hbm>> -> memref<1x632x128xf32, #tpu.memory_space<hbm>>
      %dma_start3A_108 = tpu.memref_squeeze %dma_start3A_107 : memref<1x632x128xf32, #tpu.memory_space<hbm>> -> memref<632x128xf32, #tpu.memory_space<hbm>>
      %dma_start3A_109 = arith.constant 0 : i32
      %dma_start3A_110 = tpu.memref_slice %arg13[%mul3A_105, %dma_start3A_109] : memref<10112x128xf32, #tpu.memory_space<vmem_shared>> -> memref<632x128xf32, #tpu.memory_space<vmem_shared>>
      tpu.enqueue_dma source(%dma_start3A_110 : memref<632x128xf32, #tpu.memory_space<vmem_shared>>) target(%dma_start3A_108 : memref<632x128xf32, #tpu.memory_space<hbm>>) target_semaphore(%run_scoped3A : memref<!tpu.dma_semaphore, #tpu.memory_space<semaphore_mem>>)
      %dma_wait3A_111 = arith.constant 0 : i32
      %dma_wait3A_112 = tpu.memref_slice %arg5[%arg0, %mul3A_105, %dma_wait3A_111] : memref<2x10112x128xf32, #tpu.memory_space<hbm>> -> memref<1x632x128xf32, #tpu.memory_space<hbm>>
      %dma_wait3A_113 = tpu.memref_squeeze %dma_wait3A_112 : memref<1x632x128xf32, #tpu.memory_space<hbm>> -> memref<632x128xf32, #tpu.memory_space<hbm>>
      %dma_wait3A_114 = arith.constant 0 : i32
      %dma_wait3A_115 = tpu.memref_slice %arg13[%mul3A_105, %dma_wait3A_114] : memref<10112x128xf32, #tpu.memory_space<vmem_shared>> -> memref<632x128xf32, #tpu.memory_space<vmem_shared>>
      tpu.wait_dma2 semaphore(%run_scoped3A : memref<!tpu.dma_semaphore, #tpu.memory_space<semaphore_mem>>) src(%dma_wait3A_115 : memref<632x128xf32, #tpu.memory_space<vmem_shared>>) dst(%dma_wait3A_113 : memref<632x128xf32, #tpu.memory_space<hbm>>)
      tpu.yield
    }) : () -> ()
    return
  }
}

module attributes {stable_mosaic.version = 14 : i64} {
  func.func @_tc_layer_body(%arg0: i32, %arg1: memref<1x1000x128xf32, #tpu.memory_space<vmem>>, %arg2: memref<1x1000x128xf32, #tpu.memory_space<vmem>>, %arg3: memref<1000x1xf32, #tpu.memory_space<vmem>>, %arg4: memref<1000x1xf32, #tpu.memory_space<vmem>>, %arg5: memref<1000x128xf32, #tpu.memory_space<vmem>>, %arg6: memref<128x128xf32, #tpu.memory_space<vmem>>, %arg7: memref<1x128xf32, #tpu.memory_space<vmem>>, %arg8: memref<128x128xf32, #tpu.memory_space<vmem>>, %arg9: memref<1000x128xf32, #tpu.memory_space<vmem>>) attributes {dimension_semantics = [#tpu.dimension_semantics<arbitrary>], iteration_bounds = array<i64: 10>, scalar_prefetch = 0 : i64, scratch_operands = 0 : i64, tpu.core_type = #tpu.core_type<tc>, window_params = [{transform_indices = @transform_0, window_bounds = array<i64: 1, 1000, 128>}, {transform_indices = @transform_1, window_bounds = array<i64: 1, 1000, 128>}, {transform_indices = @transform_2, window_bounds = array<i64: 1000, 1>}, {transform_indices = @transform_3, window_bounds = array<i64: 1000, 1>}, {transform_indices = @transform_4, window_bounds = array<i64: 1000, 128>}, {pipeline_mode = #tpu.pipeline_mode<synchronous>, transform_indices = @transform_5, window_bounds = array<i64: 128, 128>}, {pipeline_mode = #tpu.pipeline_mode<synchronous>, transform_indices = @transform_6, window_bounds = array<i64: 1, 128>}, {pipeline_mode = #tpu.pipeline_mode<synchronous>, transform_indices = @transform_7, window_bounds = array<i64: 128, 128>}, {transform_indices = @transform_8, window_bounds = array<i64: 1000, 128>}]} {
    %get3A = arith.constant 0 : index
    %get3A_0 = arith.constant 0 : index
    %get3A_1 = vector.load %arg3[%get3A, %get3A_0] : memref<1000x1xf32, #tpu.memory_space<vmem>>, vector<1000x1xf32>
    %get3A_2 = arith.constant 0 : index
    %get3A_3 = arith.constant 0 : index
    %get3A_4 = vector.load %arg4[%get3A_2, %get3A_3] : memref<1000x1xf32, #tpu.memory_space<vmem>>, vector<1000x1xf32>
    %add3A = arith.addf %get3A_1, %get3A_4 : vector<1000x1xf32>
    %max3A = arith.constant 1.000000e+00 : f32
    %max3A_5 = vector.broadcast %max3A : f32 to vector<1000x1xf32>
    %max3A_6 = arith.maximumf %add3A, %max3A_5 : vector<1000x1xf32>
    %div3A = arith.constant 1.000000e+00 : f32
    %div3A_7 = vector.broadcast %div3A : f32 to vector<1000x1xf32>
    %div3A_8 = arith.divf %div3A_7, %max3A_6 : vector<1000x1xf32>
    %get3A_9 = arith.constant 0 : index
    %get3A_10 = arith.constant 0 : index
    %get3A_11 = arith.constant 0 : index
    %get3A_12 = vector.load %arg1[%get3A_9, %get3A_10, %get3A_11] : memref<1x1000x128xf32, #tpu.memory_space<vmem>>, vector<1x1000x128xf32>
    %get3A_13 = vector.shape_cast %get3A_12 : vector<1x1000x128xf32> to vector<1000x128xf32>
    %get3A_14 = arith.constant 0 : index
    %get3A_15 = arith.constant 0 : index
    %get3A_16 = arith.constant 0 : index
    %get3A_17 = vector.load %arg2[%get3A_14, %get3A_15, %get3A_16] : memref<1x1000x128xf32, #tpu.memory_space<vmem>>, vector<1x1000x128xf32>
    %get3A_18 = vector.shape_cast %get3A_17 : vector<1x1000x128xf32> to vector<1000x128xf32>
    %add3A_19 = arith.addf %get3A_13, %get3A_18 : vector<1000x128xf32>
    %mul3A = vector.broadcast %div3A_8 : vector<1000x1xf32> to vector<1000x128xf32>
    %mul3A_20 = arith.mulf %add3A_19, %mul3A : vector<1000x128xf32>
    %get3A_21 = arith.constant 0 : index
    %get3A_22 = arith.constant 0 : index
    %get3A_23 = vector.load %arg6[%get3A_21, %get3A_22] : memref<128x128xf32, #tpu.memory_space<vmem>>, vector<128x128xf32>
    %dot_general3A = arith.constant dense<0.000000e+00> : vector<1000x128xf32>
    %dot_general3A_24 = tpu.matmul %mul3A_20, %get3A_23, %dot_general3A {dimension_numbers = #tpu.dot_dimension_numbers<[1], [0], [0], [1], [0, 0, 1, 1], [], []>, transpose_lhs_hint = false} : vector<1000x128xf32>, vector<128x128xf32>, vector<1000x128xf32> -> vector<1000x128xf32>
    %get3A_25 = arith.constant 0 : index
    %get3A_26 = arith.constant 0 : index
    %get3A_27 = vector.load %arg5[%get3A_25, %get3A_26] : memref<1000x128xf32, #tpu.memory_space<vmem>>, vector<1000x128xf32>
    %get3A_28 = arith.constant 0 : index
    %get3A_29 = arith.constant 0 : index
    %get3A_30 = vector.load %arg8[%get3A_28, %get3A_29] : memref<128x128xf32, #tpu.memory_space<vmem>>, vector<128x128xf32>
    %dot_general3A_31 = arith.constant dense<0.000000e+00> : vector<1000x128xf32>
    %dot_general3A_32 = tpu.matmul %get3A_27, %get3A_30, %dot_general3A_31 {dimension_numbers = #tpu.dot_dimension_numbers<[1], [0], [0], [1], [0, 0, 1, 1], [], []>, transpose_lhs_hint = false} : vector<1000x128xf32>, vector<128x128xf32>, vector<1000x128xf32> -> vector<1000x128xf32>
    %add3A_33 = arith.addf %dot_general3A_24, %dot_general3A_32 : vector<1000x128xf32>
    %get3A_34 = arith.constant 0 : index
    %get3A_35 = arith.constant 0 : index
    %get3A_36 = vector.load %arg7[%get3A_34, %get3A_35] : memref<1x128xf32, #tpu.memory_space<vmem>>, vector<1x128xf32>
    %add3A_37 = vector.broadcast %get3A_36 : vector<1x128xf32> to vector<1000x128xf32>
    %add3A_38 = arith.addf %add3A_33, %add3A_37 : vector<1000x128xf32>
    %max3A_39 = arith.constant 0.000000e+00 : f32
    %max3A_40 = vector.broadcast %max3A_39 : f32 to vector<1000x128xf32>
    %max3A_41 = arith.maximumf %add3A_38, %max3A_40 : vector<1000x128xf32>
    %swap3A = arith.constant 0 : index
    %swap3A_42 = arith.constant 0 : index
    %swap3A_43 = vector.load %arg9[%swap3A, %swap3A_42] : memref<1000x128xf32, #tpu.memory_space<vmem>>, vector<1000x128xf32>
    tpu.vector_store %arg9[%swap3A, %swap3A_42], %max3A_41 {strides = array<i32>} : memref<1000x128xf32, #tpu.memory_space<vmem>>, vector<1000x128xf32>,
    return
  }
  func.func @transform_0(%arg0: i32) -> (i32, i32, i32) {
    %c0_i32 = arith.constant 0 : i32
    %c0_i32_0 = arith.constant 0 : i32
    %c0_i32_1 = arith.constant 0 : i32
    return %c0_i32, %arg0, %c0_i32_0 : i32, i32, i32
  }
  func.func @transform_1(%arg0: i32) -> (i32, i32, i32) {
    %c1_i32 = arith.constant 1 : i32
    %c0_i32 = arith.constant 0 : i32
    %c0_i32_0 = arith.constant 0 : i32
    return %c1_i32, %arg0, %c0_i32 : i32, i32, i32
  }
  func.func @transform_2(%arg0: i32) -> (i32, i32) {
    %c0_i32 = arith.constant 0 : i32
    %c0_i32_0 = arith.constant 0 : i32
    return %arg0, %c0_i32 : i32, i32
  }
  func.func @transform_3(%arg0: i32) -> (i32, i32) {
    %c0_i32 = arith.constant 0 : i32
    %c0_i32_0 = arith.constant 0 : i32
    return %arg0, %c0_i32 : i32, i32
  }
  func.func @transform_4(%arg0: i32) -> (i32, i32) {
    %c0_i32 = arith.constant 0 : i32
    %c0_i32_0 = arith.constant 0 : i32
    return %arg0, %c0_i32 : i32, i32
  }
  func.func @transform_5(%arg0: i32) -> (i32, i32) {
    %c0_i32 = arith.constant 0 : i32
    %c0_i32_0 = arith.constant 0 : i32
    %c0_i32_1 = arith.constant 0 : i32
    return %c0_i32, %c0_i32_0 : i32, i32
  }
  func.func @transform_6(%arg0: i32) -> (i32, i32) {
    %c0_i32 = arith.constant 0 : i32
    %c0_i32_0 = arith.constant 0 : i32
    %c0_i32_1 = arith.constant 0 : i32
    return %c0_i32, %c0_i32_0 : i32, i32
  }
  func.func @transform_7(%arg0: i32) -> (i32, i32) {
    %c0_i32 = arith.constant 0 : i32
    %c0_i32_0 = arith.constant 0 : i32
    %c0_i32_1 = arith.constant 0 : i32
    return %c0_i32, %c0_i32_0 : i32, i32
  }
  func.func @transform_8(%arg0: i32) -> (i32, i32) {
    %c0_i32 = arith.constant 0 : i32
    %c0_i32_0 = arith.constant 0 : i32
    return %arg0, %c0_i32 : i32, i32
  }
}

module attributes {stable_mosaic.version = 14 : i64} {
  func.func @_tc_layer3_head_body(%arg0: i32, %arg1: memref<1x1000x128xf32, #tpu.memory_space<vmem>>, %arg2: memref<1x1000x128xf32, #tpu.memory_space<vmem>>, %arg3: memref<1000x1xf32, #tpu.memory_space<vmem>>, %arg4: memref<1000x1xf32, #tpu.memory_space<vmem>>, %arg5: memref<1000x128xf32, #tpu.memory_space<vmem>>, %arg6: memref<128x128xf32, #tpu.memory_space<vmem>>, %arg7: memref<1x128xf32, #tpu.memory_space<vmem>>, %arg8: memref<128x128xf32, #tpu.memory_space<vmem>>, %arg9: memref<128x64xf32, #tpu.memory_space<vmem>>, %arg10: memref<1x64xf32, #tpu.memory_space<vmem>>, %arg11: memref<64x2xf32, #tpu.memory_space<vmem>>, %arg12: memref<1x2xf32, #tpu.memory_space<vmem>>, %arg13: memref<1000x2xf32, #tpu.memory_space<vmem>>) attributes {dimension_semantics = [#tpu.dimension_semantics<arbitrary>], iteration_bounds = array<i64: 10>, scalar_prefetch = 0 : i64, scratch_operands = 0 : i64, tpu.core_type = #tpu.core_type<tc>, window_params = [{transform_indices = @transform_0, window_bounds = array<i64: 1, 1000, 128>}, {transform_indices = @transform_1, window_bounds = array<i64: 1, 1000, 128>}, {transform_indices = @transform_2, window_bounds = array<i64: 1000, 1>}, {transform_indices = @transform_3, window_bounds = array<i64: 1000, 1>}, {transform_indices = @transform_4, window_bounds = array<i64: 1000, 128>}, {pipeline_mode = #tpu.pipeline_mode<synchronous>, transform_indices = @transform_5, window_bounds = array<i64: 128, 128>}, {pipeline_mode = #tpu.pipeline_mode<synchronous>, transform_indices = @transform_6, window_bounds = array<i64: 1, 128>}, {pipeline_mode = #tpu.pipeline_mode<synchronous>, transform_indices = @transform_7, window_bounds = array<i64: 128, 128>}, {pipeline_mode = #tpu.pipeline_mode<synchronous>, transform_indices = @transform_8, window_bounds = array<i64: 128, 64>}, {pipeline_mode = #tpu.pipeline_mode<synchronous>, transform_indices = @transform_9, window_bounds = array<i64: 1, 64>}, {pipeline_mode = #tpu.pipeline_mode<synchronous>, transform_indices = @transform_10, window_bounds = array<i64: 64, 2>}, {pipeline_mode = #tpu.pipeline_mode<synchronous>, transform_indices = @transform_11, window_bounds = array<i64: 1, 2>}, {transform_indices = @transform_12, window_bounds = array<i64: 1000, 2>}]} {
    %get3A = arith.constant 0 : index
    %get3A_0 = arith.constant 0 : index
    %get3A_1 = vector.load %arg3[%get3A, %get3A_0] : memref<1000x1xf32, #tpu.memory_space<vmem>>, vector<1000x1xf32>
    %get3A_2 = arith.constant 0 : index
    %get3A_3 = arith.constant 0 : index
    %get3A_4 = vector.load %arg4[%get3A_2, %get3A_3] : memref<1000x1xf32, #tpu.memory_space<vmem>>, vector<1000x1xf32>
    %add3A = arith.addf %get3A_1, %get3A_4 : vector<1000x1xf32>
    %max3A = arith.constant 1.000000e+00 : f32
    %max3A_5 = vector.broadcast %max3A : f32 to vector<1000x1xf32>
    %max3A_6 = arith.maximumf %add3A, %max3A_5 : vector<1000x1xf32>
    %div3A = arith.constant 1.000000e+00 : f32
    %div3A_7 = vector.broadcast %div3A : f32 to vector<1000x1xf32>
    %div3A_8 = arith.divf %div3A_7, %max3A_6 : vector<1000x1xf32>
    %get3A_9 = arith.constant 0 : index
    %get3A_10 = arith.constant 0 : index
    %get3A_11 = arith.constant 0 : index
    %get3A_12 = vector.load %arg1[%get3A_9, %get3A_10, %get3A_11] : memref<1x1000x128xf32, #tpu.memory_space<vmem>>, vector<1x1000x128xf32>
    %get3A_13 = vector.shape_cast %get3A_12 : vector<1x1000x128xf32> to vector<1000x128xf32>
    %get3A_14 = arith.constant 0 : index
    %get3A_15 = arith.constant 0 : index
    %get3A_16 = arith.constant 0 : index
    %get3A_17 = vector.load %arg2[%get3A_14, %get3A_15, %get3A_16] : memref<1x1000x128xf32, #tpu.memory_space<vmem>>, vector<1x1000x128xf32>
    %get3A_18 = vector.shape_cast %get3A_17 : vector<1x1000x128xf32> to vector<1000x128xf32>
    %add3A_19 = arith.addf %get3A_13, %get3A_18 : vector<1000x128xf32>
    %mul3A = vector.broadcast %div3A_8 : vector<1000x1xf32> to vector<1000x128xf32>
    %mul3A_20 = arith.mulf %add3A_19, %mul3A : vector<1000x128xf32>
    %get3A_21 = arith.constant 0 : index
    %get3A_22 = arith.constant 0 : index
    %get3A_23 = vector.load %arg6[%get3A_21, %get3A_22] : memref<128x128xf32, #tpu.memory_space<vmem>>, vector<128x128xf32>
    %dot_general3A = arith.constant dense<0.000000e+00> : vector<1000x128xf32>
    %dot_general3A_24 = tpu.matmul %mul3A_20, %get3A_23, %dot_general3A {dimension_numbers = #tpu.dot_dimension_numbers<[1], [0], [0], [1], [0, 0, 1, 1], [], []>, transpose_lhs_hint = false} : vector<1000x128xf32>, vector<128x128xf32>, vector<1000x128xf32> -> vector<1000x128xf32>
    %get3A_25 = arith.constant 0 : index
    %get3A_26 = arith.constant 0 : index
    %get3A_27 = vector.load %arg5[%get3A_25, %get3A_26] : memref<1000x128xf32, #tpu.memory_space<vmem>>, vector<1000x128xf32>
    %get3A_28 = arith.constant 0 : index
    %get3A_29 = arith.constant 0 : index
    %get3A_30 = vector.load %arg8[%get3A_28, %get3A_29] : memref<128x128xf32, #tpu.memory_space<vmem>>, vector<128x128xf32>
    %dot_general3A_31 = arith.constant dense<0.000000e+00> : vector<1000x128xf32>
    %dot_general3A_32 = tpu.matmul %get3A_27, %get3A_30, %dot_general3A_31 {dimension_numbers = #tpu.dot_dimension_numbers<[1], [0], [0], [1], [0, 0, 1, 1], [], []>, transpose_lhs_hint = false} : vector<1000x128xf32>, vector<128x128xf32>, vector<1000x128xf32> -> vector<1000x128xf32>
    %add3A_33 = arith.addf %dot_general3A_24, %dot_general3A_32 : vector<1000x128xf32>
    %get3A_34 = arith.constant 0 : index
    %get3A_35 = arith.constant 0 : index
    %get3A_36 = vector.load %arg7[%get3A_34, %get3A_35] : memref<1x128xf32, #tpu.memory_space<vmem>>, vector<1x128xf32>
    %add3A_37 = vector.broadcast %get3A_36 : vector<1x128xf32> to vector<1000x128xf32>
    %add3A_38 = arith.addf %add3A_33, %add3A_37 : vector<1000x128xf32>
    %max3A_39 = arith.constant 0.000000e+00 : f32
    %max3A_40 = vector.broadcast %max3A_39 : f32 to vector<1000x128xf32>
    %max3A_41 = arith.maximumf %add3A_38, %max3A_40 : vector<1000x128xf32>
    %get3A_42 = arith.constant 0 : index
    %get3A_43 = arith.constant 0 : index
    %get3A_44 = vector.load %arg9[%get3A_42, %get3A_43] : memref<128x64xf32, #tpu.memory_space<vmem>>, vector<128x64xf32>
    %dot_general3A_45 = arith.constant dense<0.000000e+00> : vector<1000x64xf32>
    %dot_general3A_46 = tpu.matmul %max3A_41, %get3A_44, %dot_general3A_45 {dimension_numbers = #tpu.dot_dimension_numbers<[1], [0], [0], [1], [0, 0, 1, 1], [], []>, transpose_lhs_hint = false} : vector<1000x128xf32>, vector<128x64xf32>, vector<1000x64xf32> -> vector<1000x64xf32>
    %get3A_47 = arith.constant 0 : index
    %get3A_48 = arith.constant 0 : index
    %get3A_49 = vector.load %arg10[%get3A_47, %get3A_48] : memref<1x64xf32, #tpu.memory_space<vmem>>, vector<1x64xf32>
    %add3A_50 = vector.broadcast %get3A_49 : vector<1x64xf32> to vector<1000x64xf32>
    %add3A_51 = arith.addf %dot_general3A_46, %add3A_50 : vector<1000x64xf32>
    %max3A_52 = arith.constant 0.000000e+00 : f32
    %max3A_53 = vector.broadcast %max3A_52 : f32 to vector<1000x64xf32>
    %max3A_54 = arith.maximumf %add3A_51, %max3A_53 : vector<1000x64xf32>
    %get3A_55 = arith.constant 0 : index
    %get3A_56 = arith.constant 0 : index
    %get3A_57 = vector.load %arg11[%get3A_55, %get3A_56] : memref<64x2xf32, #tpu.memory_space<vmem>>, vector<64x2xf32>
    %dot_general3A_58 = arith.constant dense<0.000000e+00> : vector<1000x2xf32>
    %dot_general3A_59 = tpu.matmul %max3A_54, %get3A_57, %dot_general3A_58 {dimension_numbers = #tpu.dot_dimension_numbers<[1], [0], [0], [1], [0, 0, 1, 1], [], []>, transpose_lhs_hint = false} : vector<1000x64xf32>, vector<64x2xf32>, vector<1000x2xf32> -> vector<1000x2xf32>
    %get3A_60 = arith.constant 0 : index
    %get3A_61 = arith.constant 0 : index
    %get3A_62 = vector.load %arg12[%get3A_60, %get3A_61] : memref<1x2xf32, #tpu.memory_space<vmem>>, vector<1x2xf32>
    %add3A_63 = vector.broadcast %get3A_62 : vector<1x2xf32> to vector<1000x2xf32>
    %add3A_64 = arith.addf %dot_general3A_59, %add3A_63 : vector<1000x2xf32>
    %swap3A = arith.constant 0 : index
    %swap3A_65 = arith.constant 0 : index
    %swap3A_66 = vector.load %arg13[%swap3A, %swap3A_65] : memref<1000x2xf32, #tpu.memory_space<vmem>>, vector<1000x2xf32>
    tpu.vector_store %arg13[%swap3A, %swap3A_65], %add3A_64 {strides = array<i32>} : memref<1000x2xf32, #tpu.memory_space<vmem>>, vector<1000x2xf32>,
    return
  }
  func.func @transform_0(%arg0: i32) -> (i32, i32, i32) {
    %c0_i32 = arith.constant 0 : i32
    %c0_i32_0 = arith.constant 0 : i32
    %c0_i32_1 = arith.constant 0 : i32
    return %c0_i32, %arg0, %c0_i32_0 : i32, i32, i32
  }
  func.func @transform_1(%arg0: i32) -> (i32, i32, i32) {
    %c1_i32 = arith.constant 1 : i32
    %c0_i32 = arith.constant 0 : i32
    %c0_i32_0 = arith.constant 0 : i32
    return %c1_i32, %arg0, %c0_i32 : i32, i32, i32
  }
  func.func @transform_2(%arg0: i32) -> (i32, i32) {
    %c0_i32 = arith.constant 0 : i32
    %c0_i32_0 = arith.constant 0 : i32
    return %arg0, %c0_i32 : i32, i32
  }
  func.func @transform_3(%arg0: i32) -> (i32, i32) {
    %c0_i32 = arith.constant 0 : i32
    %c0_i32_0 = arith.constant 0 : i32
    return %arg0, %c0_i32 : i32, i32
  }
  func.func @transform_4(%arg0: i32) -> (i32, i32) {
    %c0_i32 = arith.constant 0 : i32
    %c0_i32_0 = arith.constant 0 : i32
    return %arg0, %c0_i32 : i32, i32
  }
  func.func @transform_5(%arg0: i32) -> (i32, i32) {
    %c0_i32 = arith.constant 0 : i32
    %c0_i32_0 = arith.constant 0 : i32
    %c0_i32_1 = arith.constant 0 : i32
    return %c0_i32, %c0_i32_0 : i32, i32
  }
  func.func @transform_6(%arg0: i32) -> (i32, i32) {
    %c0_i32 = arith.constant 0 : i32
    %c0_i32_0 = arith.constant 0 : i32
    %c0_i32_1 = arith.constant 0 : i32
    return %c0_i32, %c0_i32_0 : i32, i32
  }
  func.func @transform_7(%arg0: i32) -> (i32, i32) {
    %c0_i32 = arith.constant 0 : i32
    %c0_i32_0 = arith.constant 0 : i32
    %c0_i32_1 = arith.constant 0 : i32
    return %c0_i32, %c0_i32_0 : i32, i32
  }
  func.func @transform_8(%arg0: i32) -> (i32, i32) {
    %c0_i32 = arith.constant 0 : i32
    %c0_i32_0 = arith.constant 0 : i32
    %c0_i32_1 = arith.constant 0 : i32
    return %c0_i32, %c0_i32_0 : i32, i32
  }
  func.func @transform_9(%arg0: i32) -> (i32, i32) {
    %c0_i32 = arith.constant 0 : i32
    %c0_i32_0 = arith.constant 0 : i32
    %c0_i32_1 = arith.constant 0 : i32
    return %c0_i32, %c0_i32_0 : i32, i32
  }
  func.func @transform_10(%arg0: i32) -> (i32, i32) {
    %c0_i32 = arith.constant 0 : i32
    %c0_i32_0 = arith.constant 0 : i32
    %c0_i32_1 = arith.constant 0 : i32
    return %c0_i32, %c0_i32_0 : i32, i32
  }
  func.func @transform_11(%arg0: i32) -> (i32, i32) {
    %c0_i32 = arith.constant 0 : i32
    %c0_i32_0 = arith.constant 0 : i32
    %c0_i32_1 = arith.constant 0 : i32
    return %c0_i32, %c0_i32_0 : i32, i32
  }
  func.func @transform_12(%arg0: i32) -> (i32, i32) {
    %c0_i32 = arith.constant 0 : i32
    %c0_i32_0 = arith.constant 0 : i32
    return %arg0, %c0_i32 : i32, i32
  }
}

</mosaic_0001>

<sc_bundles>
// kernel: kernel.11.cloned.1.call-start
scs
__scs_entry_jumppad:
0x0: {  	(pc) =	sbr.rel $0x88, $3  }
0x1: {  	(tag) =	ssettag $0x0;
	lr =	simm.s32 $0x1  }
0x2: {  	[smem:$0x3F92] =	sst lr;
	_ =	strace $0xD0000000  }
0x3: {  	_ = 	snop  }
0x4: {  	_ = 	snop  }
0x5: {  	_ = 	snop  }
0x6: {  	_ = 	snop  }
0x7: {  	_ = 	snop  }
__scs_overlays_trampoline_lowered:
0x8: {  	[smem:$0x3FA1] =	sst s0  }
0x9: {  	[smem:$0x3FA2] =	sst s1  }
0xa: {  	[smem:$0x3FA3] =	sst s2  }
0xb: {  	[smem:$0x3FA4] =	sst s3  }
0xc: {  	[smem:$0x3FA5] =	sst s4  }
0xd: {  	[smem:$0x3FA6] =	sst s5  }
0xe: {  	[smem:$0x3FA7] =	sst s6  }
0xf: {  	[smem:$0x3FA8] =	sst s7  }
0x10: {  	[smem:$0x3FA9] =	sst s8  }
0x11: {  	[smem:$0x3FAA] =	sst s9;
	s0 =	simm.s32 @!p0 $0x0  }
0x12: {  	s1 =	sld [smem:$0x3F90];
	s0 =	simm.s32 @p0 $0x1  }
0x13: {  	[smem:$0x3FAB] =	sst s0;
	s0 =	simm.s32 @!p1 $0x0  }
0x14: {  	s2 =	sld [smem:$0x3F8F];
	s0 =	simm.s32 @p1 $0x1  }
0x15: {  	[smem:$0x3FAC] =	sst s0;
	s0 =	simm.s32 @!p2 $0x0  }
0x16: {  	s3 =	sld [smem:$0x3FDB];
	s0 =	simm.s32 @p2 $0x1  }
0x17: {  	s4 =	simm.s32 $0x1BF5;
	[smem:$0x3FAE] =	sst s0  }
0x18: {  	s0 =	sld [smem:$0x3F91];
	_ =	swait.ge [sflag:s4], $0x0  }
0x19: {  	s7 =	sld [smem:$0x3F92]  }
0x1a: {  	s8 =	sadd.s32 $0xFFFFE003, lr  }
0x1b: {  	s9 =	sadd.s32 $0xFFFFFEF7, lr;
	s5 =	simm.s32 $0xFFFFFFFF;
	p2 =	slt.u32 s8, $0xFFFFF086  }
0x1c: {  	p1 =	slt.u32 s9, $0xF7A;
	s5 =	simm.s32 @!p2 $0x0  }
0x1d: {  	s5 =	simm.s32 @p1 $0x1;
	p0 =	seq.s32 s7, s2  }
0x1e: {  	s7 =	smul.u32 @!p0 $0xF7A, s2;
	p2 =	seq.s32 @!p0 s5, $0x0  }
0x1f: {  	s9 =	smul.u32 $0xF7A, s1;
	s8 =	simm.s32 @!p0 $0x1BF5;
	p2 =	por !p2, p0  }
0x20: {  	[sflag:s8] =	ssyncset.s32 @!p0 $0xFFFFF086;
	s6 =	sadd.s32 @!p0 s3, s7;
	s7 =	simm.s32 @!p0 $0x108  }
0x21: {  	s3 =	sadd.s32 s3, s9;
	s6 =	sadd.s32 @!p0 $0x88, s6;
	s7 =	simm.s32 @p2 $0x1082  }
0x22: {  	[simem:s7], [sflag:s8] =	dma.local @!p0 [hbm:s6], $0xF7A  }
0x23: {  	s9 =	sor.u32 $0xD0000000, s2;
	s6 =	simm.s32 $0x108;
	_ =	swait.ge @!p0 [sflag:s8], $0x0  }
0x24: {  	s3 =	sadd.s32 $0x88, s3;
	s6 =	simm.s32 @!p1 $0x1082;
	[sflag:s4] =	ssyncset.s32 $0xFFFFF086  }
0x25: {  	[simem:s6], [sflag:s4] =	dma.local [hbm:s3], $0xF7A  }
0x26: {  	[smem:$0x3F92] =	sst s1;
	(tag) =	ssettag s2;
	_ =	strace s9  }
0x27: {  	s1 =	sld [smem:$0x3FA2]  }
0x28: {  	s2 =	sld [smem:$0x3FA3]  }
0x29: {  	s4 =	sld [smem:$0x3FA5]  }
0x2a: {  	p0 =	seq.s32 s5, $0x0;
	s5 =	sld [smem:$0x3FA6]  }
0x2b: {  	s6 =	sld [smem:$0x3FA7]  }
0x2c: {  	s7 =	sld [smem:$0x3FA8]  }
0x2d: {  	s3 =	simm.s32 $0x108;
	s8 =	sld [smem:$0x3FA9]  }
0x2e: {  	s3 =	simm.s32 @!p0 $0x1082;
	s9 =	sld [smem:$0x3FAA]  }
0x2f: {  	lr =	sadd.s32 s0, s3;
	s0 =	sld [smem:$0x3FA1]  }
0x30: {  	s3 =	sld [smem:$0x3FA4]  }
0x31: {  	[smem:$0x3FAD] =	sst s10  }
0x32: {  	s10 =	sld [smem:$0x3FAB];
	_ =	sdelay $0x3  }
0x33: {  	p0 =	seq.s32 s10, $0x1;
	s10 =	sld [smem:$0x3FAD];
	_ =	sdelay $0x3  }
0x34: {  	[smem:$0x3FAD] =	sst s10  }
0x35: {  	s10 =	sld [smem:$0x3FAC];
	_ =	sdelay $0x3  }
0x36: {  	p1 =	seq.s32 s10, $0x1;
	s10 =	sld [smem:$0x3FAD];
	_ =	sdelay $0x3  }
0x37: {  	[smem:$0x3FAD] =	sst s10  }
0x38: {  	s10 =	sld [smem:$0x3FAE]  }
0x39: {  	_ = 	snop;
	(pc) =	sbr.ind lr, $3  }
0x3a: {  	_ = 	snop  }
0x3b: {  	_ = 	snop  }
0x3c: {  	p2 =	seq.s32 s10, $0x1;
	s10 =	sld [smem:$0x3FAD]  }
0x3d: {  	_ =	shalt  }
0x3e: {  	_ =	shalt  }
0x3f: {  	_ =	shalt  }
0x40: {  	_ =	shalt  }
0x41: {  	_ =	shalt  }
0x42: {  	_ =	shalt  }
0x43: {  	_ =	shalt  }
0x44: {  	_ =	shalt  }
0x45: {  	_ =	shalt  }
0x46: {  	_ =	shalt  }
0x47: {  	_ =	shalt  }
0x48: {  	_ =	shalt  }
0x49: {  	_ =	shalt  }
0x4a: {  	_ =	shalt  }
0x4b: {  	_ =	shalt  }
0x4c: {  	_ =	shalt  }
0x4d: {  	_ =	shalt  }
0x4e: {  	_ =	shalt  }
0x4f: {  	_ =	shalt  }
0x50: {  	_ =	shalt  }
0x51: {  	_ =	shalt  }
0x52: {  	_ =	shalt  }
0x53: {  	_ =	shalt  }
0x54: {  	_ =	shalt  }
0x55: {  	_ =	shalt  }
0x56: {  	_ =	shalt  }
0x57: {  	_ =	shalt  }
0x58: {  	_ =	shalt  }
0x59: {  	_ =	shalt  }
0x5a: {  	_ =	shalt  }
0x5b: {  	_ =	shalt  }
0x5c: {  	_ =	shalt  }
0x5d: {  	_ =	shalt  }
0x5e: {  	_ =	shalt  }
0x5f: {  	_ =	shalt  }
0x60: {  	_ =	shalt  }
0x61: {  	_ =	shalt  }
0x62: {  	_ =	shalt  }
0x63: {  	_ =	shalt  }
0x64: {  	_ =	shalt  }
0x65: {  	_ =	shalt  }
0x66: {  	_ =	shalt  }
0x67: {  	_ =	shalt  }
0x68: {  	_ =	shalt  }
0x69: {  	_ =	shalt  }
0x6a: {  	_ =	shalt  }
0x6b: {  	_ =	shalt  }
0x6c: {  	_ =	shalt  }
0x6d: {  	_ =	shalt  }
0x6e: {  	_ =	shalt  }
0x6f: {  	_ =	shalt  }
0x70: {  	_ =	shalt  }
0x71: {  	_ =	shalt  }
0x72: {  	_ =	shalt  }
0x73: {  	_ =	shalt  }
0x74: {  	_ =	shalt  }
0x75: {  	_ =	shalt  }
0x76: {  	_ =	shalt  }
0x77: {  	_ =	shalt  }
0x78: {  	_ =	shalt  }
0x79: {  	_ =	shalt  }
0x7a: {  	_ =	shalt  }
0x7b: {  	_ =	shalt  }
0x7c: {  	_ =	shalt  }
0x7d: {  	_ =	shalt  }
0x7e: {  	_ =	shalt  }
0x7f: {  	_ =	shalt  }
0x80: {  	_ =	shalt  }
0x81: {  	_ =	shalt  }
0x82: {  	_ =	shalt  }
0x83: {  	_ =	shalt  }
0x84: {  	_ =	shalt  }
0x85: {  	_ =	shalt  }
0x86: {  	_ =	shalt  }
0x87: {  	_ =	shalt  }
.Lfunc_end0:
.L_simem_size_0:
called_computation.1_lowered:
.L_overlay_start_0:
0x88: {  	s2 =	sld [smem:$0x3FD9]  }
0x89: {  	s3 =	sld [smem:$0x3FFE];
	_ =	sdelay $0x1  }
0x8a: {  	s1 =	srdreg.scid  }
0x8b: {  	s0 =	sand.u32 $0x1, s1  }
0x8c: {  	s16 =	sshll.u32 s0, $0xA;
	s2 =	sadd.s32 s3, s2  }
0x8d: {  	s2 =	sadd.s32 s2, s16  }
0x8e: {  	[smem:$0x3FB9] =	sst s2  }
0x8f: {  	_ = 	snop  }
0x90: {  	(tm) =	ssettm $0x1  }
0x91: {  	s17 =	sld [smem:$0x3FFB];
	_ =	sdelay $0x3  }
0x92: {  	_ =	strace s17  }
0x93: {  	s2 =	sld [smem:$0x3FFC];
	_ =	sdelay $0x3  }
0x94: {  	_ =	strace s2  }
0x95: {  	s2 =	sld [smem:$0x3FFD];
	_ =	sdelay $0x3  }
0x96: {  	_ =	strace s2  }
0x97: {  	_ =	strace $0x8FFFFFFF  }
0x98: {  	s18 =	sld [smem:$0x3FDB];
	_ =	sdelay $0x1  }
0x99: {  	s19 =	simm.s32 $_scs_section_size  }
0x9a: {  	s4 =	simm.s32 $_size__tile_overlayer_lowered;
	s5 =	simm.s32 $_tile_overlayer_lowered  }
0x9b: {  	s22 =	simm.s32 $0x1BFF;
	s21 =	sshll.u32 s5, $0x1;
	s2 =	sadd.s32 s19, s18  }
0x9c: {  	s6 =	simm.s32 $0x0;
	s20 =	sshll.u32 s4, $0x1;
	s4 =	sadd.s32 s21, s2  }
0x9d: {  	[timem:s6], [sflag:s22] =	dma.local [hbm:s4], s20  }
0x9e: {  	_ =	swait.ge [sflag:s22], s20  }
0x9f: {  	s3 =	ssub.s32 $0x0, s20;
	[sflag:s22] =	ssyncset.done $0x0  }
0xa0: {  	[sflag:s22] =	ssyncadd.s32 s3;
	_ =	sdelay $0x1  }
0xa1: {  	s23 =	simm.s32 $0x1B8B  }
0xa2: {  	_ =	swait.ge [sflag:s23], $0x1  }
0xa3: {  	[sflag:s23] =	ssyncset.done $0x0  }
0xa4: {  	s25 =	simm.s32 $0x1B8E;
	s24 =	sld [smem:$0x3FFE];
	[sflag:s23] =	ssyncadd.s32 $0xFFFFFFFF  }
0xa5: {  	s26 =	simm.s32 $execute0_lowered;
	[smem:$0x3FD2] =	sst s25  }
0xa6: {  	s4 =	sshll.u32 s26, $0x1;
	_ =	strace $0x80000049;
	[dreg:$0x1] =	wrdreg $0xFFFFFFFF  }
0xa7: {  	s28 =	simm.s32 $_size_execute0_lowered;
	s2 =	sadd.s32 s2, s4;
	[dreg:$0x0] =	wrdreg $0x0  }
0xa8: {  	s4 =	sshll.u32 s28, $0x1;
	[dreg:$0x2] =	wrdreg s2  }
0xa9: {  	[dreg:$0x3] =	wrdreg s4  }
0xaa: {  	[dreg:$0x4] =	wrdreg $0xC0  }
0xab: {  	_ =	task [dreg:s6], $0x5FFFF  }
0xac: {  	[dreg:$0x1] =	wrdreg $0xFFFFFFFF  }
0xad: {  	[dreg:$0x0] =	wrdreg $0x60  }
0xae: {  	[dreg:$0x2] =	wrdreg s24  }
0xaf: {  	[dreg:$0x3] =	wrdreg $0x92000  }
0xb0: {  	[dreg:$0x4] =	wrdreg $0x9  }
0xb1: {  	_ =	task.clear_ibuf [dreg:s6], $0x5FFFF;
	_ =	strace $0x90000049  }
0xb2: {  	s29 =	simm.s32 $0x9;
	_ =	strace $0x8000004B  }
0xb3: {  	_ =	swait.ge [sflag:s29], $0x1  }
0xb4: {  	[sflag:s29] =	ssyncadd.s32 $0xFFFFFFFF  }
0xb5: {  	_ =	strace $0x9000004B  }
0xb6: {  	_ =	sfence  }
0xb7: {  	s30 =	sld [smem:$0x0];
	_ =	sdelay $0x2  }
0xb8: {  	s31 =	sshll.u32 s1, $0xD;
	s1 =	sshrl.u32 s1, $0x2  }
0xb9: {  	s3 =	sand.u32 $0x4000, s31;
	s1 =	sadd.s32 s1, s30  }
0xba: {  	s0 =	sor.u32 s3, s0;
	s1 =	sshll.u32 s1, $0x11  }
0xbb: {  	s0 =	sor.u32 s1, s0  }
0xbc: {  	s0 =	sadd.s32 $0x8F2B, s0  }
0xbd: {  	[sflag:s0] =	ssyncadd.remote.s32 $0x1  }
0xbe: {  	_ =	sfence.sel $0xFFFF  }
0xbf: {  	[dreg:$0x0] =	wrdreg $0xFFFFFFFF;
	(pc) =	sbr.abs _section_cstart, $3  }
0xc0: {  	[dreg:$0x1] =	wrdreg $0xFFFFFFFF  }
0xc1: {  	_ =	task.clear_ibuf [dreg:s6], $0x2FFFF;
	_ =	strace $0x9FFFFFFF  }
0xc2: {  	(tm) =	ssettm $0x7FFFFFFF  }
0xc3: {  	_ =	shalt  }
tec
execute0_lowered:
.L_overlay_start_1:
0x0: {  	(tag) =	ssettag $0x1  }
0x1: {  	s6 =	rddreg [dreg:$0x0]  }
0x2: {  	s1 =	rddreg [dreg:$0x1]  }
0x3: {  	s2 =	srdreg.scid;
	s0 =	rddreg [dreg:$0x2]  }
0x4: {  	s3 =	simm.s32 $0x0;
	s13 =	simm.s32 $0x4000;
	s14 =	simm.s32 $0x4200  }
0x5: {  	s15 =	simm.s32 $0x4100;
	s16 =	simm.s32 $0x6A00;
	s17 =	simm.s32 $0x1  }
0x6: {  	s18 =	simm.s32 $0x4080;
	s19 =	simm.s32 $0x2;
	s20 =	simm.s32 $0x4180  }
0x7: {  	s21 =	simm.s32 $0x0;
	s7 =	sand.u32 $0x1, s2;
	s2 =	stileid.u32  }
0x8: {  	[smem:$0x7FF] =	sst s3;
	s4 =	sadd.s32 $0x16000, s6;
	s5 =	smul.u32 $0x13C000, s7  }
0x9: {  	s8 =	smul.u32 $0x13C00, s2;
	_ =	strace $0x8000004A;
	s9 =	sshll.u32 s2, $0xB  }
0xa: {  	s29 =	ssub.s32 $0x2, s7;
	s12 =	smul.u32 $0x4F000, s2;
	s31 =	sshll.u32 s2, $0x6  }
0xb: {  	s7 =	sshll.u32 s7, $0xF;
	s9 =	sadd.s32 s9, s6;
	s11 =	sshrl.u32 s29, $0x1  }
0xc: {  	s5 =	sadd.s32 s8, s5;
	s11 =	ssub.s32 s29, s11;
	s30 =	sshrl.u32 s12, $0x2  }
0xd: {  	s7 =	sadd.s32 s7, s9;
	s10 =	sshrl.u32 s5, $0x3;
	s5 =	sadd.s32 $0x13800, s6  }
0xe: {  	s12 =	sadd.s32 s30, s1;
	s7 =	sadd.s32 $0x3800, s7;
	s9 =	smax.u32 s11, $0x1  }
0xf: {  	s11 =	simm.s32 $0x3;
	s10 =	sadd.s32 s10, s6;
	s6 =	sor.u32 $0x1C03, s31  }
0x10: {  	s8 =	sadd.s32 $0x3D200, s10;
	s10 =	sshrl.u32 s12, $0x3;
	s12 =	simm.s32 $0x50  }
.LBB2_1:
0x11: {  	[spmem:s10], [sflag:s6] =	dma.local [hbm:s5], $0x2780  }
0x12: {  	_ =	swait.ge [sflag:s11], $0x2780  }
0x13: {  	[sflag:s11] =	ssyncset.done $0x0  }
0x14: {  	[sflag:s11] =	ssyncadd.s32 $0xFFFFD880  }
0x15: {  	[tilespmem:s3], [sflag:$0x3] =	stream.linear.gather [hbm4b:s7+s3], $0x3E80, $0x38;
	[tilespmem:$0x1CE00] =	vst v63  }
0x16: {  	_ =	swait.ge [sflag:s11], $0x3E80  }
0x17: {  	[sflag:s11] =	ssyncset.done $0x0  }
0x18: {  	[sflag:s11] =	ssyncadd.s32 $0xFFFFC180  }
0x19: {  	[bflag:$0x0] =	sbarrier.arrive $0xFFFF  }
0x1a: {  	v0 =	vld [tilespmem:$0x0];
	_ =	sdelay $0x1  }
0x1b: {  	v1 =	vld [tilespmem:$0x10];
	_ =	sdelay $0x1  }
0x1c: {  	v2 =	vld [tilespmem:$0x20]  }
0x1d: {  	v3 =	vand.u32 $0xFFFF, v0  }
0x1e: {  	v0 =	vshra.s32 v0, $0x10;
	[tilespmem:$0x4000] =	vst v3;
	v3 =	vld [tilespmem:$0x30]  }
0x1f: {  	[tilespmem:$0x4080] =	vst v0;
	v0 =	vand.u32 $0xFFFF, v1  }
0x20: {  	[tilespmem:$0x4010] =	vst v0;
	v0 =	vshra.s32 v1, $0x10;
	v1 =	vld [tilespmem:$0x40]  }
0x21: {  	[tilespmem:$0x4090] =	vst v0;
	v0 =	vand.u32 $0xFFFF, v2  }
0x22: {  	[tilespmem:$0x4020] =	vst v0;
	v0 =	vshra.s32 v2, $0x10  }
0x23: {  	[tilespmem:$0x40A0] =	vst v0;
	v0 =	vand.u32 $0xFFFF, v3  }
0x24: {  	[tilespmem:$0x4030] =	vst v0;
	v0 =	vshra.s32 v3, $0x10  }
0x25: {  	[tilespmem:$0x40B0] =	vst v0;
	v0 =	vand.u32 $0xFFFF, v1  }
0x26: {  	[tilespmem:$0x4040] =	vst v0;
	v0 =	vshra.s32 v1, $0x10  }
0x27: {  	s23 =	simm.s32 $0x0;
	[tilespmem:$0x40C0] =	vst v0  }
0x28: {  	[tilespmem:s14], [sflag:$0x1] =	stream.indirect.gather [hbm4b:s4+s12], $0x80, s13, s12, $0xb8;
	[tilespmem:$0x1CE00] =	vst v63  }
0x29: {  	v0 =	vld [tilespmem:s23+$0x80];
	_ =	sdelay $0x4  }
0x2a: {  	v1 =	vand.u32 $0xFFFF, v0  }
0x2b: {  	v0 =	vshra.s32 v0, $0x10;
	[tilespmem:$0x4100] =	vst v1  }
0x2c: {  	[tilespmem:$0x4180] =	vst v0  }
0x2d: {  	v0 =	vld [tilespmem:s23+$0x90];
	_ =	sdelay $0x4  }
0x2e: {  	v1 =	vand.u32 $0xFFFF, v0  }
0x2f: {  	v0 =	vshra.s32 v0, $0x10;
	[tilespmem:$0x4110] =	vst v1  }
0x30: {  	[tilespmem:$0x4190] =	vst v0  }
0x31: {  	v0 =	vld [tilespmem:s23+$0xA0];
	_ =	sdelay $0x4  }
0x32: {  	v1 =	vand.u32 $0xFFFF, v0  }
0x33: {  	v0 =	vshra.s32 v0, $0x10;
	[tilespmem:$0x4120] =	vst v1  }
0x34: {  	[tilespmem:$0x41A0] =	vst v0  }
0x35: {  	v0 =	vld [tilespmem:s23+$0xB0];
	_ =	sdelay $0x4  }
0x36: {  	v1 =	vand.u32 $0xFFFF, v0  }
0x37: {  	v0 =	vshra.s32 v0, $0x10;
	[tilespmem:$0x4130] =	vst v1  }
0x38: {  	[tilespmem:$0x41B0] =	vst v0  }
0x39: {  	v0 =	vld [tilespmem:s23+$0xC0];
	_ =	sdelay $0x4  }
0x3a: {  	v1 =	vand.u32 $0xFFFF, v0  }
0x3b: {  	v0 =	vshra.s32 v0, $0x10;
	[tilespmem:$0x4140] =	vst v1  }
0x3c: {  	[tilespmem:$0x41C0] =	vst v0  }
0x3d: {  	[tilespmem:s16], [sflag:$0x2] =	stream.indirect.gather [hbm4b:s4+s12], $0x80, s15, s12, $0xb8;
	[tilespmem:$0x1CE00] =	vst v63  }
0x3e: {  	_ =	swait.ge [sflag:s17], $0x2800  }
0x3f: {  	[sflag:s17] =	ssyncset.done $0x0  }
0x40: {  	[sflag:s17] =	ssyncadd.s32 $0xFFFFD800  }
0x41: {  	[spmem:s1] =	stream.indirect.scatter.add.f32 [tilespmem:s14], [sflag:$0x3], $0x80, s18, s12, $0xb8;
	[tilespmem:$0x1CE00] =	vst v63  }
0x42: {  	_ =	swait.ge [sflag:s11], $0x2800  }
0x43: {  	[sflag:s11] =	ssyncset.done $0x0  }
0x44: {  	[sflag:s11] =	ssyncadd.s32 $0xFFFFD800  }
0x45: {  	v0 =	vld [tilespmem:s23+$0x100];
	_ =	sdelay $0x4  }
0x46: {  	v1 =	vand.u32 $0xFFFF, v0  }
0x47: {  	v0 =	vshra.s32 v0, $0x10;
	[tilespmem:$0x4000] =	vst v1  }
0x48: {  	[tilespmem:$0x4080] =	vst v0  }
0x49: {  	v0 =	vld [tilespmem:s23+$0x110];
	_ =	sdelay $0x4  }
0x4a: {  	v1 =	vand.u32 $0xFFFF, v0  }
0x4b: {  	v0 =	vshra.s32 v0, $0x10;
	[tilespmem:$0x4010] =	vst v1  }
0x4c: {  	[tilespmem:$0x4090] =	vst v0  }
0x4d: {  	v0 =	vld [tilespmem:s23+$0x120];
	_ =	sdelay $0x4  }
0x4e: {  	v1 =	vand.u32 $0xFFFF, v0  }
0x4f: {  	v0 =	vshra.s32 v0, $0x10;
	[tilespmem:$0x4020] =	vst v1  }
0x50: {  	[tilespmem:$0x40A0] =	vst v0  }
0x51: {  	v0 =	vld [tilespmem:s23+$0x130];
	_ =	sdelay $0x4  }
0x52: {  	v1 =	vand.u32 $0xFFFF, v0  }
0x53: {  	v0 =	vshra.s32 v0, $0x10;
	[tilespmem:$0x4030] =	vst v1  }
0x54: {  	[tilespmem:$0x40B0] =	vst v0  }
0x55: {  	s22 =	simm.s32 $0x400;
	v0 =	vld [tilespmem:s23+$0x140]  }
.LBB2_2:
0x56: {  	_ =	sdelay $0x3  }
0x57: {  	p0 =	sne.s32 s22, $0xF400;
	s23 =	smov.u32 s22;
	s22 =	sadd.s32 $0x400, s22;
	v1 =	vand.u32 $0xFFFF, v0;
	v0 =	vshra.s32 v0, $0x10  }
0x58: {  	[tilespmem:$0x4040] =	vst v1  }
0x59: {  	[tilespmem:$0x40C0] =	vst v0  }
0x5a: {  	[tilespmem:s14], [sflag:$0x1] =	stream.indirect.gather [hbm4b:s4+s12], $0x80, s13, s12, $0xb8;
	[tilespmem:$0x1CE00] =	vst v63  }
0x5b: {  	_ =	swait.ge [sflag:s19], $0x2800  }
0x5c: {  	[sflag:s19] =	ssyncset.done $0x0  }
0x5d: {  	[sflag:s19] =	ssyncadd.s32 $0xFFFFD800  }
0x5e: {  	[spmem:s1] =	stream.indirect.scatter.add.f32 [tilespmem:s16], [sflag:$0x3], $0x80, s20, s12, $0xb8;
	[tilespmem:$0x1CE00] =	vst v63  }
0x5f: {  	_ =	swait.ge [sflag:s11], $0x2800  }
0x60: {  	[sflag:s11] =	ssyncset.done $0x0  }
0x61: {  	s23 =	sshra.s32 s23, $0x2;
	[sflag:s11] =	ssyncadd.s32 $0xFFFFD800  }
0x62: {  	v0 =	vld [tilespmem:s23+$0x80];
	_ =	sdelay $0x4  }
0x63: {  	v1 =	vand.u32 $0xFFFF, v0;
	v0 =	vshra.s32 v0, $0x10  }
0x64: {  	[tilespmem:$0x4100] =	vst v1  }
0x65: {  	[tilespmem:$0x4180] =	vst v0  }
0x66: {  	v0 =	vld [tilespmem:s23+$0x90];
	_ =	sdelay $0x4  }
0x67: {  	v1 =	vand.u32 $0xFFFF, v0;
	v0 =	vshra.s32 v0, $0x10  }
0x68: {  	[tilespmem:$0x4110] =	vst v1  }
0x69: {  	[tilespmem:$0x4190] =	vst v0  }
0x6a: {  	v0 =	vld [tilespmem:s23+$0xA0];
	_ =	sdelay $0x4  }
0x6b: {  	v1 =	vand.u32 $0xFFFF, v0;
	v0 =	vshra.s32 v0, $0x10  }
0x6c: {  	[tilespmem:$0x4120] =	vst v1  }
0x6d: {  	[tilespmem:$0x41A0] =	vst v0  }
0x6e: {  	v0 =	vld [tilespmem:s23+$0xB0];
	_ =	sdelay $0x4  }
0x6f: {  	v1 =	vand.u32 $0xFFFF, v0;
	v0 =	vshra.s32 v0, $0x10  }
0x70: {  	[tilespmem:$0x4130] =	vst v1  }
0x71: {  	[tilespmem:$0x41B0] =	vst v0  }
0x72: {  	v0 =	vld [tilespmem:s23+$0xC0];
	_ =	sdelay $0x4  }
0x73: {  	v1 =	vand.u32 $0xFFFF, v0;
	v0 =	vshra.s32 v0, $0x10  }
0x74: {  	[tilespmem:$0x4140] =	vst v1  }
0x75: {  	[tilespmem:$0x41C0] =	vst v0  }
0x76: {  	[tilespmem:s16], [sflag:$0x2] =	stream.indirect.gather [hbm4b:s4+s12], $0x80, s15, s12, $0xb8;
	[tilespmem:$0x1CE00] =	vst v63  }
0x77: {  	_ =	swait.ge [sflag:s17], $0x2800  }
0x78: {  	[sflag:s17] =	ssyncset.done $0x0  }
0x79: {  	[sflag:s17] =	ssyncadd.s32 $0xFFFFD800  }
0x7a: {  	[spmem:s1] =	stream.indirect.scatter.add.f32 [tilespmem:s14], [sflag:$0x3], $0x80, s18, s12, $0xb8;
	[tilespmem:$0x1CE00] =	vst v63  }
0x7b: {  	_ =	swait.ge [sflag:s11], $0x2800  }
0x7c: {  	[sflag:s11] =	ssyncset.done $0x0  }
0x7d: {  	[sflag:s11] =	ssyncadd.s32 $0xFFFFD800  }
0x7e: {  	v0 =	vld [tilespmem:s23+$0x100];
	_ =	sdelay $0x4  }
0x7f: {  	v1 =	vand.u32 $0xFFFF, v0;
	v0 =	vshra.s32 v0, $0x10  }
0x80: {  	[tilespmem:$0x4000] =	vst v1  }
0x81: {  	[tilespmem:$0x4080] =	vst v0  }
0x82: {  	v0 =	vld [tilespmem:s23+$0x110];
	_ =	sdelay $0x4  }
0x83: {  	v1 =	vand.u32 $0xFFFF, v0;
	v0 =	vshra.s32 v0, $0x10  }
0x84: {  	[tilespmem:$0x4010] =	vst v1  }
0x85: {  	[tilespmem:$0x4090] =	vst v0  }
0x86: {  	v0 =	vld [tilespmem:s23+$0x120];
	_ =	sdelay $0x4  }
0x87: {  	v1 =	vand.u32 $0xFFFF, v0;
	v0 =	vshra.s32 v0, $0x10  }
0x88: {  	[tilespmem:$0x4020] =	vst v1  }
0x89: {  	[tilespmem:$0x40A0] =	vst v0  }
0x8a: {  	v0 =	vld [tilespmem:s23+$0x130];
	_ =	sdelay $0x3  }
.Ltmp0:
0x8b: {  	(pc) =	sbr.rel @p0 .LBB2_2-.Ltmp0, $4  }
0x8c: {  	v1 =	vand.u32 $0xFFFF, v0;
	v0 =	vshra.s32 v0, $0x10  }
0x8d: {  	[tilespmem:$0x4030] =	vst v1  }
0x8e: {  	[tilespmem:$0x40B0] =	vst v0  }
0x8f: {  	v0 =	vld [tilespmem:s23+$0x140]  }
0x90: {  	_ =	sdelay $0x3  }
0x91: {  	v1 =	vand.u32 $0xFFFF, v0  }
0x92: {  	v63 =	vshra.s32 v0, $0x10;
	[tilespmem:$0x4040] =	vst v1  }
0x93: {  	[tilespmem:$0x40C0] =	vst v63  }
0x94: {  	[tilespmem:s14], [sflag:$0x1] =	stream.indirect.gather [hbm4b:s4+s12], $0x80, s13, s12, $0xb8;
	[tilespmem:$0x1CE00] =	vst v63  }
0x95: {  	_ =	swait.ge [sflag:s19], $0x2800  }
0x96: {  	[sflag:s19] =	ssyncset.done $0x0  }
0x97: {  	[sflag:s19] =	ssyncadd.s32 $0xFFFFD800  }
0x98: {  	[spmem:s1] =	stream.indirect.scatter.add.f32 [tilespmem:s16], [sflag:$0x3], $0x80, s20, s12, $0xb8;
	[tilespmem:$0x1CE00] =	vst v63  }
0x99: {  	_ =	swait.ge [sflag:s11], $0x2800  }
0x9a: {  	[sflag:s11] =	ssyncset.done $0x0  }
0x9b: {  	[sflag:s11] =	ssyncadd.s32 $0xFFFFD800  }
0x9c: {  	_ =	swait.ge [sflag:s17], $0x2800  }
0x9d: {  	[sflag:s17] =	ssyncset.done $0x0  }
0x9e: {  	[sflag:s17] =	ssyncadd.s32 $0xFFFFD800  }
0x9f: {  	[spmem:s1] =	stream.indirect.scatter.add.f32 [tilespmem:s14], [sflag:$0x3], $0x80, s18, s12, $0xb8;
	[tilespmem:$0x1CE00] =	vst v63  }
0xa0: {  	_ =	swait.ge [sflag:s11], $0x2800  }
0xa1: {  	s21 =	sadd.s32 $0x1, s21;
	[sflag:s11] =	ssyncset.done $0x0  }
0xa2: {  	p0 =	sne.s32 s21, s9;
	[sflag:s11] =	ssyncadd.s32 $0xFFFFD800  }
.Ltmp1:
0xa3: {  	[bflag:$0x0] =	sbarrier.arrive $0xFFFF;
	(pc) =	sbr.rel @p0 .LBB2_1-.Ltmp1, $4  }
0xa4: {  	[hbm:s8], [sflag:s6] =	dma.local [spmem:s10], $0x2780  }
0xa5: {  	_ =	swait.ge [sflag:s11], $0x2780  }
0xa6: {  	[sflag:s11] =	ssyncset.done $0x0  }
0xa7: {  	[sflag:s11] =	ssyncadd.s32 $0xFFFFD880  }
0xa8: {  	_ =	sfence.sel $0x180000  }
0xa9: {  	[bflag:$0x0] =	sbarrier.arrive $0xFFFF  }
0xaa: {  	p0 =	sne.s32 s2, $0x0;
	_ =	strace $0x9000004A  }
0xab: {  	s0 =	sadd.s32 @!p0 $0x100000, s0;
	[bflag:$0x2] =	sbarrier.arrive $0xFFFF  }
0xac: {  	[sflag:s0] =	ssyncadd.tile.s32 @!p0 $0x1;
	_ =	shalt  }
.Lfunc_end2:
_tile_overlayer_lowered:
.L_overlay_start_2:
0xad: {  	(tag) =	ssettag $0x2  }
0xae: {  	s0 =	rddreg [dreg:$0x0];
	s2 =	stileid.u32  }
0xaf: {  	s1 =	rddreg [dreg:$0x1];
	p0 =	sne.s32 s2, $0x0  }
0xb0: {  	s3 =	rddreg [dreg:$0x2];
	[bflag:$0x3] =	sbarrier.arrive $0xFFFF;
	s2 =	simm.s32 @!p0 $0x1C03  }
0xb1: {  	[timem:s3], [sflag:s2] =	dma.local @!p0 [hbm:s0], s1  }
0xb2: {  	s0 =	simm.s32 @!p0 $0x3  }
0xb3: {  	_ =	swait.ge @!p0 [sflag:s0], s1  }
0xb4: {  	s1 =	ssub.s32 @!p0 $0x0, s1;
	[sflag:s0] =	ssyncset.done @!p0 $0x0  }
0xb5: {  	[sflag:s0] =	ssyncadd.s32 @!p0 s1  }
0xb6: {  	[bflag:$0x3] =	sbarrier.arrive $0xFFFF  }
0xb7: {  	_ =	shalt  }

// kernel: kernel.14.cloned.1.call-start
scs
__scs_entry_jumppad:
0x0: {  	(pc) =	sbr.rel $0x88, $3  }
0x1: {  	(tag) =	ssettag $0x0;
	lr =	simm.s32 $0x1  }
0x2: {  	[smem:$0x3F92] =	sst lr;
	_ =	strace $0xD0000000  }
0x3: {  	_ = 	snop  }
0x4: {  	_ = 	snop  }
0x5: {  	_ = 	snop  }
0x6: {  	_ = 	snop  }
0x7: {  	_ = 	snop  }
__scs_overlays_trampoline_lowered:
0x8: {  	[smem:$0x3FA1] =	sst s0  }
0x9: {  	[smem:$0x3FA2] =	sst s1  }
0xa: {  	[smem:$0x3FA3] =	sst s2  }
0xb: {  	[smem:$0x3FA4] =	sst s3  }
0xc: {  	[smem:$0x3FA5] =	sst s4  }
0xd: {  	[smem:$0x3FA6] =	sst s5  }
0xe: {  	[smem:$0x3FA7] =	sst s6  }
0xf: {  	[smem:$0x3FA8] =	sst s7  }
0x10: {  	[smem:$0x3FA9] =	sst s8  }
0x11: {  	[smem:$0x3FAA] =	sst s9;
	s0 =	simm.s32 @!p0 $0x0  }
0x12: {  	s1 =	sld [smem:$0x3F90];
	s0 =	simm.s32 @p0 $0x1  }
0x13: {  	[smem:$0x3FAB] =	sst s0;
	s0 =	simm.s32 @!p1 $0x0  }
0x14: {  	s2 =	sld [smem:$0x3F8F];
	s0 =	simm.s32 @p1 $0x1  }
0x15: {  	[smem:$0x3FAC] =	sst s0;
	s0 =	simm.s32 @!p2 $0x0  }
0x16: {  	s3 =	sld [smem:$0x3FDB];
	s0 =	simm.s32 @p2 $0x1  }
0x17: {  	s4 =	simm.s32 $0x1BF5;
	[smem:$0x3FAE] =	sst s0  }
0x18: {  	s0 =	sld [smem:$0x3F91];
	_ =	swait.ge [sflag:s4], $0x0  }
0x19: {  	s7 =	sld [smem:$0x3F92]  }
0x1a: {  	s8 =	sadd.s32 $0xFFFFE003, lr  }
0x1b: {  	s9 =	sadd.s32 $0xFFFFFEF7, lr;
	s5 =	simm.s32 $0xFFFFFFFF;
	p2 =	slt.u32 s8, $0xFFFFF086  }
0x1c: {  	p1 =	slt.u32 s9, $0xF7A;
	s5 =	simm.s32 @!p2 $0x0  }
0x1d: {  	s5 =	simm.s32 @p1 $0x1;
	p0 =	seq.s32 s7, s2  }
0x1e: {  	s7 =	smul.u32 @!p0 $0xF7A, s2;
	p2 =	seq.s32 @!p0 s5, $0x0  }
0x1f: {  	s9 =	smul.u32 $0xF7A, s1;
	s8 =	simm.s32 @!p0 $0x1BF5;
	p2 =	por !p2, p0  }
0x20: {  	[sflag:s8] =	ssyncset.s32 @!p0 $0xFFFFF086;
	s6 =	sadd.s32 @!p0 s3, s7;
	s7 =	simm.s32 @!p0 $0x108  }
0x21: {  	s3 =	sadd.s32 s3, s9;
	s6 =	sadd.s32 @!p0 $0x88, s6;
	s7 =	simm.s32 @p2 $0x1082  }
0x22: {  	[simem:s7], [sflag:s8] =	dma.local @!p0 [hbm:s6], $0xF7A  }
0x23: {  	s9 =	sor.u32 $0xD0000000, s2;
	s6 =	simm.s32 $0x108;
	_ =	swait.ge @!p0 [sflag:s8], $0x0  }
0x24: {  	s3 =	sadd.s32 $0x88, s3;
	s6 =	simm.s32 @!p1 $0x1082;
	[sflag:s4] =	ssyncset.s32 $0xFFFFF086  }
0x25: {  	[simem:s6], [sflag:s4] =	dma.local [hbm:s3], $0xF7A  }
0x26: {  	[smem:$0x3F92] =	sst s1;
	(tag) =	ssettag s2;
	_ =	strace s9  }
0x27: {  	s1 =	sld [smem:$0x3FA2]  }
0x28: {  	s2 =	sld [smem:$0x3FA3]  }
0x29: {  	s4 =	sld [smem:$0x3FA5]  }
0x2a: {  	p0 =	seq.s32 s5, $0x0;
	s5 =	sld [smem:$0x3FA6]  }
0x2b: {  	s6 =	sld [smem:$0x3FA7]  }
0x2c: {  	s7 =	sld [smem:$0x3FA8]  }
0x2d: {  	s3 =	simm.s32 $0x108;
	s8 =	sld [smem:$0x3FA9]  }
0x2e: {  	s3 =	simm.s32 @!p0 $0x1082;
	s9 =	sld [smem:$0x3FAA]  }
0x2f: {  	lr =	sadd.s32 s0, s3;
	s0 =	sld [smem:$0x3FA1]  }
0x30: {  	s3 =	sld [smem:$0x3FA4]  }
0x31: {  	[smem:$0x3FAD] =	sst s10  }
0x32: {  	s10 =	sld [smem:$0x3FAB];
	_ =	sdelay $0x3  }
0x33: {  	p0 =	seq.s32 s10, $0x1;
	s10 =	sld [smem:$0x3FAD];
	_ =	sdelay $0x3  }
0x34: {  	[smem:$0x3FAD] =	sst s10  }
0x35: {  	s10 =	sld [smem:$0x3FAC];
	_ =	sdelay $0x3  }
0x36: {  	p1 =	seq.s32 s10, $0x1;
	s10 =	sld [smem:$0x3FAD];
	_ =	sdelay $0x3  }
0x37: {  	[smem:$0x3FAD] =	sst s10  }
0x38: {  	s10 =	sld [smem:$0x3FAE]  }
0x39: {  	_ = 	snop;
	(pc) =	sbr.ind lr, $3  }
0x3a: {  	_ = 	snop  }
0x3b: {  	_ = 	snop  }
0x3c: {  	p2 =	seq.s32 s10, $0x1;
	s10 =	sld [smem:$0x3FAD]  }
0x3d: {  	_ =	shalt  }
0x3e: {  	_ =	shalt  }
0x3f: {  	_ =	shalt  }
0x40: {  	_ =	shalt  }
0x41: {  	_ =	shalt  }
0x42: {  	_ =	shalt  }
0x43: {  	_ =	shalt  }
0x44: {  	_ =	shalt  }
0x45: {  	_ =	shalt  }
0x46: {  	_ =	shalt  }
0x47: {  	_ =	shalt  }
0x48: {  	_ =	shalt  }
0x49: {  	_ =	shalt  }
0x4a: {  	_ =	shalt  }
0x4b: {  	_ =	shalt  }
0x4c: {  	_ =	shalt  }
0x4d: {  	_ =	shalt  }
0x4e: {  	_ =	shalt  }
0x4f: {  	_ =	shalt  }
0x50: {  	_ =	shalt  }
0x51: {  	_ =	shalt  }
0x52: {  	_ =	shalt  }
0x53: {  	_ =	shalt  }
0x54: {  	_ =	shalt  }
0x55: {  	_ =	shalt  }
0x56: {  	_ =	shalt  }
0x57: {  	_ =	shalt  }
0x58: {  	_ =	shalt  }
0x59: {  	_ =	shalt  }
0x5a: {  	_ =	shalt  }
0x5b: {  	_ =	shalt  }
0x5c: {  	_ =	shalt  }
0x5d: {  	_ =	shalt  }
0x5e: {  	_ =	shalt  }
0x5f: {  	_ =	shalt  }
0x60: {  	_ =	shalt  }
0x61: {  	_ =	shalt  }
0x62: {  	_ =	shalt  }
0x63: {  	_ =	shalt  }
0x64: {  	_ =	shalt  }
0x65: {  	_ =	shalt  }
0x66: {  	_ =	shalt  }
0x67: {  	_ =	shalt  }
0x68: {  	_ =	shalt  }
0x69: {  	_ =	shalt  }
0x6a: {  	_ =	shalt  }
0x6b: {  	_ =	shalt  }
0x6c: {  	_ =	shalt  }
0x6d: {  	_ =	shalt  }
0x6e: {  	_ =	shalt  }
0x6f: {  	_ =	shalt  }
0x70: {  	_ =	shalt  }
0x71: {  	_ =	shalt  }
0x72: {  	_ =	shalt  }
0x73: {  	_ =	shalt  }
0x74: {  	_ =	shalt  }
0x75: {  	_ =	shalt  }
0x76: {  	_ =	shalt  }
0x77: {  	_ =	shalt  }
0x78: {  	_ =	shalt  }
0x79: {  	_ =	shalt  }
0x7a: {  	_ =	shalt  }
0x7b: {  	_ =	shalt  }
0x7c: {  	_ =	shalt  }
0x7d: {  	_ =	shalt  }
0x7e: {  	_ =	shalt  }
0x7f: {  	_ =	shalt  }
0x80: {  	_ =	shalt  }
0x81: {  	_ =	shalt  }
0x82: {  	_ =	shalt  }
0x83: {  	_ =	shalt  }
0x84: {  	_ =	shalt  }
0x85: {  	_ =	shalt  }
0x86: {  	_ =	shalt  }
0x87: {  	_ =	shalt  }
.Lfunc_end0:
.L_simem_size_0:
called_computation.2_lowered:
.L_overlay_start_0:
0x88: {  	s2 =	sld [smem:$0x3FD9]  }
0x89: {  	s3 =	sld [smem:$0x3FFE];
	_ =	sdelay $0x1  }
0x8a: {  	s1 =	srdreg.scid  }
0x8b: {  	s0 =	sand.u32 $0x1, s1  }
0x8c: {  	s16 =	sshll.u32 s0, $0xA;
	s2 =	sadd.s32 s3, s2  }
0x8d: {  	s2 =	sadd.s32 s2, s16  }
0x8e: {  	[smem:$0x3FB9] =	sst s2  }
0x8f: {  	_ = 	snop  }
0x90: {  	(tm) =	ssettm $0x1  }
0x91: {  	s17 =	sld [smem:$0x3FFB];
	_ =	sdelay $0x3  }
0x92: {  	_ =	strace s17  }
0x93: {  	s2 =	sld [smem:$0x3FFC];
	_ =	sdelay $0x3  }
0x94: {  	_ =	strace s2  }
0x95: {  	s2 =	sld [smem:$0x3FFD];
	_ =	sdelay $0x3  }
0x96: {  	_ =	strace s2  }
0x97: {  	_ =	strace $0x8FFFFFFF  }
0x98: {  	s18 =	sld [smem:$0x3FDB];
	_ =	sdelay $0x1  }
0x99: {  	s19 =	simm.s32 $_scs_section_size  }
0x9a: {  	s4 =	simm.s32 $_size__tile_overlayer_lowered;
	s5 =	simm.s32 $_tile_overlayer_lowered  }
0x9b: {  	s22 =	simm.s32 $0x1BFF;
	s21 =	sshll.u32 s5, $0x1;
	s2 =	sadd.s32 s19, s18  }
0x9c: {  	s6 =	simm.s32 $0x0;
	s20 =	sshll.u32 s4, $0x1;
	s4 =	sadd.s32 s21, s2  }
0x9d: {  	[timem:s6], [sflag:s22] =	dma.local [hbm:s4], s20  }
0x9e: {  	_ =	swait.ge [sflag:s22], s20  }
0x9f: {  	s3 =	ssub.s32 $0x0, s20;
	[sflag:s22] =	ssyncset.done $0x0  }
0xa0: {  	[sflag:s22] =	ssyncadd.s32 s3;
	_ =	sdelay $0x1  }
0xa1: {  	s23 =	simm.s32 $0x1B8B  }
0xa2: {  	_ =	swait.ge [sflag:s23], $0x1  }
0xa3: {  	[sflag:s23] =	ssyncset.done $0x0  }
0xa4: {  	s25 =	simm.s32 $0x1B8E;
	s24 =	sld [smem:$0x3FFE];
	[sflag:s23] =	ssyncadd.s32 $0xFFFFFFFF  }
0xa5: {  	s26 =	simm.s32 $execute0_lowered;
	[smem:$0x3FD2] =	sst s25  }
0xa6: {  	s4 =	sshll.u32 s26, $0x1;
	_ =	strace $0x8000004C;
	[dreg:$0x1] =	wrdreg $0xFFFFFFFF  }
0xa7: {  	s28 =	simm.s32 $_size_execute0_lowered;
	s2 =	sadd.s32 s2, s4;
	[dreg:$0x0] =	wrdreg $0x0  }
0xa8: {  	s4 =	sshll.u32 s28, $0x1;
	[dreg:$0x2] =	wrdreg s2  }
0xa9: {  	[dreg:$0x3] =	wrdreg s4  }
0xaa: {  	[dreg:$0x4] =	wrdreg $0xC0  }
0xab: {  	_ =	task [dreg:s6], $0x5FFFF  }
0xac: {  	[dreg:$0x1] =	wrdreg $0xFFFFFFFF  }
0xad: {  	[dreg:$0x0] =	wrdreg $0x60  }
0xae: {  	[dreg:$0x2] =	wrdreg s24  }
0xaf: {  	[dreg:$0x3] =	wrdreg $0x92000  }
0xb0: {  	[dreg:$0x4] =	wrdreg $0x9  }
0xb1: {  	_ =	task.clear_ibuf [dreg:s6], $0x5FFFF;
	_ =	strace $0x9000004C  }
0xb2: {  	s29 =	simm.s32 $0x9;
	_ =	strace $0x8000004E  }
0xb3: {  	_ =	swait.ge [sflag:s29], $0x1  }
0xb4: {  	[sflag:s29] =	ssyncadd.s32 $0xFFFFFFFF  }
0xb5: {  	_ =	strace $0x9000004E  }
0xb6: {  	_ =	sfence  }
0xb7: {  	s30 =	sld [smem:$0x0];
	_ =	sdelay $0x2  }
0xb8: {  	s31 =	sshll.u32 s1, $0xD;
	s1 =	sshrl.u32 s1, $0x2  }
0xb9: {  	s3 =	sand.u32 $0x4000, s31;
	s1 =	sadd.s32 s1, s30  }
0xba: {  	s0 =	sor.u32 s3, s0;
	s1 =	sshll.u32 s1, $0x11  }
0xbb: {  	s0 =	sor.u32 s1, s0  }
0xbc: {  	s0 =	sadd.s32 $0x8F2B, s0  }
0xbd: {  	[sflag:s0] =	ssyncadd.remote.s32 $0x1  }
0xbe: {  	_ =	sfence.sel $0xFFFF  }
0xbf: {  	[dreg:$0x0] =	wrdreg $0xFFFFFFFF;
	(pc) =	sbr.abs _section_cstart, $3  }
0xc0: {  	[dreg:$0x1] =	wrdreg $0xFFFFFFFF  }
0xc1: {  	_ =	task.clear_ibuf [dreg:s6], $0x2FFFF;
	_ =	strace $0x9FFFFFFF  }
0xc2: {  	(tm) =	ssettm $0x7FFFFFFF  }
0xc3: {  	_ =	shalt  }
tec
execute0_lowered:
.L_overlay_start_1:
0x0: {  	(tag) =	ssettag $0x1  }
0x1: {  	s6 =	rddreg [dreg:$0x0]  }
0x2: {  	s1 =	rddreg [dreg:$0x1]  }
0x3: {  	s2 =	srdreg.scid;
	s0 =	rddreg [dreg:$0x2]  }
0x4: {  	s3 =	simm.s32 $0x0;
	s13 =	simm.s32 $0x4000;
	s14 =	simm.s32 $0x4200  }
0x5: {  	s15 =	simm.s32 $0x4100;
	s16 =	simm.s32 $0x6A00;
	s17 =	simm.s32 $0x1  }
0x6: {  	s18 =	simm.s32 $0x4080;
	s19 =	simm.s32 $0x2;
	s20 =	simm.s32 $0x4180  }
0x7: {  	s21 =	simm.s32 $0x0;
	s7 =	sand.u32 $0x1, s2;
	s2 =	stileid.u32  }
0x8: {  	[smem:$0x7FF] =	sst s3;
	s4 =	sadd.s32 $0x16000, s6;
	s5 =	smul.u32 $0x13C000, s7  }
0x9: {  	s8 =	smul.u32 $0x13C00, s2;
	_ =	strace $0x8000004D;
	s9 =	sshll.u32 s2, $0xB  }
0xa: {  	s29 =	ssub.s32 $0x2, s7;
	s12 =	smul.u32 $0x4F000, s2;
	s31 =	sshll.u32 s2, $0x6  }
0xb: {  	s7 =	sshll.u32 s7, $0xF;
	s9 =	sadd.s32 s9, s6;
	s11 =	sshrl.u32 s29, $0x1  }
0xc: {  	s5 =	sadd.s32 s8, s5;
	s11 =	ssub.s32 s29, s11;
	s30 =	sshrl.u32 s12, $0x2  }
0xd: {  	s7 =	sadd.s32 s7, s9;
	s10 =	sshrl.u32 s5, $0x3;
	s5 =	sadd.s32 $0x13800, s6  }
0xe: {  	s12 =	sadd.s32 s30, s1;
	s7 =	sadd.s32 $0x3800, s7;
	s9 =	smax.u32 s11, $0x1  }
0xf: {  	s11 =	simm.s32 $0x3;
	s10 =	sadd.s32 s10, s6;
	s6 =	sor.u32 $0x1C03, s31  }
0x10: {  	s8 =	sadd.s32 $0x3D200, s10;
	s10 =	sshrl.u32 s12, $0x3;
	s12 =	simm.s32 $0x50  }
.LBB2_1:
0x11: {  	[spmem:s10], [sflag:s6] =	dma.local [hbm:s5], $0x2780  }
0x12: {  	_ =	swait.ge [sflag:s11], $0x2780  }
0x13: {  	[sflag:s11] =	ssyncset.done $0x0  }
0x14: {  	[sflag:s11] =	ssyncadd.s32 $0xFFFFD880  }
0x15: {  	[tilespmem:s3], [sflag:$0x3] =	stream.linear.gather [hbm4b:s7+s3], $0x3E80, $0x38;
	[tilespmem:$0x1CE00] =	vst v63  }
0x16: {  	_ =	swait.ge [sflag:s11], $0x3E80  }
0x17: {  	[sflag:s11] =	ssyncset.done $0x0  }
0x18: {  	[sflag:s11] =	ssyncadd.s32 $0xFFFFC180  }
0x19: {  	[bflag:$0x0] =	sbarrier.arrive $0xFFFF  }
0x1a: {  	v0 =	vld [tilespmem:$0x0];
	_ =	sdelay $0x1  }
0x1b: {  	v1 =	vld [tilespmem:$0x10];
	_ =	sdelay $0x1  }
0x1c: {  	v2 =	vld [tilespmem:$0x20]  }
0x1d: {  	v3 =	vand.u32 $0xFFFF, v0  }
0x1e: {  	v0 =	vshra.s32 v0, $0x10;
	[tilespmem:$0x4000] =	vst v3;
	v3 =	vld [tilespmem:$0x30]  }
0x1f: {  	[tilespmem:$0x4080] =	vst v0;
	v0 =	vand.u32 $0xFFFF, v1  }
0x20: {  	[tilespmem:$0x4010] =	vst v0;
	v0 =	vshra.s32 v1, $0x10;
	v1 =	vld [tilespmem:$0x40]  }
0x21: {  	[tilespmem:$0x4090] =	vst v0;
	v0 =	vand.u32 $0xFFFF, v2  }
0x22: {  	[tilespmem:$0x4020] =	vst v0;
	v0 =	vshra.s32 v2, $0x10  }
0x23: {  	[tilespmem:$0x40A0] =	vst v0;
	v0 =	vand.u32 $0xFFFF, v3  }
0x24: {  	[tilespmem:$0x4030] =	vst v0;
	v0 =	vshra.s32 v3, $0x10  }
0x25: {  	[tilespmem:$0x40B0] =	vst v0;
	v0 =	vand.u32 $0xFFFF, v1  }
0x26: {  	[tilespmem:$0x4040] =	vst v0;
	v0 =	vshra.s32 v1, $0x10  }
0x27: {  	s23 =	simm.s32 $0x0;
	[tilespmem:$0x40C0] =	vst v0  }
0x28: {  	[tilespmem:s14], [sflag:$0x1] =	stream.indirect.gather [hbm4b:s4+s12], $0x80, s13, s12, $0xb8;
	[tilespmem:$0x1CE00] =	vst v63  }
0x29: {  	v0 =	vld [tilespmem:s23+$0x80];
	_ =	sdelay $0x4  }
0x2a: {  	v1 =	vand.u32 $0xFFFF, v0  }
0x2b: {  	v0 =	vshra.s32 v0, $0x10;
	[tilespmem:$0x4100] =	vst v1  }
0x2c: {  	[tilespmem:$0x4180] =	vst v0  }
0x2d: {  	v0 =	vld [tilespmem:s23+$0x90];
	_ =	sdelay $0x4  }
0x2e: {  	v1 =	vand.u32 $0xFFFF, v0  }
0x2f: {  	v0 =	vshra.s32 v0, $0x10;
	[tilespmem:$0x4110] =	vst v1  }
0x30: {  	[tilespmem:$0x4190] =	vst v0  }
0x31: {  	v0 =	vld [tilespmem:s23+$0xA0];
	_ =	sdelay $0x4  }
0x32: {  	v1 =	vand.u32 $0xFFFF, v0  }
0x33: {  	v0 =	vshra.s32 v0, $0x10;
	[tilespmem:$0x4120] =	vst v1  }
0x34: {  	[tilespmem:$0x41A0] =	vst v0  }
0x35: {  	v0 =	vld [tilespmem:s23+$0xB0];
	_ =	sdelay $0x4  }
0x36: {  	v1 =	vand.u32 $0xFFFF, v0  }
0x37: {  	v0 =	vshra.s32 v0, $0x10;
	[tilespmem:$0x4130] =	vst v1  }
0x38: {  	[tilespmem:$0x41B0] =	vst v0  }
0x39: {  	v0 =	vld [tilespmem:s23+$0xC0];
	_ =	sdelay $0x4  }
0x3a: {  	v1 =	vand.u32 $0xFFFF, v0  }
0x3b: {  	v0 =	vshra.s32 v0, $0x10;
	[tilespmem:$0x4140] =	vst v1  }
0x3c: {  	[tilespmem:$0x41C0] =	vst v0  }
0x3d: {  	[tilespmem:s16], [sflag:$0x2] =	stream.indirect.gather [hbm4b:s4+s12], $0x80, s15, s12, $0xb8;
	[tilespmem:$0x1CE00] =	vst v63  }
0x3e: {  	_ =	swait.ge [sflag:s17], $0x2800  }
0x3f: {  	[sflag:s17] =	ssyncset.done $0x0  }
0x40: {  	[sflag:s17] =	ssyncadd.s32 $0xFFFFD800  }
0x41: {  	[spmem:s1] =	stream.indirect.scatter.add.f32 [tilespmem:s14], [sflag:$0x3], $0x80, s18, s12, $0xb8;
	[tilespmem:$0x1CE00] =	vst v63  }
0x42: {  	_ =	swait.ge [sflag:s11], $0x2800  }
0x43: {  	[sflag:s11] =	ssyncset.done $0x0  }
0x44: {  	[sflag:s11] =	ssyncadd.s32 $0xFFFFD800  }
0x45: {  	v0 =	vld [tilespmem:s23+$0x100];
	_ =	sdelay $0x4  }
0x46: {  	v1 =	vand.u32 $0xFFFF, v0  }
0x47: {  	v0 =	vshra.s32 v0, $0x10;
	[tilespmem:$0x4000] =	vst v1  }
0x48: {  	[tilespmem:$0x4080] =	vst v0  }
0x49: {  	v0 =	vld [tilespmem:s23+$0x110];
	_ =	sdelay $0x4  }
0x4a: {  	v1 =	vand.u32 $0xFFFF, v0  }
0x4b: {  	v0 =	vshra.s32 v0, $0x10;
	[tilespmem:$0x4010] =	vst v1  }
0x4c: {  	[tilespmem:$0x4090] =	vst v0  }
0x4d: {  	v0 =	vld [tilespmem:s23+$0x120];
	_ =	sdelay $0x4  }
0x4e: {  	v1 =	vand.u32 $0xFFFF, v0  }
0x4f: {  	v0 =	vshra.s32 v0, $0x10;
	[tilespmem:$0x4020] =	vst v1  }
0x50: {  	[tilespmem:$0x40A0] =	vst v0  }
0x51: {  	v0 =	vld [tilespmem:s23+$0x130];
	_ =	sdelay $0x4  }
0x52: {  	v1 =	vand.u32 $0xFFFF, v0  }
0x53: {  	v0 =	vshra.s32 v0, $0x10;
	[tilespmem:$0x4030] =	vst v1  }
0x54: {  	[tilespmem:$0x40B0] =	vst v0  }
0x55: {  	s22 =	simm.s32 $0x400;
	v0 =	vld [tilespmem:s23+$0x140]  }
.LBB2_2:
0x56: {  	_ =	sdelay $0x3  }
0x57: {  	p0 =	sne.s32 s22, $0xF400;
	s23 =	smov.u32 s22;
	s22 =	sadd.s32 $0x400, s22;
	v1 =	vand.u32 $0xFFFF, v0;
	v0 =	vshra.s32 v0, $0x10  }
0x58: {  	[tilespmem:$0x4040] =	vst v1  }
0x59: {  	[tilespmem:$0x40C0] =	vst v0  }
0x5a: {  	[tilespmem:s14], [sflag:$0x1] =	stream.indirect.gather [hbm4b:s4+s12], $0x80, s13, s12, $0xb8;
	[tilespmem:$0x1CE00] =	vst v63  }
0x5b: {  	_ =	swait.ge [sflag:s19], $0x2800  }
0x5c: {  	[sflag:s19] =	ssyncset.done $0x0  }
0x5d: {  	[sflag:s19] =	ssyncadd.s32 $0xFFFFD800  }
0x5e: {  	[spmem:s1] =	stream.indirect.scatter.add.f32 [tilespmem:s16], [sflag:$0x3], $0x80, s20, s12, $0xb8;
	[tilespmem:$0x1CE00] =	vst v63  }
0x5f: {  	_ =	swait.ge [sflag:s11], $0x2800  }
0x60: {  	[sflag:s11] =	ssyncset.done $0x0  }
0x61: {  	s23 =	sshra.s32 s23, $0x2;
	[sflag:s11] =	ssyncadd.s32 $0xFFFFD800  }
0x62: {  	v0 =	vld [tilespmem:s23+$0x80];
	_ =	sdelay $0x4  }
0x63: {  	v1 =	vand.u32 $0xFFFF, v0;
	v0 =	vshra.s32 v0, $0x10  }
0x64: {  	[tilespmem:$0x4100] =	vst v1  }
0x65: {  	[tilespmem:$0x4180] =	vst v0  }
0x66: {  	v0 =	vld [tilespmem:s23+$0x90];
	_ =	sdelay $0x4  }
0x67: {  	v1 =	vand.u32 $0xFFFF, v0;
	v0 =	vshra.s32 v0, $0x10  }
0x68: {  	[tilespmem:$0x4110] =	vst v1  }
0x69: {  	[tilespmem:$0x4190] =	vst v0  }
0x6a: {  	v0 =	vld [tilespmem:s23+$0xA0];
	_ =	sdelay $0x4  }
0x6b: {  	v1 =	vand.u32 $0xFFFF, v0;
	v0 =	vshra.s32 v0, $0x10  }
0x6c: {  	[tilespmem:$0x4120] =	vst v1  }
0x6d: {  	[tilespmem:$0x41A0] =	vst v0  }
0x6e: {  	v0 =	vld [tilespmem:s23+$0xB0];
	_ =	sdelay $0x4  }
0x6f: {  	v1 =	vand.u32 $0xFFFF, v0;
	v0 =	vshra.s32 v0, $0x10  }
0x70: {  	[tilespmem:$0x4130] =	vst v1  }
0x71: {  	[tilespmem:$0x41B0] =	vst v0  }
0x72: {  	v0 =	vld [tilespmem:s23+$0xC0];
	_ =	sdelay $0x4  }
0x73: {  	v1 =	vand.u32 $0xFFFF, v0;
	v0 =	vshra.s32 v0, $0x10  }
0x74: {  	[tilespmem:$0x4140] =	vst v1  }
0x75: {  	[tilespmem:$0x41C0] =	vst v0  }
0x76: {  	[tilespmem:s16], [sflag:$0x2] =	stream.indirect.gather [hbm4b:s4+s12], $0x80, s15, s12, $0xb8;
	[tilespmem:$0x1CE00] =	vst v63  }
0x77: {  	_ =	swait.ge [sflag:s17], $0x2800  }
0x78: {  	[sflag:s17] =	ssyncset.done $0x0  }
0x79: {  	[sflag:s17] =	ssyncadd.s32 $0xFFFFD800  }
0x7a: {  	[spmem:s1] =	stream.indirect.scatter.add.f32 [tilespmem:s14], [sflag:$0x3], $0x80, s18, s12, $0xb8;
	[tilespmem:$0x1CE00] =	vst v63  }
0x7b: {  	_ =	swait.ge [sflag:s11], $0x2800  }
0x7c: {  	[sflag:s11] =	ssyncset.done $0x0  }
0x7d: {  	[sflag:s11] =	ssyncadd.s32 $0xFFFFD800  }
0x7e: {  	v0 =	vld [tilespmem:s23+$0x100];
	_ =	sdelay $0x4  }
0x7f: {  	v1 =	vand.u32 $0xFFFF, v0;
	v0 =	vshra.s32 v0, $0x10  }
0x80: {  	[tilespmem:$0x4000] =	vst v1  }
0x81: {  	[tilespmem:$0x4080] =	vst v0  }
0x82: {  	v0 =	vld [tilespmem:s23+$0x110];
	_ =	sdelay $0x4  }
0x83: {  	v1 =	vand.u32 $0xFFFF, v0;
	v0 =	vshra.s32 v0, $0x10  }
0x84: {  	[tilespmem:$0x4010] =	vst v1  }
0x85: {  	[tilespmem:$0x4090] =	vst v0  }
0x86: {  	v0 =	vld [tilespmem:s23+$0x120];
	_ =	sdelay $0x4  }
0x87: {  	v1 =	vand.u32 $0xFFFF, v0;
	v0 =	vshra.s32 v0, $0x10  }
0x88: {  	[tilespmem:$0x4020] =	vst v1  }
0x89: {  	[tilespmem:$0x40A0] =	vst v0  }
0x8a: {  	v0 =	vld [tilespmem:s23+$0x130];
	_ =	sdelay $0x3  }
.Ltmp0:
0x8b: {  	(pc) =	sbr.rel @p0 .LBB2_2-.Ltmp0, $4  }
0x8c: {  	v1 =	vand.u32 $0xFFFF, v0;
	v0 =	vshra.s32 v0, $0x10  }
0x8d: {  	[tilespmem:$0x4030] =	vst v1  }
0x8e: {  	[tilespmem:$0x40B0] =	vst v0  }
0x8f: {  	v0 =	vld [tilespmem:s23+$0x140]  }
0x90: {  	_ =	sdelay $0x3  }
0x91: {  	v1 =	vand.u32 $0xFFFF, v0  }
0x92: {  	v63 =	vshra.s32 v0, $0x10;
	[tilespmem:$0x4040] =	vst v1  }
0x93: {  	[tilespmem:$0x40C0] =	vst v63  }
0x94: {  	[tilespmem:s14], [sflag:$0x1] =	stream.indirect.gather [hbm4b:s4+s12], $0x80, s13, s12, $0xb8;
	[tilespmem:$0x1CE00] =	vst v63  }
0x95: {  	_ =	swait.ge [sflag:s19], $0x2800  }
0x96: {  	[sflag:s19] =	ssyncset.done $0x0  }
0x97: {  	[sflag:s19] =	ssyncadd.s32 $0xFFFFD800  }
0x98: {  	[spmem:s1] =	stream.indirect.scatter.add.f32 [tilespmem:s16], [sflag:$0x3], $0x80, s20, s12, $0xb8;
	[tilespmem:$0x1CE00] =	vst v63  }
0x99: {  	_ =	swait.ge [sflag:s11], $0x2800  }
0x9a: {  	[sflag:s11] =	ssyncset.done $0x0  }
0x9b: {  	[sflag:s11] =	ssyncadd.s32 $0xFFFFD800  }
0x9c: {  	_ =	swait.ge [sflag:s17], $0x2800  }
0x9d: {  	[sflag:s17] =	ssyncset.done $0x0  }
0x9e: {  	[sflag:s17] =	ssyncadd.s32 $0xFFFFD800  }
0x9f: {  	[spmem:s1] =	stream.indirect.scatter.add.f32 [tilespmem:s14], [sflag:$0x3], $0x80, s18, s12, $0xb8;
	[tilespmem:$0x1CE00] =	vst v63  }
0xa0: {  	_ =	swait.ge [sflag:s11], $0x2800  }
0xa1: {  	s21 =	sadd.s32 $0x1, s21;
	[sflag:s11] =	ssyncset.done $0x0  }
0xa2: {  	p0 =	sne.s32 s21, s9;
	[sflag:s11] =	ssyncadd.s32 $0xFFFFD800  }
.Ltmp1:
0xa3: {  	[bflag:$0x0] =	sbarrier.arrive $0xFFFF;
	(pc) =	sbr.rel @p0 .LBB2_1-.Ltmp1, $4  }
0xa4: {  	[hbm:s8], [sflag:s6] =	dma.local [spmem:s10], $0x2780  }
0xa5: {  	_ =	swait.ge [sflag:s11], $0x2780  }
0xa6: {  	[sflag:s11] =	ssyncset.done $0x0  }
0xa7: {  	[sflag:s11] =	ssyncadd.s32 $0xFFFFD880  }
0xa8: {  	_ =	sfence.sel $0x180000  }
0xa9: {  	[bflag:$0x0] =	sbarrier.arrive $0xFFFF  }
0xaa: {  	p0 =	sne.s32 s2, $0x0;
	_ =	strace $0x9000004D  }
0xab: {  	s0 =	sadd.s32 @!p0 $0x100000, s0;
	[bflag:$0x2] =	sbarrier.arrive $0xFFFF  }
0xac: {  	[sflag:s0] =	ssyncadd.tile.s32 @!p0 $0x1;
	_ =	shalt  }
.Lfunc_end2:
_tile_overlayer_lowered:
.L_overlay_start_2:
0xad: {  	(tag) =	ssettag $0x2  }
0xae: {  	s0 =	rddreg [dreg:$0x0];
	s2 =	stileid.u32  }
0xaf: {  	s1 =	rddreg [dreg:$0x1];
	p0 =	sne.s32 s2, $0x0  }
0xb0: {  	s3 =	rddreg [dreg:$0x2];
	[bflag:$0x3] =	sbarrier.arrive $0xFFFF;
	s2 =	simm.s32 @!p0 $0x1C03  }
0xb1: {  	[timem:s3], [sflag:s2] =	dma.local @!p0 [hbm:s0], s1  }
0xb2: {  	s0 =	simm.s32 @!p0 $0x3  }
0xb3: {  	_ =	swait.ge @!p0 [sflag:s0], s1  }
0xb4: {  	s1 =	ssub.s32 @!p0 $0x0, s1;
	[sflag:s0] =	ssyncset.done @!p0 $0x0  }
0xb5: {  	[sflag:s0] =	ssyncadd.s32 @!p0 s1  }
0xb6: {  	[bflag:$0x3] =	sbarrier.arrive $0xFFFF  }
0xb7: {  	_ =	shalt  }

// kernel: kernel.8.cloned.1.call-start
scs
__scs_entry_jumppad:
0x0: {  	(pc) =	sbr.rel $0x88, $3  }
0x1: {  	(tag) =	ssettag $0x0;
	lr =	simm.s32 $0x1  }
0x2: {  	[smem:$0x3F92] =	sst lr;
	_ =	strace $0xD0000000  }
0x3: {  	_ = 	snop  }
0x4: {  	_ = 	snop  }
0x5: {  	_ = 	snop  }
0x6: {  	_ = 	snop  }
0x7: {  	_ = 	snop  }
__scs_overlays_trampoline_lowered:
0x8: {  	[smem:$0x3FA1] =	sst s0  }
0x9: {  	[smem:$0x3FA2] =	sst s1  }
0xa: {  	[smem:$0x3FA3] =	sst s2  }
0xb: {  	[smem:$0x3FA4] =	sst s3  }
0xc: {  	[smem:$0x3FA5] =	sst s4  }
0xd: {  	[smem:$0x3FA6] =	sst s5  }
0xe: {  	[smem:$0x3FA7] =	sst s6  }
0xf: {  	[smem:$0x3FA8] =	sst s7  }
0x10: {  	[smem:$0x3FA9] =	sst s8  }
0x11: {  	[smem:$0x3FAA] =	sst s9;
	s0 =	simm.s32 @!p0 $0x0  }
0x12: {  	s1 =	sld [smem:$0x3F90];
	s0 =	simm.s32 @p0 $0x1  }
0x13: {  	[smem:$0x3FAB] =	sst s0;
	s0 =	simm.s32 @!p1 $0x0  }
0x14: {  	s2 =	sld [smem:$0x3F8F];
	s0 =	simm.s32 @p1 $0x1  }
0x15: {  	[smem:$0x3FAC] =	sst s0;
	s0 =	simm.s32 @!p2 $0x0  }
0x16: {  	s3 =	sld [smem:$0x3FDB];
	s0 =	simm.s32 @p2 $0x1  }
0x17: {  	s4 =	simm.s32 $0x1BF5;
	[smem:$0x3FAE] =	sst s0  }
0x18: {  	s0 =	sld [smem:$0x3F91];
	_ =	swait.ge [sflag:s4], $0x0  }
0x19: {  	s7 =	sld [smem:$0x3F92]  }
0x1a: {  	s8 =	sadd.s32 $0xFFFFE003, lr  }
0x1b: {  	s9 =	sadd.s32 $0xFFFFFEF7, lr;
	s5 =	simm.s32 $0xFFFFFFFF;
	p2 =	slt.u32 s8, $0xFFFFF086  }
0x1c: {  	p1 =	slt.u32 s9, $0xF7A;
	s5 =	simm.s32 @!p2 $0x0  }
0x1d: {  	s5 =	simm.s32 @p1 $0x1;
	p0 =	seq.s32 s7, s2  }
0x1e: {  	s7 =	smul.u32 @!p0 $0xF7A, s2;
	p2 =	seq.s32 @!p0 s5, $0x0  }
0x1f: {  	s9 =	smul.u32 $0xF7A, s1;
	s8 =	simm.s32 @!p0 $0x1BF5;
	p2 =	por !p2, p0  }
0x20: {  	[sflag:s8] =	ssyncset.s32 @!p0 $0xFFFFF086;
	s6 =	sadd.s32 @!p0 s3, s7;
	s7 =	simm.s32 @!p0 $0x108  }
0x21: {  	s3 =	sadd.s32 s3, s9;
	s6 =	sadd.s32 @!p0 $0x88, s6;
	s7 =	simm.s32 @p2 $0x1082  }
0x22: {  	[simem:s7], [sflag:s8] =	dma.local @!p0 [hbm:s6], $0xF7A  }
0x23: {  	s9 =	sor.u32 $0xD0000000, s2;
	s6 =	simm.s32 $0x108;
	_ =	swait.ge @!p0 [sflag:s8], $0x0  }
0x24: {  	s3 =	sadd.s32 $0x88, s3;
	s6 =	simm.s32 @!p1 $0x1082;
	[sflag:s4] =	ssyncset.s32 $0xFFFFF086  }
0x25: {  	[simem:s6], [sflag:s4] =	dma.local [hbm:s3], $0xF7A  }
0x26: {  	[smem:$0x3F92] =	sst s1;
	(tag) =	ssettag s2;
	_ =	strace s9  }
0x27: {  	s1 =	sld [smem:$0x3FA2]  }
0x28: {  	s2 =	sld [smem:$0x3FA3]  }
0x29: {  	s4 =	sld [smem:$0x3FA5]  }
0x2a: {  	p0 =	seq.s32 s5, $0x0;
	s5 =	sld [smem:$0x3FA6]  }
0x2b: {  	s6 =	sld [smem:$0x3FA7]  }
0x2c: {  	s7 =	sld [smem:$0x3FA8]  }
0x2d: {  	s3 =	simm.s32 $0x108;
	s8 =	sld [smem:$0x3FA9]  }
0x2e: {  	s3 =	simm.s32 @!p0 $0x1082;
	s9 =	sld [smem:$0x3FAA]  }
0x2f: {  	lr =	sadd.s32 s0, s3;
	s0 =	sld [smem:$0x3FA1]  }
0x30: {  	s3 =	sld [smem:$0x3FA4]  }
0x31: {  	[smem:$0x3FAD] =	sst s10  }
0x32: {  	s10 =	sld [smem:$0x3FAB];
	_ =	sdelay $0x3  }
0x33: {  	p0 =	seq.s32 s10, $0x1;
	s10 =	sld [smem:$0x3FAD];
	_ =	sdelay $0x3  }
0x34: {  	[smem:$0x3FAD] =	sst s10  }
0x35: {  	s10 =	sld [smem:$0x3FAC];
	_ =	sdelay $0x3  }
0x36: {  	p1 =	seq.s32 s10, $0x1;
	s10 =	sld [smem:$0x3FAD];
	_ =	sdelay $0x3  }
0x37: {  	[smem:$0x3FAD] =	sst s10  }
0x38: {  	s10 =	sld [smem:$0x3FAE]  }
0x39: {  	_ = 	snop;
	(pc) =	sbr.ind lr, $3  }
0x3a: {  	_ = 	snop  }
0x3b: {  	_ = 	snop  }
0x3c: {  	p2 =	seq.s32 s10, $0x1;
	s10 =	sld [smem:$0x3FAD]  }
0x3d: {  	_ =	shalt  }
0x3e: {  	_ =	shalt  }
0x3f: {  	_ =	shalt  }
0x40: {  	_ =	shalt  }
0x41: {  	_ =	shalt  }
0x42: {  	_ =	shalt  }
0x43: {  	_ =	shalt  }
0x44: {  	_ =	shalt  }
0x45: {  	_ =	shalt  }
0x46: {  	_ =	shalt  }
0x47: {  	_ =	shalt  }
0x48: {  	_ =	shalt  }
0x49: {  	_ =	shalt  }
0x4a: {  	_ =	shalt  }
0x4b: {  	_ =	shalt  }
0x4c: {  	_ =	shalt  }
0x4d: {  	_ =	shalt  }
0x4e: {  	_ =	shalt  }
0x4f: {  	_ =	shalt  }
0x50: {  	_ =	shalt  }
0x51: {  	_ =	shalt  }
0x52: {  	_ =	shalt  }
0x53: {  	_ =	shalt  }
0x54: {  	_ =	shalt  }
0x55: {  	_ =	shalt  }
0x56: {  	_ =	shalt  }
0x57: {  	_ =	shalt  }
0x58: {  	_ =	shalt  }
0x59: {  	_ =	shalt  }
0x5a: {  	_ =	shalt  }
0x5b: {  	_ =	shalt  }
0x5c: {  	_ =	shalt  }
0x5d: {  	_ =	shalt  }
0x5e: {  	_ =	shalt  }
0x5f: {  	_ =	shalt  }
0x60: {  	_ =	shalt  }
0x61: {  	_ =	shalt  }
0x62: {  	_ =	shalt  }
0x63: {  	_ =	shalt  }
0x64: {  	_ =	shalt  }
0x65: {  	_ =	shalt  }
0x66: {  	_ =	shalt  }
0x67: {  	_ =	shalt  }
0x68: {  	_ =	shalt  }
0x69: {  	_ =	shalt  }
0x6a: {  	_ =	shalt  }
0x6b: {  	_ =	shalt  }
0x6c: {  	_ =	shalt  }
0x6d: {  	_ =	shalt  }
0x6e: {  	_ =	shalt  }
0x6f: {  	_ =	shalt  }
0x70: {  	_ =	shalt  }
0x71: {  	_ =	shalt  }
0x72: {  	_ =	shalt  }
0x73: {  	_ =	shalt  }
0x74: {  	_ =	shalt  }
0x75: {  	_ =	shalt  }
0x76: {  	_ =	shalt  }
0x77: {  	_ =	shalt  }
0x78: {  	_ =	shalt  }
0x79: {  	_ =	shalt  }
0x7a: {  	_ =	shalt  }
0x7b: {  	_ =	shalt  }
0x7c: {  	_ =	shalt  }
0x7d: {  	_ =	shalt  }
0x7e: {  	_ =	shalt  }
0x7f: {  	_ =	shalt  }
0x80: {  	_ =	shalt  }
0x81: {  	_ =	shalt  }
0x82: {  	_ =	shalt  }
0x83: {  	_ =	shalt  }
0x84: {  	_ =	shalt  }
0x85: {  	_ =	shalt  }
0x86: {  	_ =	shalt  }
0x87: {  	_ =	shalt  }
.Lfunc_end0:
.L_simem_size_0:
called_computation_lowered:
.L_overlay_start_0:
0x88: {  	s2 =	sld [smem:$0x3FD9]  }
0x89: {  	s3 =	sld [smem:$0x3FFE];
	_ =	sdelay $0x1  }
0x8a: {  	s1 =	srdreg.scid  }
0x8b: {  	s0 =	sand.u32 $0x1, s1  }
0x8c: {  	s17 =	sshll.u32 s0, $0xA;
	s2 =	sadd.s32 s3, s2  }
0x8d: {  	s2 =	sadd.s32 s2, s17  }
0x8e: {  	[smem:$0x3FB9] =	sst s2  }
0x8f: {  	_ = 	snop  }
0x90: {  	s2 =	sld [smem:$0x3FC9]  }
0x91: {  	s18 =	sld [smem:$0x3FD0];
	(tm) =	ssettm $0x1  }
0x92: {  	s4 =	sld [smem:$0x3FFB];
	_ =	sdelay $0x3  }
0x93: {  	_ =	strace s4  }
0x94: {  	s4 =	sld [smem:$0x3FFC];
	_ =	sdelay $0x3  }
0x95: {  	_ =	strace s4  }
0x96: {  	s4 =	sld [smem:$0x3FFD];
	_ =	sdelay $0x3  }
0x97: {  	_ =	strace s4  }
0x98: {  	_ =	strace $0x8FFFFFFF  }
0x99: {  	s19 =	sld [smem:$0x3FDB];
	_ =	sdelay $0x1  }
0x9a: {  	s5 =	simm.s32 $_scs_section_size  }
0x9b: {  	s6 =	simm.s32 $_size__tile_overlayer_lowered;
	s7 =	simm.s32 $_tile_overlayer_lowered  }
0x9c: {  	s22 =	simm.s32 $0x1BFF;
	s21 =	sshll.u32 s7, $0x1;
	s4 =	sadd.s32 s5, s19  }
0x9d: {  	s8 =	simm.s32 $0x0;
	s20 =	sshll.u32 s6, $0x1;
	s6 =	sadd.s32 s21, s4  }
0x9e: {  	[timem:s8], [sflag:s22] =	dma.local [hbm:s6], s20  }
0x9f: {  	_ =	swait.ge [sflag:s22], s20  }
0xa0: {  	s5 =	ssub.s32 $0x0, s20;
	[sflag:s22] =	ssyncset.done $0x0  }
0xa1: {  	[sflag:s22] =	ssyncadd.s32 s5;
	_ =	sdelay $0x1  }
0xa2: {  	s23 =	simm.s32 $0x1B8B  }
0xa3: {  	_ =	swait.ge [sflag:s23], $0x1  }
0xa4: {  	[sflag:s23] =	ssyncset.done $0x0  }
0xa5: {  	s25 =	simm.s32 $0x1B8E;
	s24 =	sld [smem:$0x3FFE];
	[sflag:s23] =	ssyncadd.s32 $0xFFFFFFFF  }
0xa6: {  	s26 =	simm.s32 $execute0_lowered;
	[smem:$0x3FD2] =	sst s25  }
0xa7: {  	s6 =	sshll.u32 s26, $0x1;
	_ =	strace $0x80000046;
	[dreg:$0x1] =	wrdreg $0xFFFFFFFF  }
0xa8: {  	s28 =	simm.s32 $_size_execute0_lowered;
	s4 =	sadd.s32 s4, s6;
	[dreg:$0x0] =	wrdreg $0x0  }
0xa9: {  	s6 =	sshll.u32 s28, $0x1;
	[dreg:$0x2] =	wrdreg s4  }
0xaa: {  	[dreg:$0x3] =	wrdreg s6  }
0xab: {  	[dreg:$0x4] =	wrdreg $0xC0  }
0xac: {  	_ =	task [dreg:s8], $0x5FFFF  }
0xad: {  	[dreg:$0x1] =	wrdreg $0xFFFFFFFF  }
0xae: {  	[dreg:$0x0] =	wrdreg $0x60  }
0xaf: {  	[dreg:$0x2] =	wrdreg s2  }
0xb0: {  	[dreg:$0x3] =	wrdreg s24  }
0xb1: {  	[dreg:$0x4] =	wrdreg s18  }
0xb2: {  	[dreg:$0x5] =	wrdreg $0x92800  }
0xb3: {  	[dreg:$0x6] =	wrdreg $0x1CE800  }
0xb4: {  	[dreg:$0x7] =	wrdreg $0x9  }
0xb5: {  	_ =	task.clear_ibuf [dreg:s8], $0x8FFFF;
	_ =	strace $0x90000046  }
0xb6: {  	s29 =	simm.s32 $0x9;
	_ =	strace $0x80000048  }
0xb7: {  	_ =	swait.ge [sflag:s29], $0x1  }
0xb8: {  	[sflag:s29] =	ssyncadd.s32 $0xFFFFFFFF  }
0xb9: {  	_ =	strace $0x90000048  }
0xba: {  	_ =	sfence  }
0xbb: {  	s30 =	sld [smem:$0x0];
	_ =	sdelay $0x2  }
0xbc: {  	s31 =	sshll.u32 s1, $0xD;
	s1 =	sshrl.u32 s1, $0x2  }
0xbd: {  	s3 =	sand.u32 $0x4000, s31;
	s1 =	sadd.s32 s1, s30  }
0xbe: {  	s0 =	sor.u32 s3, s0;
	s1 =	sshll.u32 s1, $0x11  }
0xbf: {  	s0 =	sor.u32 s1, s0  }
0xc0: {  	s0 =	sadd.s32 $0x8F2B, s0  }
0xc1: {  	[sflag:s0] =	ssyncadd.remote.s32 $0x1  }
0xc2: {  	_ =	sfence.sel $0xFFFF  }
0xc3: {  	[dreg:$0x0] =	wrdreg $0xFFFFFFFF;
	(pc) =	sbr.abs _section_cstart, $3  }
0xc4: {  	[dreg:$0x1] =	wrdreg $0xFFFFFFFF  }
0xc5: {  	_ =	task.clear_ibuf [dreg:s8], $0x2FFFF;
	_ =	strace $0x9FFFFFFF  }
0xc6: {  	(tm) =	ssettm $0x7FFFFFFF  }
0xc7: {  	_ =	shalt  }
tec
execute0_lowered:
.L_overlay_start_1:
0x0: {  	(tag) =	ssettag $0x1  }
0x1: {  	s1 =	rddreg [dreg:$0x0]  }
0x2: {  	s8 =	rddreg [dreg:$0x1]  }
0x3: {  	s2 =	rddreg [dreg:$0x2]  }
0x4: {  	s3 =	rddreg [dreg:$0x3]  }
0x5: {  	s4 =	rddreg [dreg:$0x4]  }
0x6: {  	s5 =	srdreg.scid;
	s0 =	rddreg [dreg:$0x5]  }
0x7: {  	s6 =	simm.s32 $0x0;
	s17 =	simm.s32 $0x4000;
	s18 =	simm.s32 $0x4200  }
0x8: {  	s19 =	simm.s32 $0x4100;
	s20 =	simm.s32 $0x6A00;
	s21 =	simm.s32 $0x1  }
0x9: {  	s22 =	simm.s32 $0x4080;
	s23 =	simm.s32 $0x9200;
	s9 =	sand.u32 $0x1, s5  }
0xa: {  	s28 =	simm.s32 $0x10;
	s5 =	stileid.u32;
	s7 =	smul.u32 $0x13C000, s9  }
0xb: {  	s29 =	simm.s32 $0x0;
	[smem:$0x7FF] =	sst s6;
	s10 =	smul.u32 $0x13C00, s5  }
0xc: {  	_ =	strace $0x80000047;
	s11 =	sshll.u32 s5, $0xB;
	s12 =	smul.u32 $0x500, s5  }
0xd: {  	s13 =	sshll.u32 s9, $0x7;
	s24 =	ssub.s32 $0x2, s9;
	s14 =	smul.u32 $0x4F000, s5  }
0xe: {  	s30 =	smul.u32 $0xA00, s5;
	s31 =	sshll.u32 s5, $0x6;
	s9 =	sshll.u32 s9, $0xF  }
0xf: {  	s11 =	sadd.s32 s11, s8;
	s25 =	sshrl.u32 s24, $0x1;
	s10 =	sadd.s32 s10, s7  }
0x10: {  	s7 =	sadd.s32 $0x13800, s8;
	s12 =	sor.u32 s13, s12;
	s13 =	ssub.s32 s24, s25  }
0x11: {  	s26 =	sshrl.u32 s14, $0x2;
	s14 =	sshrl.u32 s30, $0x2;
	s9 =	sadd.s32 s9, s11  }
0x12: {  	s24 =	simm.s32 $0x2;
	s25 =	simm.s32 $0x4180;
	s10 =	sshrl.u32 s10, $0x3  }
0x13: {  	s12 =	sshrl.u32 s12, $0x3;
	s15 =	sadd.s32 s26, s3;
	s16 =	sadd.s32 s14, s4  }
0x14: {  	s9 =	sadd.s32 $0x3800, s9;
	s14 =	simm.s32 $0x3;
	s26 =	simm.s32 $0x20  }
0x15: {  	s10 =	sadd.s32 s10, s8;
	s12 =	sadd.s32 s12, s8;
	s8 =	sor.u32 $0x1C03, s31  }
0x16: {  	s10 =	sadd.s32 $0x16A00, s10;
	s11 =	sadd.s32 $0x16000, s12;
	s12 =	smax.u32 s13, $0x1  }
0x17: {  	v0 =	vimm.f32 $1.000000000e+00;
	s13 =	sshrl.u32 s15, $0x3;
	s15 =	sshrl.u32 s16, $0x3;
	s16 =	simm.s32 $0x50  }
.LBB2_1:
0x18: {  	[spmem:s13], [sflag:s8] =	dma.local [hbm:s7], $0x2780  }
0x19: {  	_ =	swait.ge [sflag:s14], $0x2780  }
0x1a: {  	[sflag:s14] =	ssyncset.done $0x0  }
0x1b: {  	[sflag:s14] =	ssyncadd.s32 $0xFFFFD880  }
0x1c: {  	[spmem:s15], [sflag:s8] =	dma.local [hbm:s2], $0x50  }
0x1d: {  	_ =	swait.ge [sflag:s14], $0x50  }
0x1e: {  	[sflag:s14] =	ssyncset.done $0x0  }
0x1f: {  	[sflag:s14] =	ssyncadd.s32 $0xFFFFFFB0  }
0x20: {  	[tilespmem:$0x9200] =	vst v0  }
0x21: {  	[tilespmem:$0x9210] =	vst v0  }
0x22: {  	[tilespmem:$0x9220] =	vst v0  }
0x23: {  	[tilespmem:$0x9230] =	vst v0  }
0x24: {  	[tilespmem:$0x9240] =	vst v0  }
0x25: {  	[tilespmem:s6], [sflag:$0x3] =	stream.linear.gather [hbm4b:s9+s6], $0x3E80, $0x38;
	[tilespmem:$0x1D100] =	vst v63  }
0x26: {  	_ =	swait.ge [sflag:s14], $0x3E80  }
0x27: {  	[sflag:s14] =	ssyncset.done $0x0  }
0x28: {  	[sflag:s14] =	ssyncadd.s32 $0xFFFFC180  }
0x29: {  	[bflag:$0x0] =	sbarrier.arrive $0xFFFF  }
0x2a: {  	v1 =	vld [tilespmem:$0x0];
	_ =	sdelay $0x1  }
0x2b: {  	v2 =	vld [tilespmem:$0x10];
	_ =	sdelay $0x1  }
0x2c: {  	v3 =	vld [tilespmem:$0x20]  }
0x2d: {  	v4 =	vand.u32 $0xFFFF, v1  }
0x2e: {  	v63 =	vld [tilespmem:$0x30];
	v1 =	vshra.s32 v1, $0x10;
	[tilespmem:$0x4000] =	vst v4  }
0x2f: {  	[tilespmem:$0x4080] =	vst v1;
	v1 =	vand.u32 $0xFFFF, v2  }
0x30: {  	[tilespmem:$0x4010] =	vst v1;
	v1 =	vshra.s32 v2, $0x10;
	v2 =	vld [tilespmem:$0x40]  }
0x31: {  	[tilespmem:$0x4090] =	vst v1;
	v1 =	vand.u32 $0xFFFF, v3  }
0x32: {  	[tilespmem:$0x4020] =	vst v1;
	v1 =	vshra.s32 v3, $0x10  }
0x33: {  	[tilespmem:$0x40A0] =	vst v1;
	v1 =	vand.u32 $0xFFFF, v63  }
0x34: {  	[tilespmem:$0x4030] =	vst v1;
	v1 =	vshra.s32 v63, $0x10  }
0x35: {  	[tilespmem:$0x40B0] =	vst v1;
	v1 =	vand.u32 $0xFFFF, v2  }
0x36: {  	[tilespmem:$0x4040] =	vst v1;
	v1 =	vshra.s32 v2, $0x10  }
0x37: {  	s30 =	simm.s32 $0x0;
	[tilespmem:$0x40C0] =	vst v1  }
0x38: {  	[tilespmem:s18], [sflag:$0x1] =	stream.indirect.gather [hbm4b:s1+s16], $0x80, s17, s16, $0xb8;
	[tilespmem:$0x1D100] =	vst v63  }
0x39: {  	v1 =	vld [tilespmem:s30+$0x80];
	_ =	sdelay $0x4  }
0x3a: {  	v2 =	vand.u32 $0xFFFF, v1  }
0x3b: {  	v1 =	vshra.s32 v1, $0x10;
	[tilespmem:$0x4100] =	vst v2  }
0x3c: {  	[tilespmem:$0x4180] =	vst v1  }
0x3d: {  	v1 =	vld [tilespmem:s30+$0x90];
	_ =	sdelay $0x4  }
0x3e: {  	v2 =	vand.u32 $0xFFFF, v1  }
0x3f: {  	v1 =	vshra.s32 v1, $0x10;
	[tilespmem:$0x4110] =	vst v2  }
0x40: {  	[tilespmem:$0x4190] =	vst v1  }
0x41: {  	v1 =	vld [tilespmem:s30+$0xA0];
	_ =	sdelay $0x4  }
0x42: {  	v2 =	vand.u32 $0xFFFF, v1  }
0x43: {  	v1 =	vshra.s32 v1, $0x10;
	[tilespmem:$0x4120] =	vst v2  }
0x44: {  	[tilespmem:$0x41A0] =	vst v1  }
0x45: {  	v1 =	vld [tilespmem:s30+$0xB0];
	_ =	sdelay $0x4  }
0x46: {  	v2 =	vand.u32 $0xFFFF, v1  }
0x47: {  	v1 =	vshra.s32 v1, $0x10;
	[tilespmem:$0x4130] =	vst v2  }
0x48: {  	[tilespmem:$0x41B0] =	vst v1  }
0x49: {  	v1 =	vld [tilespmem:s30+$0xC0];
	_ =	sdelay $0x4  }
0x4a: {  	v2 =	vand.u32 $0xFFFF, v1  }
0x4b: {  	v1 =	vshra.s32 v1, $0x10;
	[tilespmem:$0x4140] =	vst v2  }
0x4c: {  	[tilespmem:$0x41C0] =	vst v1  }
0x4d: {  	[tilespmem:s20], [sflag:$0x2] =	stream.indirect.gather [hbm4b:s1+s16], $0x80, s19, s16, $0xb8;
	[tilespmem:$0x1D100] =	vst v63  }
0x4e: {  	_ =	swait.ge [sflag:s21], $0x2800  }
0x4f: {  	[sflag:s21] =	ssyncset.done $0x0  }
0x50: {  	[sflag:s21] =	ssyncadd.s32 $0xFFFFD800  }
0x51: {  	[spmem:s3] =	stream.indirect.scatter.add.f32 [tilespmem:s18], [sflag:$0x3], $0x80, s22, s16, $0xb8;
	[tilespmem:$0x1D100] =	vst v63  }
0x52: {  	_ =	swait.ge [sflag:s14], $0x2800  }
0x53: {  	[sflag:s14] =	ssyncset.done $0x0  }
0x54: {  	[sflag:s14] =	ssyncadd.s32 $0xFFFFD800  }
0x55: {  	[spmem:s4] =	stream.indirect.scatter.add.f32 [tilespmem:s23], [sflag:$0x3], $0x1, s22, s16, $0xb8;
	[tilespmem:$0x1D100] =	vst v63  }
0x56: {  	_ =	swait.ge [sflag:s14], $0x50  }
0x57: {  	[sflag:s14] =	ssyncset.done $0x0  }
0x58: {  	[sflag:s14] =	ssyncadd.s32 $0xFFFFFFB0  }
0x59: {  	v1 =	vld [tilespmem:s30+$0x100];
	_ =	sdelay $0x4  }
0x5a: {  	v2 =	vand.u32 $0xFFFF, v1  }
0x5b: {  	v1 =	vshra.s32 v1, $0x10;
	[tilespmem:$0x4000] =	vst v2  }
0x5c: {  	[tilespmem:$0x4080] =	vst v1  }
0x5d: {  	v1 =	vld [tilespmem:s30+$0x110];
	_ =	sdelay $0x4  }
0x5e: {  	v2 =	vand.u32 $0xFFFF, v1  }
0x5f: {  	v1 =	vshra.s32 v1, $0x10;
	[tilespmem:$0x4010] =	vst v2  }
0x60: {  	[tilespmem:$0x4090] =	vst v1  }
0x61: {  	v1 =	vld [tilespmem:s30+$0x120];
	_ =	sdelay $0x4  }
0x62: {  	v2 =	vand.u32 $0xFFFF, v1  }
0x63: {  	v1 =	vshra.s32 v1, $0x10;
	[tilespmem:$0x4020] =	vst v2  }
0x64: {  	[tilespmem:$0x40A0] =	vst v1  }
0x65: {  	v1 =	vld [tilespmem:s30+$0x130];
	_ =	sdelay $0x4  }
0x66: {  	v2 =	vand.u32 $0xFFFF, v1  }
0x67: {  	v1 =	vshra.s32 v1, $0x10;
	[tilespmem:$0x4030] =	vst v2  }
0x68: {  	[tilespmem:$0x40B0] =	vst v1  }
0x69: {  	v1 =	vld [tilespmem:s30+$0x140];
	_ =	sdelay $0x4  }
0x6a: {  	v2 =	vand.u32 $0xFFFF, v1  }
0x6b: {  	v1 =	vshra.s32 v1, $0x10;
	[tilespmem:$0x4040] =	vst v2  }
0x6c: {  	s30 =	simm.s32 $0x400;
	[tilespmem:$0x40C0] =	vst v1  }
0x6d: {  	[tilespmem:s18], [sflag:$0x1] =	stream.indirect.gather [hbm4b:s1+s16], $0x80, s17, s16, $0xb8;
	[tilespmem:$0x1D100] =	vst v63  }
.LBB2_2:
0x6e: {  	p0 =	sne.s32 s30, $0xF400  }
0x6f: {  	_ =	swait.ge [sflag:s24], $0x2800;
	s31 =	smov.u32 s30;
	s30 =	sadd.s32 $0x400, s30  }
0x70: {  	[sflag:s24] =	ssyncset.done $0x0  }
0x71: {  	[sflag:s24] =	ssyncadd.s32 $0xFFFFD800  }
0x72: {  	[spmem:s3] =	stream.indirect.scatter.add.f32 [tilespmem:s20], [sflag:$0x3], $0x80, s25, s16, $0xb8;
	[tilespmem:$0x1D100] =	vst v63  }
0x73: {  	_ =	swait.ge [sflag:s14], $0x2800  }
0x74: {  	[sflag:s14] =	ssyncset.done $0x0  }
0x75: {  	[sflag:s14] =	ssyncadd.s32 $0xFFFFD800  }
0x76: {  	[spmem:s4] =	stream.indirect.scatter.add.f32 [tilespmem:s23], [sflag:$0x3], $0x1, s25, s16, $0xb8;
	[tilespmem:$0x1D100] =	vst v63  }
0x77: {  	_ =	swait.ge [sflag:s14], $0x50  }
0x78: {  	[sflag:s14] =	ssyncset.done $0x0  }
0x79: {  	s31 =	sshra.s32 s31, $0x2;
	[sflag:s14] =	ssyncadd.s32 $0xFFFFFFB0  }
0x7a: {  	v1 =	vld [tilespmem:s31+$0x80];
	_ =	sdelay $0x4  }
0x7b: {  	v2 =	vand.u32 $0xFFFF, v1;
	v1 =	vshra.s32 v1, $0x10  }
0x7c: {  	[tilespmem:$0x4100] =	vst v2  }
0x7d: {  	[tilespmem:$0x4180] =	vst v1  }
0x7e: {  	v1 =	vld [tilespmem:s31+$0x90];
	_ =	sdelay $0x4  }
0x7f: {  	v2 =	vand.u32 $0xFFFF, v1;
	v1 =	vshra.s32 v1, $0x10  }
0x80: {  	[tilespmem:$0x4110] =	vst v2  }
0x81: {  	[tilespmem:$0x4190] =	vst v1  }
0x82: {  	v1 =	vld [tilespmem:s31+$0xA0];
	_ =	sdelay $0x4  }
0x83: {  	v2 =	vand.u32 $0xFFFF, v1;
	v1 =	vshra.s32 v1, $0x10  }
0x84: {  	[tilespmem:$0x4120] =	vst v2  }
0x85: {  	[tilespmem:$0x41A0] =	vst v1  }
0x86: {  	v1 =	vld [tilespmem:s31+$0xB0];
	_ =	sdelay $0x4  }
0x87: {  	v2 =	vand.u32 $0xFFFF, v1;
	v1 =	vshra.s32 v1, $0x10  }
0x88: {  	[tilespmem:$0x4130] =	vst v2  }
0x89: {  	[tilespmem:$0x41B0] =	vst v1  }
0x8a: {  	v1 =	vld [tilespmem:s31+$0xC0];
	_ =	sdelay $0x4  }
0x8b: {  	v2 =	vand.u32 $0xFFFF, v1;
	v1 =	vshra.s32 v1, $0x10  }
0x8c: {  	[tilespmem:$0x4140] =	vst v2  }
0x8d: {  	[tilespmem:$0x41C0] =	vst v1  }
0x8e: {  	[tilespmem:s20], [sflag:$0x2] =	stream.indirect.gather [hbm4b:s1+s16], $0x80, s19, s16, $0xb8;
	[tilespmem:$0x1D100] =	vst v63  }
0x8f: {  	_ =	swait.ge [sflag:s21], $0x2800  }
0x90: {  	[sflag:s21] =	ssyncset.done $0x0  }
0x91: {  	[sflag:s21] =	ssyncadd.s32 $0xFFFFD800  }
0x92: {  	[spmem:s3] =	stream.indirect.scatter.add.f32 [tilespmem:s18], [sflag:$0x3], $0x80, s22, s16, $0xb8;
	[tilespmem:$0x1D100] =	vst v63  }
0x93: {  	_ =	swait.ge [sflag:s14], $0x2800  }
0x94: {  	[sflag:s14] =	ssyncset.done $0x0  }
0x95: {  	[sflag:s14] =	ssyncadd.s32 $0xFFFFD800  }
0x96: {  	[spmem:s4] =	stream.indirect.scatter.add.f32 [tilespmem:s23], [sflag:$0x3], $0x1, s22, s16, $0xb8;
	[tilespmem:$0x1D100] =	vst v63  }
0x97: {  	_ =	swait.ge [sflag:s14], $0x50  }
0x98: {  	[sflag:s14] =	ssyncset.done $0x0  }
0x99: {  	[sflag:s14] =	ssyncadd.s32 $0xFFFFFFB0  }
0x9a: {  	v1 =	vld [tilespmem:s31+$0x100];
	_ =	sdelay $0x4  }
0x9b: {  	v2 =	vand.u32 $0xFFFF, v1;
	v1 =	vshra.s32 v1, $0x10  }
0x9c: {  	[tilespmem:$0x4000] =	vst v2  }
0x9d: {  	[tilespmem:$0x4080] =	vst v1  }
0x9e: {  	v1 =	vld [tilespmem:s31+$0x110];
	_ =	sdelay $0x4  }
0x9f: {  	v2 =	vand.u32 $0xFFFF, v1;
	v1 =	vshra.s32 v1, $0x10  }
0xa0: {  	[tilespmem:$0x4010] =	vst v2  }
0xa1: {  	[tilespmem:$0x4090] =	vst v1  }
0xa2: {  	v1 =	vld [tilespmem:s31+$0x120];
	_ =	sdelay $0x4  }
0xa3: {  	v2 =	vand.u32 $0xFFFF, v1;
	v1 =	vshra.s32 v1, $0x10  }
0xa4: {  	[tilespmem:$0x4020] =	vst v2  }
0xa5: {  	[tilespmem:$0x40A0] =	vst v1  }
0xa6: {  	v1 =	vld [tilespmem:s31+$0x130];
	_ =	sdelay $0x4  }
0xa7: {  	v2 =	vand.u32 $0xFFFF, v1;
	v1 =	vshra.s32 v1, $0x10  }
0xa8: {  	[tilespmem:$0x4030] =	vst v2  }
0xa9: {  	[tilespmem:$0x40B0] =	vst v1  }
0xaa: {  	v1 =	vld [tilespmem:s31+$0x140];
	_ =	sdelay $0x3  }
.Ltmp0:
0xab: {  	(pc) =	sbr.rel @p0 .LBB2_2-.Ltmp0, $4  }
0xac: {  	v2 =	vand.u32 $0xFFFF, v1;
	v1 =	vshra.s32 v1, $0x10  }
0xad: {  	[tilespmem:$0x4040] =	vst v2  }
0xae: {  	[tilespmem:$0x40C0] =	vst v1  }
0xaf: {  	[tilespmem:s18], [sflag:$0x1] =	stream.indirect.gather [hbm4b:s1+s16], $0x80, s17, s16, $0xb8;
	[tilespmem:$0x1D100] =	vst v63  }
0xb0: {  	_ =	swait.ge [sflag:s24], $0x2800  }
0xb1: {  	[sflag:s24] =	ssyncset.done $0x0  }
0xb2: {  	[sflag:s24] =	ssyncadd.s32 $0xFFFFD800  }
0xb3: {  	[spmem:s3] =	stream.indirect.scatter.add.f32 [tilespmem:s20], [sflag:$0x3], $0x80, s25, s16, $0xb8;
	[tilespmem:$0x1D100] =	vst v63  }
0xb4: {  	_ =	swait.ge [sflag:s14], $0x2800  }
0xb5: {  	[sflag:s14] =	ssyncset.done $0x0  }
0xb6: {  	[sflag:s14] =	ssyncadd.s32 $0xFFFFD800  }
0xb7: {  	[spmem:s4] =	stream.indirect.scatter.add.f32 [tilespmem:s23], [sflag:$0x3], $0x1, s25, s16, $0xb8;
	[tilespmem:$0x1D100] =	vst v63  }
0xb8: {  	_ =	swait.ge [sflag:s14], $0x50  }
0xb9: {  	[sflag:s14] =	ssyncset.done $0x0  }
0xba: {  	[sflag:s14] =	ssyncadd.s32 $0xFFFFFFB0  }
0xbb: {  	_ =	swait.ge [sflag:s21], $0x2800  }
0xbc: {  	[sflag:s21] =	ssyncset.done $0x0  }
0xbd: {  	[sflag:s21] =	ssyncadd.s32 $0xFFFFD800  }
0xbe: {  	[spmem:s3] =	stream.indirect.scatter.add.f32 [tilespmem:s18], [sflag:$0x3], $0x80, s22, s16, $0xb8;
	[tilespmem:$0x1D100] =	vst v63  }
0xbf: {  	_ =	swait.ge [sflag:s14], $0x2800  }
0xc0: {  	[sflag:s14] =	ssyncset.done $0x0  }
0xc1: {  	[sflag:s14] =	ssyncadd.s32 $0xFFFFD800  }
0xc2: {  	[spmem:s4] =	stream.indirect.scatter.add.f32 [tilespmem:s23], [sflag:$0x3], $0x1, s22, s16, $0xb8;
	[tilespmem:$0x1D100] =	vst v63  }
0xc3: {  	_ =	swait.ge [sflag:s14], $0x50  }
0xc4: {  	[sflag:s14] =	ssyncset.done $0x0  }
0xc5: {  	[sflag:s14] =	ssyncadd.s32 $0xFFFFFFB0  }
0xc6: {  	[bflag:$0x0] =	sbarrier.arrive $0xFFFF  }
0xc7: {  	[hbm:s10], [sflag:s8] =	dma.local [spmem:s13], $0x2780  }
0xc8: {  	s29 =	sadd.s32 $0x1, s29;
	_ =	swait.ge [sflag:s14], $0x2780  }
0xc9: {  	p0 =	sne.s32 s29, s12;
	[sflag:s14] =	ssyncset.done $0x0  }
.Ltmp1:
0xca: {  	[sflag:s14] =	ssyncadd.s32 $0xFFFFD880;
	(pc) =	sbr.rel @p0 .LBB2_1-.Ltmp1, $4  }
0xcb: {  	[hbm:s11@s26], [sflag:s8] =	dma.strided [spmem:s15@s28], $0x50, s21, $0x10   }
0xcc: {  	_ =	swait.ge [sflag:s14], $0x50  }
0xcd: {  	[sflag:s14] =	ssyncset.done $0x0  }
0xce: {  	[sflag:s14] =	ssyncadd.s32 $0xFFFFFFB0  }
0xcf: {  	_ =	sfence.sel $0x180000  }
0xd0: {  	[bflag:$0x0] =	sbarrier.arrive $0xFFFF  }
0xd1: {  	p0 =	sne.s32 s5, $0x0;
	_ =	strace $0x90000047  }
0xd2: {  	s0 =	sadd.s32 @!p0 $0x100000, s0;
	[bflag:$0x2] =	sbarrier.arrive $0xFFFF  }
0xd3: {  	[sflag:s0] =	ssyncadd.tile.s32 @!p0 $0x1;
	_ =	shalt  }
.Lfunc_end2:
_tile_overlayer_lowered:
.L_overlay_start_2:
0xd4: {  	(tag) =	ssettag $0x2  }
0xd5: {  	s0 =	rddreg [dreg:$0x0];
	s2 =	stileid.u32  }
0xd6: {  	s1 =	rddreg [dreg:$0x1];
	p0 =	sne.s32 s2, $0x0  }
0xd7: {  	s3 =	rddreg [dreg:$0x2];
	[bflag:$0x3] =	sbarrier.arrive $0xFFFF;
	s2 =	simm.s32 @!p0 $0x1C03  }
0xd8: {  	[timem:s3], [sflag:s2] =	dma.local @!p0 [hbm:s0], s1  }
0xd9: {  	s0 =	simm.s32 @!p0 $0x3  }
0xda: {  	_ =	swait.ge @!p0 [sflag:s0], s1  }
0xdb: {  	s1 =	ssub.s32 @!p0 $0x0, s1;
	[sflag:s0] =	ssyncset.done @!p0 $0x0  }
0xdc: {  	[sflag:s0] =	ssyncadd.s32 @!p0 s1  }
0xdd: {  	[bflag:$0x3] =	sbarrier.arrive $0xFFFF  }
0xde: {  	_ =	shalt  }

</sc_bundles>
